<compile_context>
chip_gen: v7x
topology: tpu7x:2x2x1
jax: 0.10.2.dev20260603
libtpu: 0.0.44.dev20260713+nightly
codegen_flags: <defaults>
</compile_context>

<pallas_src>
import functools

import jax
import jax.numpy as jnp
from jax import lax
from jax.experimental import pallas as pl
from jax.experimental.pallas import tpu as pltpu
from jax.experimental.pallas import tpu_sc as plsc

BATCH = 4
SEQ = 2048
D = 1024
NC = 2
NS = 16
NW = NC * NS
L = 16

POS_PER_W = SEQ // NW
CHUNK = 32
N_HALF = POS_PER_W // CHUNK
NCHUNK = N_HALF * BATCH
VECS = CHUNK * (D // L)

_mesh = plsc.VectorSubcoreMesh(core_axis_name="c", subcore_axis_name="s")


@functools.partial(
    pl.kernel,
    mesh=_mesh,
    out_type=jax.ShapeDtypeStruct((BATCH, SEQ, D), jnp.float32),
    scratch_types=[
        pltpu.VMEM((BATCH, POS_PER_W), jnp.int32),
        pltpu.VMEM((CHUNK, D), jnp.float32),
        pltpu.VMEM((CHUNK, D), jnp.float32),
        pltpu.VMEM((CHUNK, D), jnp.float32),
        pltpu.SemaphoreType.DMA,
        pltpu.SemaphoreType.DMA,
        pltpu.SemaphoreType.DMA,
    ],
)
def _embed(ids_hbm, wte_hbm, wpe_hbm, out_hbm, ids_v, rows_a, rows_b, wpe_v,
           sem_g, sem_s, sem_w):
    wid = lax.axis_index("s") * NC + lax.axis_index("c")
    p0 = wid * POS_PER_W

    id_copies = [
        pltpu.async_copy(ids_hbm.at[b, pl.ds(p0, POS_PER_W)], ids_v.at[b],
                         sem_w)
        for b in range(BATCH)
    ]
    for c in id_copies:
        c.wait()

    rows = [rows_a, rows_b]

    def start_wpe(h):
        return pltpu.async_copy(
            wpe_hbm.at[pl.ds(p0 + h * CHUNK, CHUNK)], wpe_v, sem_w)

    def chunk_coords(t):
        h, b = divmod(t, BATCH)
        return h, b

    def start_gather(t):
        h, b = chunk_coords(t)
        return pltpu.async_copy(
            wte_hbm.at[ids_v.at[b, pl.ds(h * CHUNK, CHUNK)]],
            rows[t % 2], sem_g)

    def start_store(t):
        h, b = chunk_coords(t)
        return pltpu.async_copy(
            rows[t % 2], out_hbm.at[b, pl.ds(p0 + h * CHUNK, CHUNK)], sem_s)

    gathers = [None] * NCHUNK
    stores = [None] * NCHUNK

    gathers[0] = start_gather(0)
    gathers[1] = start_gather(1)
    wpe_pending = start_wpe(0)
    for t in range(NCHUNK):
        if 0 < t and t + 1 < NCHUNK:
            stores[t - 1].wait()
            gathers[t + 1] = start_gather(t + 1)
        gathers[t].wait()
        h, b = chunk_coords(t)
        if b == 0:
            wpe_pending.wait()
        buf = rows[t % 2]

        def add_body(k, carry):
            i = k >> 6
            j = pl.multiple_of((k & 63) << 4, L)
            plsc.addupdate(buf.at[i, pl.ds(j, L)], wpe_v[i, pl.ds(j, L)])
            return carry

        lax.fori_loop(0, VECS, add_body, 0, unroll=8)
        if b == BATCH - 1 and h + 1 < N_HALF:
            wpe_pending = start_wpe(h + 1)
        stores[t] = start_store(t)
    stores[NCHUNK - 2].wait()
    stores[NCHUNK - 1].wait()


def kernel(input_ids, wte, wpe):
    return _embed(input_ids.astype(jnp.int32), wte, wpe)

# --- scband reference (transcript-rebuilt; emitter-appended) ---
"""Pipeline reference for scband-gpt2-embeddings-56006373540307 (READ-ONLY COPY).

The authoritative reference and input builder live on the scoring server;
editing this copy changes nothing except your own understanding.
"""

import jax, jax.numpy as jnp
import numpy as np

VOCAB_SIZE = 50257
N_EMBD = 1024
N_POSITIONS = 2048
BATCH = 4
SEQ_LEN = 2048


def setup_inputs(seed: int = 0) -> dict:
    key = jax.random.key(seed)
    k1, k2, k3 = jax.random.split(key, 3)
    input_ids = jax.random.randint(k1, (BATCH, SEQ_LEN), 0, VOCAB_SIZE, dtype=jnp.int64 if jax.config.read('jax_enable_x64') else jnp.int32)
    wte = jax.random.normal(k2, (VOCAB_SIZE, N_EMBD), dtype=jnp.float32) * 0.02
    wpe = jax.random.normal(k3, (N_POSITIONS, N_EMBD), dtype=jnp.float32) * 0.02
    return {"input_ids": input_ids, "wte": wte, "wpe": wpe}


def reference(input_ids, wte, wpe):
    input_shape = input_ids.shape
    flat_ids = input_ids.reshape(-1, input_shape[-1])
    past_length = 0
    position_ids = jnp.arange(past_length, input_shape[-1] + past_length, dtype=jnp.int32)
    position_ids = position_ids[None, :].reshape(-1, input_shape[-1])
    inputs_embeds = jnp.take(wte, flat_ids, axis=0)
    position_embeds = jnp.take(wpe, position_ids, axis=0)
    hidden_states = inputs_embeds + position_embeds
    return hidden_states

if __name__ == "__main__":
    import jax
    _d = setup_inputs()
    print(jax.jit(kernel)(*tuple(_d.values())))

</pallas_src>

<mosaic_0001>
#map = affine_map<(d0, d1) -> (0, 0)>
#map1 = affine_map<(d0, d1) -> (0, 0, 0)>
module attributes {stable_mosaic.version = 14 : i64} {
  func.func @_embed(%arg0: i32, %arg1: i32, %arg2: memref<4x2048xi32, #tpu.memory_space<hbm>>, %arg3: memref<50257x1024xf32, #tpu.memory_space<hbm>>, %arg4: memref<2048x1024xf32, #tpu.memory_space<hbm>>, %arg5: memref<4x2048x1024xf32, #tpu.memory_space<hbm>>, %arg6: memref<4x64xi32, #tpu.memory_space<vmem>>, %arg7: memref<32x1024xf32, #tpu.memory_space<vmem>>, %arg8: memref<32x1024xf32, #tpu.memory_space<vmem>>, %arg9: memref<32x1024xf32, #tpu.memory_space<vmem>>, %arg10: memref<!tpu.dma_semaphore, #tpu.memory_space<semaphore_mem>>, %arg11: memref<!tpu.dma_semaphore, #tpu.memory_space<semaphore_mem>>, %arg12: memref<!tpu.dma_semaphore, #tpu.memory_space<semaphore_mem>>) attributes {dimension_semantics = [#tpu.dimension_semantics<core_parallel>, #tpu.dimension_semantics<subcore_parallel>], iteration_bounds = array<i64: 2, 16>, scalar_prefetch = 0 : i64, scratch_operands = 7 : i64, tpu.core_type = #tpu.core_type<sc_vector_subcore>, window_params = [{transform_indices = #map}, {transform_indices = #map}, {transform_indices = #map}, {transform_indices = #map1}]} {
    %mul3A = arith.constant 2 : i32
    %mul3A_0 = arith.muli %arg1, %mul3A : i32
    %add3A = arith.addi %mul3A_0, %arg0 : i32
    %mul3A_1 = arith.constant 64 : i32
    %mul3A_2 = arith.muli %add3A, %mul3A_1 : i32
    %dma_start3A = arith.constant 0 : i32
    %dma_start3A_3 = arith.constant 0 : i32
    %dma_start3A_4 = arith.constant 0 : i32
    %dma_start3A_5 = tpu.memref_slice %arg6[%dma_start3A_3, %dma_start3A_4] : memref<4x64xi32, #tpu.memory_space<vmem>> -> memref<1x64xi32, #tpu.memory_space<vmem>>
    %dma_start3A_6 = tpu.memref_squeeze %dma_start3A_5 : memref<1x64xi32, #tpu.memory_space<vmem>> -> memref<64xi32, #tpu.memory_space<vmem>>
    %dma_start3A_7 = tpu.memref_slice %arg2[%dma_start3A, %mul3A_2] : memref<4x2048xi32, #tpu.memory_space<hbm>> -> memref<1x64xi32, #tpu.memory_space<hbm>>
    %dma_start3A_8 = tpu.memref_squeeze %dma_start3A_7 : memref<1x64xi32, #tpu.memory_space<hbm>> -> memref<64xi32, #tpu.memory_space<hbm>>
    %dma_start3A_9 = arith.constant 0 : i32
    %dma_start3A_10 = tpu.memref_slice %arg6[%dma_start3A_3, %dma_start3A_9] : memref<4x64xi32, #tpu.memory_space<vmem>> -> memref<1x64xi32, #tpu.memory_space<vmem>>
    %dma_start3A_11 = tpu.memref_squeeze %dma_start3A_10 : memref<1x64xi32, #tpu.memory_space<vmem>> -> memref<64xi32, #tpu.memory_space<vmem>>
    %dma_start3A_12 = tpu.memref_slice %arg2[%dma_start3A, %mul3A_2] : memref<4x2048xi32, #tpu.memory_space<hbm>> -> memref<1x64xi32, #tpu.memory_space<hbm>>
    %dma_start3A_13 = tpu.memref_squeeze %dma_start3A_12 : memref<1x64xi32, #tpu.memory_space<hbm>> -> memref<64xi32, #tpu.memory_space<hbm>>
    tpu.enqueue_dma source(%dma_start3A_13 : memref<64xi32, #tpu.memory_space<hbm>>) target(%dma_start3A_11 : memref<64xi32, #tpu.memory_space<vmem>>) target_semaphore(%arg12 : memref<!tpu.dma_semaphore, #tpu.memory_space<semaphore_mem>>)
    %dma_start3A_14 = arith.constant 1 : i32
    %dma_start3A_15 = arith.constant 1 : i32
    %dma_start3A_16 = arith.constant 0 : i32
    %dma_start3A_17 = tpu.memref_slice %arg6[%dma_start3A_15, %dma_start3A_16] : memref<4x64xi32, #tpu.memory_space<vmem>> -> memref<1x64xi32, #tpu.memory_space<vmem>>
    %dma_start3A_18 = tpu.memref_squeeze %dma_start3A_17 : memref<1x64xi32, #tpu.memory_space<vmem>> -> memref<64xi32, #tpu.memory_space<vmem>>
    %dma_start3A_19 = tpu.memref_slice %arg2[%dma_start3A_14, %mul3A_2] : memref<4x2048xi32, #tpu.memory_space<hbm>> -> memref<1x64xi32, #tpu.memory_space<hbm>>
    %dma_start3A_20 = tpu.memref_squeeze %dma_start3A_19 : memref<1x64xi32, #tpu.memory_space<hbm>> -> memref<64xi32, #tpu.memory_space<hbm>>
    %dma_start3A_21 = arith.constant 0 : i32
    %dma_start3A_22 = tpu.memref_slice %arg6[%dma_start3A_15, %dma_start3A_21] : memref<4x64xi32, #tpu.memory_space<vmem>> -> memref<1x64xi32, #tpu.memory_space<vmem>>
    %dma_start3A_23 = tpu.memref_squeeze %dma_start3A_22 : memref<1x64xi32, #tpu.memory_space<vmem>> -> memref<64xi32, #tpu.memory_space<vmem>>
    %dma_start3A_24 = tpu.memref_slice %arg2[%dma_start3A_14, %mul3A_2] : memref<4x2048xi32, #tpu.memory_space<hbm>> -> memref<1x64xi32, #tpu.memory_space<hbm>>
    %dma_start3A_25 = tpu.memref_squeeze %dma_start3A_24 : memref<1x64xi32, #tpu.memory_space<hbm>> -> memref<64xi32, #tpu.memory_space<hbm>>
    tpu.enqueue_dma source(%dma_start3A_25 : memref<64xi32, #tpu.memory_space<hbm>>) target(%dma_start3A_23 : memref<64xi32, #tpu.memory_space<vmem>>) target_semaphore(%arg12 : memref<!tpu.dma_semaphore, #tpu.memory_space<semaphore_mem>>)
    %dma_start3A_26 = arith.constant 2 : i32
    %dma_start3A_27 = arith.constant 2 : i32
    %dma_start3A_28 = arith.constant 0 : i32
    %dma_start3A_29 = tpu.memref_slice %arg6[%dma_start3A_27, %dma_start3A_28] : memref<4x64xi32, #tpu.memory_space<vmem>> -> memref<1x64xi32, #tpu.memory_space<vmem>>
    %dma_start3A_30 = tpu.memref_squeeze %dma_start3A_29 : memref<1x64xi32, #tpu.memory_space<vmem>> -> memref<64xi32, #tpu.memory_space<vmem>>
    %dma_start3A_31 = tpu.memref_slice %arg2[%dma_start3A_26, %mul3A_2] : memref<4x2048xi32, #tpu.memory_space<hbm>> -> memref<1x64xi32, #tpu.memory_space<hbm>>
    %dma_start3A_32 = tpu.memref_squeeze %dma_start3A_31 : memref<1x64xi32, #tpu.memory_space<hbm>> -> memref<64xi32, #tpu.memory_space<hbm>>
    %dma_start3A_33 = arith.constant 0 : i32
    %dma_start3A_34 = tpu.memref_slice %arg6[%dma_start3A_27, %dma_start3A_33] : memref<4x64xi32, #tpu.memory_space<vmem>> -> memref<1x64xi32, #tpu.memory_space<vmem>>
    %dma_start3A_35 = tpu.memref_squeeze %dma_start3A_34 : memref<1x64xi32, #tpu.memory_space<vmem>> -> memref<64xi32, #tpu.memory_space<vmem>>
    %dma_start3A_36 = tpu.memref_slice %arg2[%dma_start3A_26, %mul3A_2] : memref<4x2048xi32, #tpu.memory_space<hbm>> -> memref<1x64xi32, #tpu.memory_space<hbm>>
    %dma_start3A_37 = tpu.memref_squeeze %dma_start3A_36 : memref<1x64xi32, #tpu.memory_space<hbm>> -> memref<64xi32, #tpu.memory_space<hbm>>
    tpu.enqueue_dma source(%dma_start3A_37 : memref<64xi32, #tpu.memory_space<hbm>>) target(%dma_start3A_35 : memref<64xi32, #tpu.memory_space<vmem>>) target_semaphore(%arg12 : memref<!tpu.dma_semaphore, #tpu.memory_space<semaphore_mem>>)
    %dma_start3A_38 = arith.constant 3 : i32
    %dma_start3A_39 = arith.constant 3 : i32
    %dma_start3A_40 = arith.constant 0 : i32
    %dma_start3A_41 = tpu.memref_slice %arg6[%dma_start3A_39, %dma_start3A_40] : memref<4x64xi32, #tpu.memory_space<vmem>> -> memref<1x64xi32, #tpu.memory_space<vmem>>
    %dma_start3A_42 = tpu.memref_squeeze %dma_start3A_41 : memref<1x64xi32, #tpu.memory_space<vmem>> -> memref<64xi32, #tpu.memory_space<vmem>>
    %dma_start3A_43 = tpu.memref_slice %arg2[%dma_start3A_38, %mul3A_2] : memref<4x2048xi32, #tpu.memory_space<hbm>> -> memref<1x64xi32, #tpu.memory_space<hbm>>
    %dma_start3A_44 = tpu.memref_squeeze %dma_start3A_43 : memref<1x64xi32, #tpu.memory_space<hbm>> -> memref<64xi32, #tpu.memory_space<hbm>>
    %dma_start3A_45 = arith.constant 0 : i32
    %dma_start3A_46 = tpu.memref_slice %arg6[%dma_start3A_39, %dma_start3A_45] : memref<4x64xi32, #tpu.memory_space<vmem>> -> memref<1x64xi32, #tpu.memory_space<vmem>>
    %dma_start3A_47 = tpu.memref_squeeze %dma_start3A_46 : memref<1x64xi32, #tpu.memory_space<vmem>> -> memref<64xi32, #tpu.memory_space<vmem>>
    %dma_start3A_48 = tpu.memref_slice %arg2[%dma_start3A_38, %mul3A_2] : memref<4x2048xi32, #tpu.memory_space<hbm>> -> memref<1x64xi32, #tpu.memory_space<hbm>>
    %dma_start3A_49 = tpu.memref_squeeze %dma_start3A_48 : memref<1x64xi32, #tpu.memory_space<hbm>> -> memref<64xi32, #tpu.memory_space<hbm>>
    tpu.enqueue_dma source(%dma_start3A_49 : memref<64xi32, #tpu.memory_space<hbm>>) target(%dma_start3A_47 : memref<64xi32, #tpu.memory_space<vmem>>) target_semaphore(%arg12 : memref<!tpu.dma_semaphore, #tpu.memory_space<semaphore_mem>>)
    %dma_wait3A = arith.constant 0 : i32
    %dma_wait3A_50 = arith.constant 0 : i32
    %dma_wait3A_51 = arith.constant 0 : i32
    %dma_wait3A_52 = tpu.memref_slice %arg6[%dma_wait3A_50, %dma_wait3A_51] : memref<4x64xi32, #tpu.memory_space<vmem>> -> memref<1x64xi32, #tpu.memory_space<vmem>>
    %dma_wait3A_53 = tpu.memref_squeeze %dma_wait3A_52 : memref<1x64xi32, #tpu.memory_space<vmem>> -> memref<64xi32, #tpu.memory_space<vmem>>
    %dma_wait3A_54 = tpu.memref_slice %arg2[%dma_wait3A, %mul3A_2] : memref<4x2048xi32, #tpu.memory_space<hbm>> -> memref<1x64xi32, #tpu.memory_space<hbm>>
    %dma_wait3A_55 = tpu.memref_squeeze %dma_wait3A_54 : memref<1x64xi32, #tpu.memory_space<hbm>> -> memref<64xi32, #tpu.memory_space<hbm>>
    %dma_wait3A_56 = arith.constant 0 : i32
    %dma_wait3A_57 = tpu.memref_slice %arg6[%dma_wait3A_50, %dma_wait3A_56] : memref<4x64xi32, #tpu.memory_space<vmem>> -> memref<1x64xi32, #tpu.memory_space<vmem>>
    %dma_wait3A_58 = tpu.memref_squeeze %dma_wait3A_57 : memref<1x64xi32, #tpu.memory_space<vmem>> -> memref<64xi32, #tpu.memory_space<vmem>>
    %dma_wait3A_59 = tpu.memref_slice %arg2[%dma_wait3A, %mul3A_2] : memref<4x2048xi32, #tpu.memory_space<hbm>> -> memref<1x64xi32, #tpu.memory_space<hbm>>
    %dma_wait3A_60 = tpu.memref_squeeze %dma_wait3A_59 : memref<1x64xi32, #tpu.memory_space<hbm>> -> memref<64xi32, #tpu.memory_space<hbm>>
    tpu.wait_dma2 semaphore(%arg12 : memref<!tpu.dma_semaphore, #tpu.memory_space<semaphore_mem>>) src(%dma_wait3A_60 : memref<64xi32, #tpu.memory_space<hbm>>) dst(%dma_wait3A_58 : memref<64xi32, #tpu.memory_space<vmem>>)
    %dma_wait3A_61 = arith.constant 1 : i32
    %dma_wait3A_62 = arith.constant 1 : i32
    %dma_wait3A_63 = arith.constant 0 : i32
    %dma_wait3A_64 = tpu.memref_slice %arg6[%dma_wait3A_62, %dma_wait3A_63] : memref<4x64xi32, #tpu.memory_space<vmem>> -> memref<1x64xi32, #tpu.memory_space<vmem>>
    %dma_wait3A_65 = tpu.memref_squeeze %dma_wait3A_64 : memref<1x64xi32, #tpu.memory_space<vmem>> -> memref<64xi32, #tpu.memory_space<vmem>>
    %dma_wait3A_66 = tpu.memref_slice %arg2[%dma_wait3A_61, %mul3A_2] : memref<4x2048xi32, #tpu.memory_space<hbm>> -> memref<1x64xi32, #tpu.memory_space<hbm>>
    %dma_wait3A_67 = tpu.memref_squeeze %dma_wait3A_66 : memref<1x64xi32, #tpu.memory_space<hbm>> -> memref<64xi32, #tpu.memory_space<hbm>>
    %dma_wait3A_68 = arith.constant 0 : i32
    %dma_wait3A_69 = tpu.memref_slice %arg6[%dma_wait3A_62, %dma_wait3A_68] : memref<4x64xi32, #tpu.memory_space<vmem>> -> memref<1x64xi32, #tpu.memory_space<vmem>>
    %dma_wait3A_70 = tpu.memref_squeeze %dma_wait3A_69 : memref<1x64xi32, #tpu.memory_space<vmem>> -> memref<64xi32, #tpu.memory_space<vmem>>
    %dma_wait3A_71 = tpu.memref_slice %arg2[%dma_wait3A_61, %mul3A_2] : memref<4x2048xi32, #tpu.memory_space<hbm>> -> memref<1x64xi32, #tpu.memory_space<hbm>>
    %dma_wait3A_72 = tpu.memref_squeeze %dma_wait3A_71 : memref<1x64xi32, #tpu.memory_space<hbm>> -> memref<64xi32, #tpu.memory_space<hbm>>
    tpu.wait_dma2 semaphore(%arg12 : memref<!tpu.dma_semaphore, #tpu.memory_space<semaphore_mem>>) src(%dma_wait3A_72 : memref<64xi32, #tpu.memory_space<hbm>>) dst(%dma_wait3A_70 : memref<64xi32, #tpu.memory_space<vmem>>)
    %dma_wait3A_73 = arith.constant 2 : i32
    %dma_wait3A_74 = arith.constant 2 : i32
    %dma_wait3A_75 = arith.constant 0 : i32
    %dma_wait3A_76 = tpu.memref_slice %arg6[%dma_wait3A_74, %dma_wait3A_75] : memref<4x64xi32, #tpu.memory_space<vmem>> -> memref<1x64xi32, #tpu.memory_space<vmem>>
    %dma_wait3A_77 = tpu.memref_squeeze %dma_wait3A_76 : memref<1x64xi32, #tpu.memory_space<vmem>> -> memref<64xi32, #tpu.memory_space<vmem>>
    %dma_wait3A_78 = tpu.memref_slice %arg2[%dma_wait3A_73, %mul3A_2] : memref<4x2048xi32, #tpu.memory_space<hbm>> -> memref<1x64xi32, #tpu.memory_space<hbm>>
    %dma_wait3A_79 = tpu.memref_squeeze %dma_wait3A_78 : memref<1x64xi32, #tpu.memory_space<hbm>> -> memref<64xi32, #tpu.memory_space<hbm>>
    %dma_wait3A_80 = arith.constant 0 : i32
    %dma_wait3A_81 = tpu.memref_slice %arg6[%dma_wait3A_74, %dma_wait3A_80] : memref<4x64xi32, #tpu.memory_space<vmem>> -> memref<1x64xi32, #tpu.memory_space<vmem>>
    %dma_wait3A_82 = tpu.memref_squeeze %dma_wait3A_81 : memref<1x64xi32, #tpu.memory_space<vmem>> -> memref<64xi32, #tpu.memory_space<vmem>>
    %dma_wait3A_83 = tpu.memref_slice %arg2[%dma_wait3A_73, %mul3A_2] : memref<4x2048xi32, #tpu.memory_space<hbm>> -> memref<1x64xi32, #tpu.memory_space<hbm>>
    %dma_wait3A_84 = tpu.memref_squeeze %dma_wait3A_83 : memref<1x64xi32, #tpu.memory_space<hbm>> -> memref<64xi32, #tpu.memory_space<hbm>>
    tpu.wait_dma2 semaphore(%arg12 : memref<!tpu.dma_semaphore, #tpu.memory_space<semaphore_mem>>) src(%dma_wait3A_84 : memref<64xi32, #tpu.memory_space<hbm>>) dst(%dma_wait3A_82 : memref<64xi32, #tpu.memory_space<vmem>>)
    %dma_wait3A_85 = arith.constant 3 : i32
    %dma_wait3A_86 = arith.constant 3 : i32
    %dma_wait3A_87 = arith.constant 0 : i32
    %dma_wait3A_88 = tpu.memref_slice %arg6[%dma_wait3A_86, %dma_wait3A_87] : memref<4x64xi32, #tpu.memory_space<vmem>> -> memref<1x64xi32, #tpu.memory_space<vmem>>
    %dma_wait3A_89 = tpu.memref_squeeze %dma_wait3A_88 : memref<1x64xi32, #tpu.memory_space<vmem>> -> memref<64xi32, #tpu.memory_space<vmem>>
    %dma_wait3A_90 = tpu.memref_slice %arg2[%dma_wait3A_85, %mul3A_2] : memref<4x2048xi32, #tpu.memory_space<hbm>> -> memref<1x64xi32, #tpu.memory_space<hbm>>
    %dma_wait3A_91 = tpu.memref_squeeze %dma_wait3A_90 : memref<1x64xi32, #tpu.memory_space<hbm>> -> memref<64xi32, #tpu.memory_space<hbm>>
    %dma_wait3A_92 = arith.constant 0 : i32
    %dma_wait3A_93 = tpu.memref_slice %arg6[%dma_wait3A_86, %dma_wait3A_92] : memref<4x64xi32, #tpu.memory_space<vmem>> -> memref<1x64xi32, #tpu.memory_space<vmem>>
    %dma_wait3A_94 = tpu.memref_squeeze %dma_wait3A_93 : memref<1x64xi32, #tpu.memory_space<vmem>> -> memref<64xi32, #tpu.memory_space<vmem>>
    %dma_wait3A_95 = tpu.memref_slice %arg2[%dma_wait3A_85, %mul3A_2] : memref<4x2048xi32, #tpu.memory_space<hbm>> -> memref<1x64xi32, #tpu.memory_space<hbm>>
    %dma_wait3A_96 = tpu.memref_squeeze %dma_wait3A_95 : memref<1x64xi32, #tpu.memory_space<hbm>> -> memref<64xi32, #tpu.memory_space<hbm>>
    tpu.wait_dma2 semaphore(%arg12 : memref<!tpu.dma_semaphore, #tpu.memory_space<semaphore_mem>>) src(%dma_wait3A_96 : memref<64xi32, #tpu.memory_space<hbm>>) dst(%dma_wait3A_94 : memref<64xi32, #tpu.memory_space<vmem>>)
    %dma_start3A_97 = arith.constant 0 : i32
    %dma_start3A_98 = arith.constant 0 : i32
    %dma_start3A_99 = tpu.memref_slice %arg6[%dma_start3A_97, %dma_start3A_98] : memref<4x64xi32, #tpu.memory_space<vmem>> -> memref<1x32xi32, #tpu.memory_space<vmem>>
    %dma_start3A_100 = tpu.memref_squeeze %dma_start3A_99 : memref<1x32xi32, #tpu.memory_space<vmem>> -> memref<32xi32, #tpu.memory_space<vmem>>
    %dma_start3A_101 = arith.constant 0 : i32
    %dma_start3A_102 = arith.constant 0 : i32
    %dma_start3A_103 = tpu.memref_slice %arg3[%dma_start3A_101, %dma_start3A_102] : memref<50257x1024xf32, #tpu.memory_space<hbm>> -> memref<50257x1024xf32, #tpu.memory_space<hbm>>
    tpu.enqueue_indirect_dma source(%dma_start3A_103 : memref<50257x1024xf32, #tpu.memory_space<hbm>>) target(%arg7 : memref<32x1024xf32, #tpu.memory_space<vmem>>) offsets(%dma_start3A_100 : memref<32xi32, #tpu.memory_space<vmem>>) semaphore(%arg10 : memref<!tpu.dma_semaphore, #tpu.memory_space<semaphore_mem>>)
    %dma_start3A_104 = arith.constant 1 : i32
    %dma_start3A_105 = arith.constant 0 : i32
    %dma_start3A_106 = tpu.memref_slice %arg6[%dma_start3A_104, %dma_start3A_105] : memref<4x64xi32, #tpu.memory_space<vmem>> -> memref<1x32xi32, #tpu.memory_space<vmem>>
    %dma_start3A_107 = tpu.memref_squeeze %dma_start3A_106 : memref<1x32xi32, #tpu.memory_space<vmem>> -> memref<32xi32, #tpu.memory_space<vmem>>
    %dma_start3A_108 = arith.constant 0 : i32
    %dma_start3A_109 = arith.constant 0 : i32
    %dma_start3A_110 = tpu.memref_slice %arg3[%dma_start3A_108, %dma_start3A_109] : memref<50257x1024xf32, #tpu.memory_space<hbm>> -> memref<50257x1024xf32, #tpu.memory_space<hbm>>
    tpu.enqueue_indirect_dma source(%dma_start3A_110 : memref<50257x1024xf32, #tpu.memory_space<hbm>>) target(%arg8 : memref<32x1024xf32, #tpu.memory_space<vmem>>) offsets(%dma_start3A_107 : memref<32xi32, #tpu.memory_space<vmem>>) semaphore(%arg10 : memref<!tpu.dma_semaphore, #tpu.memory_space<semaphore_mem>>)
    %add3A_111 = arith.constant 0 : i32
    %add3A_112 = arith.addi %mul3A_2, %add3A_111 : i32
    %dma_start3A_113 = arith.constant 0 : i32
    %dma_start3A_114 = tpu.memref_slice %arg4[%add3A_112, %dma_start3A_113] : memref<2048x1024xf32, #tpu.memory_space<hbm>> -> memref<32x1024xf32, #tpu.memory_space<hbm>>
    %dma_start3A_115 = arith.constant 0 : i32
    %dma_start3A_116 = tpu.memref_slice %arg4[%add3A_112, %dma_start3A_115] : memref<2048x1024xf32, #tpu.memory_space<hbm>> -> memref<32x1024xf32, #tpu.memory_space<hbm>>
    tpu.enqueue_dma source(%dma_start3A_116 : memref<32x1024xf32, #tpu.memory_space<hbm>>) target(%arg9 : memref<32x1024xf32, #tpu.memory_space<vmem>>) target_semaphore(%arg12 : memref<!tpu.dma_semaphore, #tpu.memory_space<semaphore_mem>>)
    %dma_wait3A_117 = arith.constant 0 : i32
    %dma_wait3A_118 = arith.constant 0 : i32
    %dma_wait3A_119 = tpu.memref_slice %arg6[%dma_wait3A_117, %dma_wait3A_118] : memref<4x64xi32, #tpu.memory_space<vmem>> -> memref<1x32xi32, #tpu.memory_space<vmem>>
    %dma_wait3A_120 = tpu.memref_squeeze %dma_wait3A_119 : memref<1x32xi32, #tpu.memory_space<vmem>> -> memref<32xi32, #tpu.memory_space<vmem>>
    %dma_wait3A_121 = arith.constant 0 : i32
    %dma_wait3A_122 = arith.constant 0 : i32
    %dma_wait3A_123 = tpu.memref_slice %arg3[%dma_wait3A_121, %dma_wait3A_122] : memref<50257x1024xf32, #tpu.memory_space<hbm>> -> memref<50257x1024xf32, #tpu.memory_space<hbm>>
    tpu.wait_indirect_dma semaphore(%arg10 : memref<!tpu.dma_semaphore, #tpu.memory_space<semaphore_mem>>) src(%dma_wait3A_123 : memref<50257x1024xf32, #tpu.memory_space<hbm>>) dst(%arg7 : memref<32x1024xf32, #tpu.memory_space<vmem>>)
    %dma_wait3A_124 = arith.constant 0 : i32
    %dma_wait3A_125 = tpu.memref_slice %arg4[%add3A_112, %dma_wait3A_124] : memref<2048x1024xf32, #tpu.memory_space<hbm>> -> memref<32x1024xf32, #tpu.memory_space<hbm>>
    %dma_wait3A_126 = arith.constant 0 : i32
    %dma_wait3A_127 = tpu.memref_slice %arg4[%add3A_112, %dma_wait3A_126] : memref<2048x1024xf32, #tpu.memory_space<hbm>> -> memref<32x1024xf32, #tpu.memory_space<hbm>>
    tpu.wait_dma2 semaphore(%arg12 : memref<!tpu.dma_semaphore, #tpu.memory_space<semaphore_mem>>) src(%dma_wait3A_127 : memref<32x1024xf32, #tpu.memory_space<hbm>>) dst(%arg9 : memref<32x1024xf32, #tpu.memory_space<vmem>>)
    %scan3A = arith.constant 0 : i32
    %scan3A_128 = arith.constant 0 : i32
    %scan3A_129 = arith.constant 2048 : i32
    %scan3A_130 = arith.addi %scan3A_128, %scan3A_129 : i32
    %scan3A_131 = arith.constant 8 : i32
    scf.for %scan3A_404 = %scan3A_128 to %scan3A_130 step %scan3A_131  : i32 {
      %shift_right_arithmetic3A = arith.constant 6 : i32
      %shift_right_arithmetic3A_405 = arith.shrsi %scan3A_404, %shift_right_arithmetic3A : i32
      %and3A = arith.constant 63 : i32
      %and3A_406 = arith.andi %scan3A_404, %and3A : i32
      %shift_left3A = arith.constant 4 : i32
      %shift_left3A_407 = arith.shli %and3A_406, %shift_left3A : i32
      %multiple_of3A = tpu.assume_multiple %shift_left3A_407, 16 : i32
      %get3A = arith.index_cast %shift_right_arithmetic3A_405 : i32 to index
      %get3A_408 = arith.index_cast %multiple_of3A : i32 to index
      %get3A_409 = tpu.vector_load %arg9[%get3A, %get3A_408] {strides = array<i32>} : memref<32x1024xf32, #tpu.memory_space<vmem>>, vector<1x16xf32>,
      %get3A_410 = vector.shape_cast %get3A_409 : vector<1x16xf32> to vector<16xf32>
      %swap3A = arith.index_cast %shift_right_arithmetic3A_405 : i32 to index
      %swap3A_411 = arith.index_cast %multiple_of3A : i32 to index
      %swap3A_412 = tpu.vector_load %arg7[%swap3A, %swap3A_411] {strides = array<i32>} : memref<32x1024xf32, #tpu.memory_space<vmem>>, vector<1x16xf32>,
      %swap3A_413 = vector.shape_cast %swap3A_412 : vector<1x16xf32> to vector<16xf32>
      %swap3A_414 = vector.shape_cast %get3A_410 : vector<16xf32> to vector<1x16xf32>
      tpu.vector_store %arg7[%swap3A, %swap3A_411], %swap3A_414 {add = true, strides = array<i32>} : memref<32x1024xf32, #tpu.memory_space<vmem>>, vector<1x16xf32>,
      %scan3A_415 = arith.constant 1 : i32
      %scan3A_416 = arith.addi %scan3A_404, %scan3A_415 : i32
      %shift_right_arithmetic3A_417 = arith.constant 6 : i32
      %shift_right_arithmetic3A_418 = arith.shrsi %scan3A_416, %shift_right_arithmetic3A_417 : i32
      %and3A_419 = arith.constant 63 : i32
      %and3A_420 = arith.andi %scan3A_416, %and3A_419 : i32
      %shift_left3A_421 = arith.constant 4 : i32
      %shift_left3A_422 = arith.shli %and3A_420, %shift_left3A_421 : i32
      %multiple_of3A_423 = tpu.assume_multiple %shift_left3A_422, 16 : i32
      %get3A_424 = arith.index_cast %shift_right_arithmetic3A_418 : i32 to index
      %get3A_425 = arith.index_cast %multiple_of3A_423 : i32 to index
      %get3A_426 = tpu.vector_load %arg9[%get3A_424, %get3A_425] {strides = array<i32>} : memref<32x1024xf32, #tpu.memory_space<vmem>>, vector<1x16xf32>,
      %get3A_427 = vector.shape_cast %get3A_426 : vector<1x16xf32> to vector<16xf32>
      %swap3A_428 = arith.index_cast %shift_right_arithmetic3A_418 : i32 to index
      %swap3A_429 = arith.index_cast %multiple_of3A_423 : i32 to index
      %swap3A_430 = tpu.vector_load %arg7[%swap3A_428, %swap3A_429] {strides = array<i32>} : memref<32x1024xf32, #tpu.memory_space<vmem>>, vector<1x16xf32>,
      %swap3A_431 = vector.shape_cast %swap3A_430 : vector<1x16xf32> to vector<16xf32>
      %swap3A_432 = vector.shape_cast %get3A_427 : vector<16xf32> to vector<1x16xf32>
      tpu.vector_store %arg7[%swap3A_428, %swap3A_429], %swap3A_432 {add = true, strides = array<i32>} : memref<32x1024xf32, #tpu.memory_space<vmem>>, vector<1x16xf32>,
      %scan3A_433 = arith.constant 2 : i32
      %scan3A_434 = arith.addi %scan3A_404, %scan3A_433 : i32
      %shift_right_arithmetic3A_435 = arith.constant 6 : i32
      %shift_right_arithmetic3A_436 = arith.shrsi %scan3A_434, %shift_right_arithmetic3A_435 : i32
      %and3A_437 = arith.constant 63 : i32
      %and3A_438 = arith.andi %scan3A_434, %and3A_437 : i32
      %shift_left3A_439 = arith.constant 4 : i32
      %shift_left3A_440 = arith.shli %and3A_438, %shift_left3A_439 : i32
      %multiple_of3A_441 = tpu.assume_multiple %shift_left3A_440, 16 : i32
      %get3A_442 = arith.index_cast %shift_right_arithmetic3A_436 : i32 to index
      %get3A_443 = arith.index_cast %multiple_of3A_441 : i32 to index
      %get3A_444 = tpu.vector_load %arg9[%get3A_442, %get3A_443] {strides = array<i32>} : memref<32x1024xf32, #tpu.memory_space<vmem>>, vector<1x16xf32>,
      %get3A_445 = vector.shape_cast %get3A_444 : vector<1x16xf32> to vector<16xf32>
      %swap3A_446 = arith.index_cast %shift_right_arithmetic3A_436 : i32 to index
      %swap3A_447 = arith.index_cast %multiple_of3A_441 : i32 to index
      %swap3A_448 = tpu.vector_load %arg7[%swap3A_446, %swap3A_447] {strides = array<i32>} : memref<32x1024xf32, #tpu.memory_space<vmem>>, vector<1x16xf32>,
      %swap3A_449 = vector.shape_cast %swap3A_448 : vector<1x16xf32> to vector<16xf32>
      %swap3A_450 = vector.shape_cast %get3A_445 : vector<16xf32> to vector<1x16xf32>
      tpu.vector_store %arg7[%swap3A_446, %swap3A_447], %swap3A_450 {add = true, strides = array<i32>} : memref<32x1024xf32, #tpu.memory_space<vmem>>, vector<1x16xf32>,
      %scan3A_451 = arith.constant 3 : i32
      %scan3A_452 = arith.addi %scan3A_404, %scan3A_451 : i32
      %shift_right_arithmetic3A_453 = arith.constant 6 : i32
      %shift_right_arithmetic3A_454 = arith.shrsi %scan3A_452, %shift_right_arithmetic3A_453 : i32
      %and3A_455 = arith.constant 63 : i32
      %and3A_456 = arith.andi %scan3A_452, %and3A_455 : i32
      %shift_left3A_457 = arith.constant 4 : i32
      %shift_left3A_458 = arith.shli %and3A_456, %shift_left3A_457 : i32
      %multiple_of3A_459 = tpu.assume_multiple %shift_left3A_458, 16 : i32
      %get3A_460 = arith.index_cast %shift_right_arithmetic3A_454 : i32 to index
      %get3A_461 = arith.index_cast %multiple_of3A_459 : i32 to index
      %get3A_462 = tpu.vector_load %arg9[%get3A_460, %get3A_461] {strides = array<i32>} : memref<32x1024xf32, #tpu.memory_space<vmem>>, vector<1x16xf32>,
      %get3A_463 = vector.shape_cast %get3A_462 : vector<1x16xf32> to vector<16xf32>
      %swap3A_464 = arith.index_cast %shift_right_arithmetic3A_454 : i32 to index
      %swap3A_465 = arith.index_cast %multiple_of3A_459 : i32 to index
      %swap3A_466 = tpu.vector_load %arg7[%swap3A_464, %swap3A_465] {strides = array<i32>} : memref<32x1024xf32, #tpu.memory_space<vmem>>, vector<1x16xf32>,
      %swap3A_467 = vector.shape_cast %swap3A_466 : vector<1x16xf32> to vector<16xf32>
      %swap3A_468 = vector.shape_cast %get3A_463 : vector<16xf32> to vector<1x16xf32>
      tpu.vector_store %arg7[%swap3A_464, %swap3A_465], %swap3A_468 {add = true, strides = array<i32>} : memref<32x1024xf32, #tpu.memory_space<vmem>>, vector<1x16xf32>,
      %scan3A_469 = arith.constant 4 : i32
      %scan3A_470 = arith.addi %scan3A_404, %scan3A_469 : i32
      %shift_right_arithmetic3A_471 = arith.constant 6 : i32
      %shift_right_arithmetic3A_472 = arith.shrsi %scan3A_470, %shift_right_arithmetic3A_471 : i32
      %and3A_473 = arith.constant 63 : i32
      %and3A_474 = arith.andi %scan3A_470, %and3A_473 : i32
      %shift_left3A_475 = arith.constant 4 : i32
      %shift_left3A_476 = arith.shli %and3A_474, %shift_left3A_475 : i32
      %multiple_of3A_477 = tpu.assume_multiple %shift_left3A_476, 16 : i32
      %get3A_478 = arith.index_cast %shift_right_arithmetic3A_472 : i32 to index
      %get3A_479 = arith.index_cast %multiple_of3A_477 : i32 to index
      %get3A_480 = tpu.vector_load %arg9[%get3A_478, %get3A_479] {strides = array<i32>} : memref<32x1024xf32, #tpu.memory_space<vmem>>, vector<1x16xf32>,
      %get3A_481 = vector.shape_cast %get3A_480 : vector<1x16xf32> to vector<16xf32>
      %swap3A_482 = arith.index_cast %shift_right_arithmetic3A_472 : i32 to index
      %swap3A_483 = arith.index_cast %multiple_of3A_477 : i32 to index
      %swap3A_484 = tpu.vector_load %arg7[%swap3A_482, %swap3A_483] {strides = array<i32>} : memref<32x1024xf32, #tpu.memory_space<vmem>>, vector<1x16xf32>,
      %swap3A_485 = vector.shape_cast %swap3A_484 : vector<1x16xf32> to vector<16xf32>
      %swap3A_486 = vector.shape_cast %get3A_481 : vector<16xf32> to vector<1x16xf32>
      tpu.vector_store %arg7[%swap3A_482, %swap3A_483], %swap3A_486 {add = true, strides = array<i32>} : memref<32x1024xf32, #tpu.memory_space<vmem>>, vector<1x16xf32>,
      %scan3A_487 = arith.constant 5 : i32
      %scan3A_488 = arith.addi %scan3A_404, %scan3A_487 : i32
      %shift_right_arithmetic3A_489 = arith.constant 6 : i32
      %shift_right_arithmetic3A_490 = arith.shrsi %scan3A_488, %shift_right_arithmetic3A_489 : i32
      %and3A_491 = arith.constant 63 : i32
      %and3A_492 = arith.andi %scan3A_488, %and3A_491 : i32
      %shift_left3A_493 = arith.constant 4 : i32
      %shift_left3A_494 = arith.shli %and3A_492, %shift_left3A_493 : i32
      %multiple_of3A_495 = tpu.assume_multiple %shift_left3A_494, 16 : i32
      %get3A_496 = arith.index_cast %shift_right_arithmetic3A_490 : i32 to index
      %get3A_497 = arith.index_cast %multiple_of3A_495 : i32 to index
      %get3A_498 = tpu.vector_load %arg9[%get3A_496, %get3A_497] {strides = array<i32>} : memref<32x1024xf32, #tpu.memory_space<vmem>>, vector<1x16xf32>,
      %get3A_499 = vector.shape_cast %get3A_498 : vector<1x16xf32> to vector<16xf32>
      %swap3A_500 = arith.index_cast %shift_right_arithmetic3A_490 : i32 to index
      %swap3A_501 = arith.index_cast %multiple_of3A_495 : i32 to index
      %swap3A_502 = tpu.vector_load %arg7[%swap3A_500, %swap3A_501] {strides = array<i32>} : memref<32x1024xf32, #tpu.memory_space<vmem>>, vector<1x16xf32>,
      %swap3A_503 = vector.shape_cast %swap3A_502 : vector<1x16xf32> to vector<16xf32>
      %swap3A_504 = vector.shape_cast %get3A_499 : vector<16xf32> to vector<1x16xf32>
      tpu.vector_store %arg7[%swap3A_500, %swap3A_501], %swap3A_504 {add = true, strides = array<i32>} : memref<32x1024xf32, #tpu.memory_space<vmem>>, vector<1x16xf32>,
      %scan3A_505 = arith.constant 6 : i32
      %scan3A_506 = arith.addi %scan3A_404, %scan3A_505 : i32
      %shift_right_arithmetic3A_507 = arith.constant 6 : i32
      %shift_right_arithmetic3A_508 = arith.shrsi %scan3A_506, %shift_right_arithmetic3A_507 : i32
      %and3A_509 = arith.constant 63 : i32
      %and3A_510 = arith.andi %scan3A_506, %and3A_509 : i32
      %shift_left3A_511 = arith.constant 4 : i32
      %shift_left3A_512 = arith.shli %and3A_510, %shift_left3A_511 : i32
      %multiple_of3A_513 = tpu.assume_multiple %shift_left3A_512, 16 : i32
      %get3A_514 = arith.index_cast %shift_right_arithmetic3A_508 : i32 to index
      %get3A_515 = arith.index_cast %multiple_of3A_513 : i32 to index
      %get3A_516 = tpu.vector_load %arg9[%get3A_514, %get3A_515] {strides = array<i32>} : memref<32x1024xf32, #tpu.memory_space<vmem>>, vector<1x16xf32>,
      %get3A_517 = vector.shape_cast %get3A_516 : vector<1x16xf32> to vector<16xf32>
      %swap3A_518 = arith.index_cast %shift_right_arithmetic3A_508 : i32 to index
      %swap3A_519 = arith.index_cast %multiple_of3A_513 : i32 to index
      %swap3A_520 = tpu.vector_load %arg7[%swap3A_518, %swap3A_519] {strides = array<i32>} : memref<32x1024xf32, #tpu.memory_space<vmem>>, vector<1x16xf32>,
      %swap3A_521 = vector.shape_cast %swap3A_520 : vector<1x16xf32> to vector<16xf32>
      %swap3A_522 = vector.shape_cast %get3A_517 : vector<16xf32> to vector<1x16xf32>
      tpu.vector_store %arg7[%swap3A_518, %swap3A_519], %swap3A_522 {add = true, strides = array<i32>} : memref<32x1024xf32, #tpu.memory_space<vmem>>, vector<1x16xf32>,
      %scan3A_523 = arith.constant 7 : i32
      %scan3A_524 = arith.addi %scan3A_404, %scan3A_523 : i32
      %shift_right_arithmetic3A_525 = arith.constant 6 : i32
      %shift_right_arithmetic3A_526 = arith.shrsi %scan3A_524, %shift_right_arithmetic3A_525 : i32
      %and3A_527 = arith.constant 63 : i32
      %and3A_528 = arith.andi %scan3A_524, %and3A_527 : i32
      %shift_left3A_529 = arith.constant 4 : i32
      %shift_left3A_530 = arith.shli %and3A_528, %shift_left3A_529 : i32
      %multiple_of3A_531 = tpu.assume_multiple %shift_left3A_530, 16 : i32
      %get3A_532 = arith.index_cast %shift_right_arithmetic3A_526 : i32 to index
      %get3A_533 = arith.index_cast %multiple_of3A_531 : i32 to index
      %get3A_534 = tpu.vector_load %arg9[%get3A_532, %get3A_533] {strides = array<i32>} : memref<32x1024xf32, #tpu.memory_space<vmem>>, vector<1x16xf32>,
      %get3A_535 = vector.shape_cast %get3A_534 : vector<1x16xf32> to vector<16xf32>
      %swap3A_536 = arith.index_cast %shift_right_arithmetic3A_526 : i32 to index
      %swap3A_537 = arith.index_cast %multiple_of3A_531 : i32 to index
      %swap3A_538 = tpu.vector_load %arg7[%swap3A_536, %swap3A_537] {strides = array<i32>} : memref<32x1024xf32, #tpu.memory_space<vmem>>, vector<1x16xf32>,
      %swap3A_539 = vector.shape_cast %swap3A_538 : vector<1x16xf32> to vector<16xf32>
      %swap3A_540 = vector.shape_cast %get3A_535 : vector<16xf32> to vector<1x16xf32>
      tpu.vector_store %arg7[%swap3A_536, %swap3A_537], %swap3A_540 {add = true, strides = array<i32>} : memref<32x1024xf32, #tpu.memory_space<vmem>>, vector<1x16xf32>,
    }
    %scan3A_132 = arith.constant 2048 : i32
    %add3A_133 = arith.constant 0 : i32
    %add3A_134 = arith.addi %mul3A_2, %add3A_133 : i32
    %dma_start3A_135 = arith.constant 0 : i32
    %dma_start3A_136 = arith.constant 0 : i32
    %dma_start3A_137 = tpu.memref_slice %arg5[%dma_start3A_135, %add3A_134, %dma_start3A_136] : memref<4x2048x1024xf32, #tpu.memory_space<hbm>> -> memref<1x32x1024xf32, #tpu.memory_space<hbm>>
    %dma_start3A_138 = tpu.memref_squeeze %dma_start3A_137 : memref<1x32x1024xf32, #tpu.memory_space<hbm>> -> memref<32x1024xf32, #tpu.memory_space<hbm>>
    %dma_start3A_139 = arith.constant 0 : i32
    %dma_start3A_140 = tpu.memref_slice %arg5[%dma_start3A_135, %add3A_134, %dma_start3A_139] : memref<4x2048x1024xf32, #tpu.memory_space<hbm>> -> memref<1x32x1024xf32, #tpu.memory_space<hbm>>
    %dma_start3A_141 = tpu.memref_squeeze %dma_start3A_140 : memref<1x32x1024xf32, #tpu.memory_space<hbm>> -> memref<32x1024xf32, #tpu.memory_space<hbm>>
    tpu.enqueue_dma source(%arg7 : memref<32x1024xf32, #tpu.memory_space<vmem>>) target(%dma_start3A_141 : memref<32x1024xf32, #tpu.memory_space<hbm>>) target_semaphore(%arg11 : memref<!tpu.dma_semaphore, #tpu.memory_space<semaphore_mem>>)
    %dma_wait3A_142 = arith.constant 0 : i32
    %dma_wait3A_143 = arith.constant 0 : i32
    %dma_wait3A_144 = tpu.memref_slice %arg5[%dma_wait3A_142, %add3A_134, %dma_wait3A_143] : memref<4x2048x1024xf32, #tpu.memory_space<hbm>> -> memref<1x32x1024xf32, #tpu.memory_space<hbm>>
    %dma_wait3A_145 = tpu.memref_squeeze %dma_wait3A_144 : memref<1x32x1024xf32, #tpu.memory_space<hbm>> -> memref<32x1024xf32, #tpu.memory_space<hbm>>
    %dma_wait3A_146 = arith.constant 0 : i32
    %dma_wait3A_147 = tpu.memref_slice %arg5[%dma_wait3A_142, %add3A_134, %dma_wait3A_146] : memref<4x2048x1024xf32, #tpu.memory_space<hbm>> -> memref<1x32x1024xf32, #tpu.memory_space<hbm>>
    %dma_wait3A_148 = tpu.memref_squeeze %dma_wait3A_147 : memref<1x32x1024xf32, #tpu.memory_space<hbm>> -> memref<32x1024xf32, #tpu.memory_space<hbm>>
    tpu.wait_dma2 semaphore(%arg11 : memref<!tpu.dma_semaphore, #tpu.memory_space<semaphore_mem>>) src(%arg7 : memref<32x1024xf32, #tpu.memory_space<vmem>>) dst(%dma_wait3A_148 : memref<32x1024xf32, #tpu.memory_space<hbm>>)
    %dma_start3A_149 = arith.constant 2 : i32
    %dma_start3A_150 = arith.constant 0 : i32
    %dma_start3A_151 = tpu.memref_slice %arg6[%dma_start3A_149, %dma_start3A_150] : memref<4x64xi32, #tpu.memory_space<vmem>> -> memref<1x32xi32, #tpu.memory_space<vmem>>
    %dma_start3A_152 = tpu.memref_squeeze %dma_start3A_151 : memref<1x32xi32, #tpu.memory_space<vmem>> -> memref<32xi32, #tpu.memory_space<vmem>>
    %dma_start3A_153 = arith.constant 0 : i32
    %dma_start3A_154 = arith.constant 0 : i32
    %dma_start3A_155 = tpu.memref_slice %arg3[%dma_start3A_153, %dma_start3A_154] : memref<50257x1024xf32, #tpu.memory_space<hbm>> -> memref<50257x1024xf32, #tpu.memory_space<hbm>>
    tpu.enqueue_indirect_dma source(%dma_start3A_155 : memref<50257x1024xf32, #tpu.memory_space<hbm>>) target(%arg7 : memref<32x1024xf32, #tpu.memory_space<vmem>>) offsets(%dma_start3A_152 : memref<32xi32, #tpu.memory_space<vmem>>) semaphore(%arg10 : memref<!tpu.dma_semaphore, #tpu.memory_space<semaphore_mem>>)
    %dma_wait3A_156 = arith.constant 1 : i32
    %dma_wait3A_157 = arith.constant 0 : i32
    %dma_wait3A_158 = tpu.memref_slice %arg6[%dma_wait3A_156, %dma_wait3A_157] : memref<4x64xi32, #tpu.memory_space<vmem>> -> memref<1x32xi32, #tpu.memory_space<vmem>>
    %dma_wait3A_159 = tpu.memref_squeeze %dma_wait3A_158 : memref<1x32xi32, #tpu.memory_space<vmem>> -> memref<32xi32, #tpu.memory_space<vmem>>
    %dma_wait3A_160 = arith.constant 0 : i32
    %dma_wait3A_161 = arith.constant 0 : i32
    %dma_wait3A_162 = tpu.memref_slice %arg3[%dma_wait3A_160, %dma_wait3A_161] : memref<50257x1024xf32, #tpu.memory_space<hbm>> -> memref<50257x1024xf32, #tpu.memory_space<hbm>>
    tpu.wait_indirect_dma semaphore(%arg10 : memref<!tpu.dma_semaphore, #tpu.memory_space<semaphore_mem>>) src(%dma_wait3A_162 : memref<50257x1024xf32, #tpu.memory_space<hbm>>) dst(%arg8 : memref<32x1024xf32, #tpu.memory_space<vmem>>)
    %scan3A_163 = arith.constant 0 : i32
    %scan3A_164 = arith.constant 0 : i32
    %scan3A_165 = arith.constant 2048 : i32
    %scan3A_166 = arith.addi %scan3A_164, %scan3A_165 : i32
    %scan3A_167 = arith.constant 8 : i32
    scf.for %scan3A_404 = %scan3A_164 to %scan3A_166 step %scan3A_167  : i32 {
      %shift_right_arithmetic3A = arith.constant 6 : i32
      %shift_right_arithmetic3A_405 = arith.shrsi %scan3A_404, %shift_right_arithmetic3A : i32
      %and3A = arith.constant 63 : i32
      %and3A_406 = arith.andi %scan3A_404, %and3A : i32
      %shift_left3A = arith.constant 4 : i32
      %shift_left3A_407 = arith.shli %and3A_406, %shift_left3A : i32
      %multiple_of3A = tpu.assume_multiple %shift_left3A_407, 16 : i32
      %get3A = arith.index_cast %shift_right_arithmetic3A_405 : i32 to index
      %get3A_408 = arith.index_cast %multiple_of3A : i32 to index
      %get3A_409 = tpu.vector_load %arg9[%get3A, %get3A_408] {strides = array<i32>} : memref<32x1024xf32, #tpu.memory_space<vmem>>, vector<1x16xf32>,
      %get3A_410 = vector.shape_cast %get3A_409 : vector<1x16xf32> to vector<16xf32>
      %swap3A = arith.index_cast %shift_right_arithmetic3A_405 : i32 to index
      %swap3A_411 = arith.index_cast %multiple_of3A : i32 to index
      %swap3A_412 = tpu.vector_load %arg8[%swap3A, %swap3A_411] {strides = array<i32>} : memref<32x1024xf32, #tpu.memory_space<vmem>>, vector<1x16xf32>,
      %swap3A_413 = vector.shape_cast %swap3A_412 : vector<1x16xf32> to vector<16xf32>
      %swap3A_414 = vector.shape_cast %get3A_410 : vector<16xf32> to vector<1x16xf32>
      tpu.vector_store %arg8[%swap3A, %swap3A_411], %swap3A_414 {add = true, strides = array<i32>} : memref<32x1024xf32, #tpu.memory_space<vmem>>, vector<1x16xf32>,
      %scan3A_415 = arith.constant 1 : i32
      %scan3A_416 = arith.addi %scan3A_404, %scan3A_415 : i32
      %shift_right_arithmetic3A_417 = arith.constant 6 : i32
      %shift_right_arithmetic3A_418 = arith.shrsi %scan3A_416, %shift_right_arithmetic3A_417 : i32
      %and3A_419 = arith.constant 63 : i32
      %and3A_420 = arith.andi %scan3A_416, %and3A_419 : i32
      %shift_left3A_421 = arith.constant 4 : i32
      %shift_left3A_422 = arith.shli %and3A_420, %shift_left3A_421 : i32
      %multiple_of3A_423 = tpu.assume_multiple %shift_left3A_422, 16 : i32
      %get3A_424 = arith.index_cast %shift_right_arithmetic3A_418 : i32 to index
      %get3A_425 = arith.index_cast %multiple_of3A_423 : i32 to index
      %get3A_426 = tpu.vector_load %arg9[%get3A_424, %get3A_425] {strides = array<i32>} : memref<32x1024xf32, #tpu.memory_space<vmem>>, vector<1x16xf32>,
      %get3A_427 = vector.shape_cast %get3A_426 : vector<1x16xf32> to vector<16xf32>
      %swap3A_428 = arith.index_cast %shift_right_arithmetic3A_418 : i32 to index
      %swap3A_429 = arith.index_cast %multiple_of3A_423 : i32 to index
      %swap3A_430 = tpu.vector_load %arg8[%swap3A_428, %swap3A_429] {strides = array<i32>} : memref<32x1024xf32, #tpu.memory_space<vmem>>, vector<1x16xf32>,
      %swap3A_431 = vector.shape_cast %swap3A_430 : vector<1x16xf32> to vector<16xf32>
      %swap3A_432 = vector.shape_cast %get3A_427 : vector<16xf32> to vector<1x16xf32>
      tpu.vector_store %arg8[%swap3A_428, %swap3A_429], %swap3A_432 {add = true, strides = array<i32>} : memref<32x1024xf32, #tpu.memory_space<vmem>>, vector<1x16xf32>,
      %scan3A_433 = arith.constant 2 : i32
      %scan3A_434 = arith.addi %scan3A_404, %scan3A_433 : i32
      %shift_right_arithmetic3A_435 = arith.constant 6 : i32
      %shift_right_arithmetic3A_436 = arith.shrsi %scan3A_434, %shift_right_arithmetic3A_435 : i32
      %and3A_437 = arith.constant 63 : i32
      %and3A_438 = arith.andi %scan3A_434, %and3A_437 : i32
      %shift_left3A_439 = arith.constant 4 : i32
      %shift_left3A_440 = arith.shli %and3A_438, %shift_left3A_439 : i32
      %multiple_of3A_441 = tpu.assume_multiple %shift_left3A_440, 16 : i32
      %get3A_442 = arith.index_cast %shift_right_arithmetic3A_436 : i32 to index
      %get3A_443 = arith.index_cast %multiple_of3A_441 : i32 to index
      %get3A_444 = tpu.vector_load %arg9[%get3A_442, %get3A_443] {strides = array<i32>} : memref<32x1024xf32, #tpu.memory_space<vmem>>, vector<1x16xf32>,
      %get3A_445 = vector.shape_cast %get3A_444 : vector<1x16xf32> to vector<16xf32>
      %swap3A_446 = arith.index_cast %shift_right_arithmetic3A_436 : i32 to index
      %swap3A_447 = arith.index_cast %multiple_of3A_441 : i32 to index
      %swap3A_448 = tpu.vector_load %arg8[%swap3A_446, %swap3A_447] {strides = array<i32>} : memref<32x1024xf32, #tpu.memory_space<vmem>>, vector<1x16xf32>,
      %swap3A_449 = vector.shape_cast %swap3A_448 : vector<1x16xf32> to vector<16xf32>
      %swap3A_450 = vector.shape_cast %get3A_445 : vector<16xf32> to vector<1x16xf32>
      tpu.vector_store %arg8[%swap3A_446, %swap3A_447], %swap3A_450 {add = true, strides = array<i32>} : memref<32x1024xf32, #tpu.memory_space<vmem>>, vector<1x16xf32>,
      %scan3A_451 = arith.constant 3 : i32
      %scan3A_452 = arith.addi %scan3A_404, %scan3A_451 : i32
      %shift_right_arithmetic3A_453 = arith.constant 6 : i32
      %shift_right_arithmetic3A_454 = arith.shrsi %scan3A_452, %shift_right_arithmetic3A_453 : i32
      %and3A_455 = arith.constant 63 : i32
      %and3A_456 = arith.andi %scan3A_452, %and3A_455 : i32
      %shift_left3A_457 = arith.constant 4 : i32
      %shift_left3A_458 = arith.shli %and3A_456, %shift_left3A_457 : i32
      %multiple_of3A_459 = tpu.assume_multiple %shift_left3A_458, 16 : i32
      %get3A_460 = arith.index_cast %shift_right_arithmetic3A_454 : i32 to index
      %get3A_461 = arith.index_cast %multiple_of3A_459 : i32 to index
      %get3A_462 = tpu.vector_load %arg9[%get3A_460, %get3A_461] {strides = array<i32>} : memref<32x1024xf32, #tpu.memory_space<vmem>>, vector<1x16xf32>,
      %get3A_463 = vector.shape_cast %get3A_462 : vector<1x16xf32> to vector<16xf32>
      %swap3A_464 = arith.index_cast %shift_right_arithmetic3A_454 : i32 to index
      %swap3A_465 = arith.index_cast %multiple_of3A_459 : i32 to index
      %swap3A_466 = tpu.vector_load %arg8[%swap3A_464, %swap3A_465] {strides = array<i32>} : memref<32x1024xf32, #tpu.memory_space<vmem>>, vector<1x16xf32>,
      %swap3A_467 = vector.shape_cast %swap3A_466 : vector<1x16xf32> to vector<16xf32>
      %swap3A_468 = vector.shape_cast %get3A_463 : vector<16xf32> to vector<1x16xf32>
      tpu.vector_store %arg8[%swap3A_464, %swap3A_465], %swap3A_468 {add = true, strides = array<i32>} : memref<32x1024xf32, #tpu.memory_space<vmem>>, vector<1x16xf32>,
      %scan3A_469 = arith.constant 4 : i32
      %scan3A_470 = arith.addi %scan3A_404, %scan3A_469 : i32
      %shift_right_arithmetic3A_471 = arith.constant 6 : i32
      %shift_right_arithmetic3A_472 = arith.shrsi %scan3A_470, %shift_right_arithmetic3A_471 : i32
      %and3A_473 = arith.constant 63 : i32
      %and3A_474 = arith.andi %scan3A_470, %and3A_473 : i32
      %shift_left3A_475 = arith.constant 4 : i32
      %shift_left3A_476 = arith.shli %and3A_474, %shift_left3A_475 : i32
      %multiple_of3A_477 = tpu.assume_multiple %shift_left3A_476, 16 : i32
      %get3A_478 = arith.index_cast %shift_right_arithmetic3A_472 : i32 to index
      %get3A_479 = arith.index_cast %multiple_of3A_477 : i32 to index
      %get3A_480 = tpu.vector_load %arg9[%get3A_478, %get3A_479] {strides = array<i32>} : memref<32x1024xf32, #tpu.memory_space<vmem>>, vector<1x16xf32>,
      %get3A_481 = vector.shape_cast %get3A_480 : vector<1x16xf32> to vector<16xf32>
      %swap3A_482 = arith.index_cast %shift_right_arithmetic3A_472 : i32 to index
      %swap3A_483 = arith.index_cast %multiple_of3A_477 : i32 to index
      %swap3A_484 = tpu.vector_load %arg8[%swap3A_482, %swap3A_483] {strides = array<i32>} : memref<32x1024xf32, #tpu.memory_space<vmem>>, vector<1x16xf32>,
      %swap3A_485 = vector.shape_cast %swap3A_484 : vector<1x16xf32> to vector<16xf32>
      %swap3A_486 = vector.shape_cast %get3A_481 : vector<16xf32> to vector<1x16xf32>
      tpu.vector_store %arg8[%swap3A_482, %swap3A_483], %swap3A_486 {add = true, strides = array<i32>} : memref<32x1024xf32, #tpu.memory_space<vmem>>, vector<1x16xf32>,
      %scan3A_487 = arith.constant 5 : i32
      %scan3A_488 = arith.addi %scan3A_404, %scan3A_487 : i32
      %shift_right_arithmetic3A_489 = arith.constant 6 : i32
      %shift_right_arithmetic3A_490 = arith.shrsi %scan3A_488, %shift_right_arithmetic3A_489 : i32
      %and3A_491 = arith.constant 63 : i32
      %and3A_492 = arith.andi %scan3A_488, %and3A_491 : i32
      %shift_left3A_493 = arith.constant 4 : i32
      %shift_left3A_494 = arith.shli %and3A_492, %shift_left3A_493 : i32
      %multiple_of3A_495 = tpu.assume_multiple %shift_left3A_494, 16 : i32
      %get3A_496 = arith.index_cast %shift_right_arithmetic3A_490 : i32 to index
      %get3A_497 = arith.index_cast %multiple_of3A_495 : i32 to index
      %get3A_498 = tpu.vector_load %arg9[%get3A_496, %get3A_497] {strides = array<i32>} : memref<32x1024xf32, #tpu.memory_space<vmem>>, vector<1x16xf32>,
      %get3A_499 = vector.shape_cast %get3A_498 : vector<1x16xf32> to vector<16xf32>
      %swap3A_500 = arith.index_cast %shift_right_arithmetic3A_490 : i32 to index
      %swap3A_501 = arith.index_cast %multiple_of3A_495 : i32 to index
      %swap3A_502 = tpu.vector_load %arg8[%swap3A_500, %swap3A_501] {strides = array<i32>} : memref<32x1024xf32, #tpu.memory_space<vmem>>, vector<1x16xf32>,
      %swap3A_503 = vector.shape_cast %swap3A_502 : vector<1x16xf32> to vector<16xf32>
      %swap3A_504 = vector.shape_cast %get3A_499 : vector<16xf32> to vector<1x16xf32>
      tpu.vector_store %arg8[%swap3A_500, %swap3A_501], %swap3A_504 {add = true, strides = array<i32>} : memref<32x1024xf32, #tpu.memory_space<vmem>>, vector<1x16xf32>,
      %scan3A_505 = arith.constant 6 : i32
      %scan3A_506 = arith.addi %scan3A_404, %scan3A_505 : i32
      %shift_right_arithmetic3A_507 = arith.constant 6 : i32
      %shift_right_arithmetic3A_508 = arith.shrsi %scan3A_506, %shift_right_arithmetic3A_507 : i32
      %and3A_509 = arith.constant 63 : i32
      %and3A_510 = arith.andi %scan3A_506, %and3A_509 : i32
      %shift_left3A_511 = arith.constant 4 : i32
      %shift_left3A_512 = arith.shli %and3A_510, %shift_left3A_511 : i32
      %multiple_of3A_513 = tpu.assume_multiple %shift_left3A_512, 16 : i32
      %get3A_514 = arith.index_cast %shift_right_arithmetic3A_508 : i32 to index
      %get3A_515 = arith.index_cast %multiple_of3A_513 : i32 to index
      %get3A_516 = tpu.vector_load %arg9[%get3A_514, %get3A_515] {strides = array<i32>} : memref<32x1024xf32, #tpu.memory_space<vmem>>, vector<1x16xf32>,
      %get3A_517 = vector.shape_cast %get3A_516 : vector<1x16xf32> to vector<16xf32>
      %swap3A_518 = arith.index_cast %shift_right_arithmetic3A_508 : i32 to index
      %swap3A_519 = arith.index_cast %multiple_of3A_513 : i32 to index
      %swap3A_520 = tpu.vector_load %arg8[%swap3A_518, %swap3A_519] {strides = array<i32>} : memref<32x1024xf32, #tpu.memory_space<vmem>>, vector<1x16xf32>,
      %swap3A_521 = vector.shape_cast %swap3A_520 : vector<1x16xf32> to vector<16xf32>
      %swap3A_522 = vector.shape_cast %get3A_517 : vector<16xf32> to vector<1x16xf32>
      tpu.vector_store %arg8[%swap3A_518, %swap3A_519], %swap3A_522 {add = true, strides = array<i32>} : memref<32x1024xf32, #tpu.memory_space<vmem>>, vector<1x16xf32>,
      %scan3A_523 = arith.constant 7 : i32
      %scan3A_524 = arith.addi %scan3A_404, %scan3A_523 : i32
      %shift_right_arithmetic3A_525 = arith.constant 6 : i32
      %shift_right_arithmetic3A_526 = arith.shrsi %scan3A_524, %shift_right_arithmetic3A_525 : i32
      %and3A_527 = arith.constant 63 : i32
      %and3A_528 = arith.andi %scan3A_524, %and3A_527 : i32
      %shift_left3A_529 = arith.constant 4 : i32
      %shift_left3A_530 = arith.shli %and3A_528, %shift_left3A_529 : i32
      %multiple_of3A_531 = tpu.assume_multiple %shift_left3A_530, 16 : i32
      %get3A_532 = arith.index_cast %shift_right_arithmetic3A_526 : i32 to index
      %get3A_533 = arith.index_cast %multiple_of3A_531 : i32 to index
      %get3A_534 = tpu.vector_load %arg9[%get3A_532, %get3A_533] {strides = array<i32>} : memref<32x1024xf32, #tpu.memory_space<vmem>>, vector<1x16xf32>,
      %get3A_535 = vector.shape_cast %get3A_534 : vector<1x16xf32> to vector<16xf32>
      %swap3A_536 = arith.index_cast %shift_right_arithmetic3A_526 : i32 to index
      %swap3A_537 = arith.index_cast %multiple_of3A_531 : i32 to index
      %swap3A_538 = tpu.vector_load %arg8[%swap3A_536, %swap3A_537] {strides = array<i32>} : memref<32x1024xf32, #tpu.memory_space<vmem>>, vector<1x16xf32>,
      %swap3A_539 = vector.shape_cast %swap3A_538 : vector<1x16xf32> to vector<16xf32>
      %swap3A_540 = vector.shape_cast %get3A_535 : vector<16xf32> to vector<1x16xf32>
      tpu.vector_store %arg8[%swap3A_536, %swap3A_537], %swap3A_540 {add = true, strides = array<i32>} : memref<32x1024xf32, #tpu.memory_space<vmem>>, vector<1x16xf32>,
    }
    %scan3A_168 = arith.constant 2048 : i32
    %add3A_169 = arith.constant 0 : i32
    %add3A_170 = arith.addi %mul3A_2, %add3A_169 : i32
    %dma_start3A_171 = arith.constant 1 : i32
    %dma_start3A_172 = arith.constant 0 : i32
    %dma_start3A_173 = tpu.memref_slice %arg5[%dma_start3A_171, %add3A_170, %dma_start3A_172] : memref<4x2048x1024xf32, #tpu.memory_space<hbm>> -> memref<1x32x1024xf32, #tpu.memory_space<hbm>>
    %dma_start3A_174 = tpu.memref_squeeze %dma_start3A_173 : memref<1x32x1024xf32, #tpu.memory_space<hbm>> -> memref<32x1024xf32, #tpu.memory_space<hbm>>
    %dma_start3A_175 = arith.constant 0 : i32
    %dma_start3A_176 = tpu.memref_slice %arg5[%dma_start3A_171, %add3A_170, %dma_start3A_175] : memref<4x2048x1024xf32, #tpu.memory_space<hbm>> -> memref<1x32x1024xf32, #tpu.memory_space<hbm>>
    %dma_start3A_177 = tpu.memref_squeeze %dma_start3A_176 : memref<1x32x1024xf32, #tpu.memory_space<hbm>> -> memref<32x1024xf32, #tpu.memory_space<hbm>>
    tpu.enqueue_dma source(%arg8 : memref<32x1024xf32, #tpu.memory_space<vmem>>) target(%dma_start3A_177 : memref<32x1024xf32, #tpu.memory_space<hbm>>) target_semaphore(%arg11 : memref<!tpu.dma_semaphore, #tpu.memory_space<semaphore_mem>>)
    %dma_wait3A_178 = arith.constant 1 : i32
    %dma_wait3A_179 = arith.constant 0 : i32
    %dma_wait3A_180 = tpu.memref_slice %arg5[%dma_wait3A_178, %add3A_170, %dma_wait3A_179] : memref<4x2048x1024xf32, #tpu.memory_space<hbm>> -> memref<1x32x1024xf32, #tpu.memory_space<hbm>>
    %dma_wait3A_181 = tpu.memref_squeeze %dma_wait3A_180 : memref<1x32x1024xf32, #tpu.memory_space<hbm>> -> memref<32x1024xf32, #tpu.memory_space<hbm>>
    %dma_wait3A_182 = arith.constant 0 : i32
    %dma_wait3A_183 = tpu.memref_slice %arg5[%dma_wait3A_178, %add3A_170, %dma_wait3A_182] : memref<4x2048x1024xf32, #tpu.memory_space<hbm>> -> memref<1x32x1024xf32, #tpu.memory_space<hbm>>
    %dma_wait3A_184 = tpu.memref_squeeze %dma_wait3A_183 : memref<1x32x1024xf32, #tpu.memory_space<hbm>> -> memref<32x1024xf32, #tpu.memory_space<hbm>>
    tpu.wait_dma2 semaphore(%arg11 : memref<!tpu.dma_semaphore, #tpu.memory_space<semaphore_mem>>) src(%arg8 : memref<32x1024xf32, #tpu.memory_space<vmem>>) dst(%dma_wait3A_184 : memref<32x1024xf32, #tpu.memory_space<hbm>>)
    %dma_start3A_185 = arith.constant 3 : i32
    %dma_start3A_186 = arith.constant 0 : i32
    %dma_start3A_187 = tpu.memref_slice %arg6[%dma_start3A_185, %dma_start3A_186] : memref<4x64xi32, #tpu.memory_space<vmem>> -> memref<1x32xi32, #tpu.memory_space<vmem>>
    %dma_start3A_188 = tpu.memref_squeeze %dma_start3A_187 : memref<1x32xi32, #tpu.memory_space<vmem>> -> memref<32xi32, #tpu.memory_space<vmem>>
    %dma_start3A_189 = arith.constant 0 : i32
    %dma_start3A_190 = arith.constant 0 : i32
    %dma_start3A_191 = tpu.memref_slice %arg3[%dma_start3A_189, %dma_start3A_190] : memref<50257x1024xf32, #tpu.memory_space<hbm>> -> memref<50257x1024xf32, #tpu.memory_space<hbm>>
    tpu.enqueue_indirect_dma source(%dma_start3A_191 : memref<50257x1024xf32, #tpu.memory_space<hbm>>) target(%arg8 : memref<32x1024xf32, #tpu.memory_space<vmem>>) offsets(%dma_start3A_188 : memref<32xi32, #tpu.memory_space<vmem>>) semaphore(%arg10 : memref<!tpu.dma_semaphore, #tpu.memory_space<semaphore_mem>>)
    %dma_wait3A_192 = arith.constant 2 : i32
    %dma_wait3A_193 = arith.constant 0 : i32
    %dma_wait3A_194 = tpu.memref_slice %arg6[%dma_wait3A_192, %dma_wait3A_193] : memref<4x64xi32, #tpu.memory_space<vmem>> -> memref<1x32xi32, #tpu.memory_space<vmem>>
    %dma_wait3A_195 = tpu.memref_squeeze %dma_wait3A_194 : memref<1x32xi32, #tpu.memory_space<vmem>> -> memref<32xi32, #tpu.memory_space<vmem>>
    %dma_wait3A_196 = arith.constant 0 : i32
    %dma_wait3A_197 = arith.constant 0 : i32
    %dma_wait3A_198 = tpu.memref_slice %arg3[%dma_wait3A_196, %dma_wait3A_197] : memref<50257x1024xf32, #tpu.memory_space<hbm>> -> memref<50257x1024xf32, #tpu.memory_space<hbm>>
    tpu.wait_indirect_dma semaphore(%arg10 : memref<!tpu.dma_semaphore, #tpu.memory_space<semaphore_mem>>) src(%dma_wait3A_198 : memref<50257x1024xf32, #tpu.memory_space<hbm>>) dst(%arg7 : memref<32x1024xf32, #tpu.memory_space<vmem>>)
    %scan3A_199 = arith.constant 0 : i32
    %scan3A_200 = arith.constant 0 : i32
    %scan3A_201 = arith.constant 2048 : i32
    %scan3A_202 = arith.addi %scan3A_200, %scan3A_201 : i32
    %scan3A_203 = arith.constant 8 : i32
    scf.for %scan3A_404 = %scan3A_200 to %scan3A_202 step %scan3A_203  : i32 {
      %shift_right_arithmetic3A = arith.constant 6 : i32
      %shift_right_arithmetic3A_405 = arith.shrsi %scan3A_404, %shift_right_arithmetic3A : i32
      %and3A = arith.constant 63 : i32
      %and3A_406 = arith.andi %scan3A_404, %and3A : i32
      %shift_left3A = arith.constant 4 : i32
      %shift_left3A_407 = arith.shli %and3A_406, %shift_left3A : i32
      %multiple_of3A = tpu.assume_multiple %shift_left3A_407, 16 : i32
      %get3A = arith.index_cast %shift_right_arithmetic3A_405 : i32 to index
      %get3A_408 = arith.index_cast %multiple_of3A : i32 to index
      %get3A_409 = tpu.vector_load %arg9[%get3A, %get3A_408] {strides = array<i32>} : memref<32x1024xf32, #tpu.memory_space<vmem>>, vector<1x16xf32>,
      %get3A_410 = vector.shape_cast %get3A_409 : vector<1x16xf32> to vector<16xf32>
      %swap3A = arith.index_cast %shift_right_arithmetic3A_405 : i32 to index
      %swap3A_411 = arith.index_cast %multiple_of3A : i32 to index
      %swap3A_412 = tpu.vector_load %arg7[%swap3A, %swap3A_411] {strides = array<i32>} : memref<32x1024xf32, #tpu.memory_space<vmem>>, vector<1x16xf32>,
      %swap3A_413 = vector.shape_cast %swap3A_412 : vector<1x16xf32> to vector<16xf32>
      %swap3A_414 = vector.shape_cast %get3A_410 : vector<16xf32> to vector<1x16xf32>
      tpu.vector_store %arg7[%swap3A, %swap3A_411], %swap3A_414 {add = true, strides = array<i32>} : memref<32x1024xf32, #tpu.memory_space<vmem>>, vector<1x16xf32>,
      %scan3A_415 = arith.constant 1 : i32
      %scan3A_416 = arith.addi %scan3A_404, %scan3A_415 : i32
      %shift_right_arithmetic3A_417 = arith.constant 6 : i32
      %shift_right_arithmetic3A_418 = arith.shrsi %scan3A_416, %shift_right_arithmetic3A_417 : i32
      %and3A_419 = arith.constant 63 : i32
      %and3A_420 = arith.andi %scan3A_416, %and3A_419 : i32
      %shift_left3A_421 = arith.constant 4 : i32
      %shift_left3A_422 = arith.shli %and3A_420, %shift_left3A_421 : i32
      %multiple_of3A_423 = tpu.assume_multiple %shift_left3A_422, 16 : i32
      %get3A_424 = arith.index_cast %shift_right_arithmetic3A_418 : i32 to index
      %get3A_425 = arith.index_cast %multiple_of3A_423 : i32 to index
      %get3A_426 = tpu.vector_load %arg9[%get3A_424, %get3A_425] {strides = array<i32>} : memref<32x1024xf32, #tpu.memory_space<vmem>>, vector<1x16xf32>,
      %get3A_427 = vector.shape_cast %get3A_426 : vector<1x16xf32> to vector<16xf32>
      %swap3A_428 = arith.index_cast %shift_right_arithmetic3A_418 : i32 to index
      %swap3A_429 = arith.index_cast %multiple_of3A_423 : i32 to index
      %swap3A_430 = tpu.vector_load %arg7[%swap3A_428, %swap3A_429] {strides = array<i32>} : memref<32x1024xf32, #tpu.memory_space<vmem>>, vector<1x16xf32>,
      %swap3A_431 = vector.shape_cast %swap3A_430 : vector<1x16xf32> to vector<16xf32>
      %swap3A_432 = vector.shape_cast %get3A_427 : vector<16xf32> to vector<1x16xf32>
      tpu.vector_store %arg7[%swap3A_428, %swap3A_429], %swap3A_432 {add = true, strides = array<i32>} : memref<32x1024xf32, #tpu.memory_space<vmem>>, vector<1x16xf32>,
      %scan3A_433 = arith.constant 2 : i32
      %scan3A_434 = arith.addi %scan3A_404, %scan3A_433 : i32
      %shift_right_arithmetic3A_435 = arith.constant 6 : i32
      %shift_right_arithmetic3A_436 = arith.shrsi %scan3A_434, %shift_right_arithmetic3A_435 : i32
      %and3A_437 = arith.constant 63 : i32
      %and3A_438 = arith.andi %scan3A_434, %and3A_437 : i32
      %shift_left3A_439 = arith.constant 4 : i32
      %shift_left3A_440 = arith.shli %and3A_438, %shift_left3A_439 : i32
      %multiple_of3A_441 = tpu.assume_multiple %shift_left3A_440, 16 : i32
      %get3A_442 = arith.index_cast %shift_right_arithmetic3A_436 : i32 to index
      %get3A_443 = arith.index_cast %multiple_of3A_441 : i32 to index
      %get3A_444 = tpu.vector_load %arg9[%get3A_442, %get3A_443] {strides = array<i32>} : memref<32x1024xf32, #tpu.memory_space<vmem>>, vector<1x16xf32>,
      %get3A_445 = vector.shape_cast %get3A_444 : vector<1x16xf32> to vector<16xf32>
      %swap3A_446 = arith.index_cast %shift_right_arithmetic3A_436 : i32 to index
      %swap3A_447 = arith.index_cast %multiple_of3A_441 : i32 to index
      %swap3A_448 = tpu.vector_load %arg7[%swap3A_446, %swap3A_447] {strides = array<i32>} : memref<32x1024xf32, #tpu.memory_space<vmem>>, vector<1x16xf32>,
      %swap3A_449 = vector.shape_cast %swap3A_448 : vector<1x16xf32> to vector<16xf32>
      %swap3A_450 = vector.shape_cast %get3A_445 : vector<16xf32> to vector<1x16xf32>
      tpu.vector_store %arg7[%swap3A_446, %swap3A_447], %swap3A_450 {add = true, strides = array<i32>} : memref<32x1024xf32, #tpu.memory_space<vmem>>, vector<1x16xf32>,
      %scan3A_451 = arith.constant 3 : i32
      %scan3A_452 = arith.addi %scan3A_404, %scan3A_451 : i32
      %shift_right_arithmetic3A_453 = arith.constant 6 : i32
      %shift_right_arithmetic3A_454 = arith.shrsi %scan3A_452, %shift_right_arithmetic3A_453 : i32
      %and3A_455 = arith.constant 63 : i32
      %and3A_456 = arith.andi %scan3A_452, %and3A_455 : i32
      %shift_left3A_457 = arith.constant 4 : i32
      %shift_left3A_458 = arith.shli %and3A_456, %shift_left3A_457 : i32
      %multiple_of3A_459 = tpu.assume_multiple %shift_left3A_458, 16 : i32
      %get3A_460 = arith.index_cast %shift_right_arithmetic3A_454 : i32 to index
      %get3A_461 = arith.index_cast %multiple_of3A_459 : i32 to index
      %get3A_462 = tpu.vector_load %arg9[%get3A_460, %get3A_461] {strides = array<i32>} : memref<32x1024xf32, #tpu.memory_space<vmem>>, vector<1x16xf32>,
      %get3A_463 = vector.shape_cast %get3A_462 : vector<1x16xf32> to vector<16xf32>
      %swap3A_464 = arith.index_cast %shift_right_arithmetic3A_454 : i32 to index
      %swap3A_465 = arith.index_cast %multiple_of3A_459 : i32 to index
      %swap3A_466 = tpu.vector_load %arg7[%swap3A_464, %swap3A_465] {strides = array<i32>} : memref<32x1024xf32, #tpu.memory_space<vmem>>, vector<1x16xf32>,
      %swap3A_467 = vector.shape_cast %swap3A_466 : vector<1x16xf32> to vector<16xf32>
      %swap3A_468 = vector.shape_cast %get3A_463 : vector<16xf32> to vector<1x16xf32>
      tpu.vector_store %arg7[%swap3A_464, %swap3A_465], %swap3A_468 {add = true, strides = array<i32>} : memref<32x1024xf32, #tpu.memory_space<vmem>>, vector<1x16xf32>,
      %scan3A_469 = arith.constant 4 : i32
      %scan3A_470 = arith.addi %scan3A_404, %scan3A_469 : i32
      %shift_right_arithmetic3A_471 = arith.constant 6 : i32
      %shift_right_arithmetic3A_472 = arith.shrsi %scan3A_470, %shift_right_arithmetic3A_471 : i32
      %and3A_473 = arith.constant 63 : i32
      %and3A_474 = arith.andi %scan3A_470, %and3A_473 : i32
      %shift_left3A_475 = arith.constant 4 : i32
      %shift_left3A_476 = arith.shli %and3A_474, %shift_left3A_475 : i32
      %multiple_of3A_477 = tpu.assume_multiple %shift_left3A_476, 16 : i32
      %get3A_478 = arith.index_cast %shift_right_arithmetic3A_472 : i32 to index
      %get3A_479 = arith.index_cast %multiple_of3A_477 : i32 to index
      %get3A_480 = tpu.vector_load %arg9[%get3A_478, %get3A_479] {strides = array<i32>} : memref<32x1024xf32, #tpu.memory_space<vmem>>, vector<1x16xf32>,
      %get3A_481 = vector.shape_cast %get3A_480 : vector<1x16xf32> to vector<16xf32>
      %swap3A_482 = arith.index_cast %shift_right_arithmetic3A_472 : i32 to index
      %swap3A_483 = arith.index_cast %multiple_of3A_477 : i32 to index
      %swap3A_484 = tpu.vector_load %arg7[%swap3A_482, %swap3A_483] {strides = array<i32>} : memref<32x1024xf32, #tpu.memory_space<vmem>>, vector<1x16xf32>,
      %swap3A_485 = vector.shape_cast %swap3A_484 : vector<1x16xf32> to vector<16xf32>
      %swap3A_486 = vector.shape_cast %get3A_481 : vector<16xf32> to vector<1x16xf32>
      tpu.vector_store %arg7[%swap3A_482, %swap3A_483], %swap3A_486 {add = true, strides = array<i32>} : memref<32x1024xf32, #tpu.memory_space<vmem>>, vector<1x16xf32>,
      %scan3A_487 = arith.constant 5 : i32
      %scan3A_488 = arith.addi %scan3A_404, %scan3A_487 : i32
      %shift_right_arithmetic3A_489 = arith.constant 6 : i32
      %shift_right_arithmetic3A_490 = arith.shrsi %scan3A_488, %shift_right_arithmetic3A_489 : i32
      %and3A_491 = arith.constant 63 : i32
      %and3A_492 = arith.andi %scan3A_488, %and3A_491 : i32
      %shift_left3A_493 = arith.constant 4 : i32
      %shift_left3A_494 = arith.shli %and3A_492, %shift_left3A_493 : i32
      %multiple_of3A_495 = tpu.assume_multiple %shift_left3A_494, 16 : i32
      %get3A_496 = arith.index_cast %shift_right_arithmetic3A_490 : i32 to index
      %get3A_497 = arith.index_cast %multiple_of3A_495 : i32 to index
      %get3A_498 = tpu.vector_load %arg9[%get3A_496, %get3A_497] {strides = array<i32>} : memref<32x1024xf32, #tpu.memory_space<vmem>>, vector<1x16xf32>,
      %get3A_499 = vector.shape_cast %get3A_498 : vector<1x16xf32> to vector<16xf32>
      %swap3A_500 = arith.index_cast %shift_right_arithmetic3A_490 : i32 to index
      %swap3A_501 = arith.index_cast %multiple_of3A_495 : i32 to index
      %swap3A_502 = tpu.vector_load %arg7[%swap3A_500, %swap3A_501] {strides = array<i32>} : memref<32x1024xf32, #tpu.memory_space<vmem>>, vector<1x16xf32>,
      %swap3A_503 = vector.shape_cast %swap3A_502 : vector<1x16xf32> to vector<16xf32>
      %swap3A_504 = vector.shape_cast %get3A_499 : vector<16xf32> to vector<1x16xf32>
      tpu.vector_store %arg7[%swap3A_500, %swap3A_501], %swap3A_504 {add = true, strides = array<i32>} : memref<32x1024xf32, #tpu.memory_space<vmem>>, vector<1x16xf32>,
      %scan3A_505 = arith.constant 6 : i32
      %scan3A_506 = arith.addi %scan3A_404, %scan3A_505 : i32
      %shift_right_arithmetic3A_507 = arith.constant 6 : i32
      %shift_right_arithmetic3A_508 = arith.shrsi %scan3A_506, %shift_right_arithmetic3A_507 : i32
      %and3A_509 = arith.constant 63 : i32
      %and3A_510 = arith.andi %scan3A_506, %and3A_509 : i32
      %shift_left3A_511 = arith.constant 4 : i32
      %shift_left3A_512 = arith.shli %and3A_510, %shift_left3A_511 : i32
      %multiple_of3A_513 = tpu.assume_multiple %shift_left3A_512, 16 : i32
      %get3A_514 = arith.index_cast %shift_right_arithmetic3A_508 : i32 to index
      %get3A_515 = arith.index_cast %multiple_of3A_513 : i32 to index
      %get3A_516 = tpu.vector_load %arg9[%get3A_514, %get3A_515] {strides = array<i32>} : memref<32x1024xf32, #tpu.memory_space<vmem>>, vector<1x16xf32>,
      %get3A_517 = vector.shape_cast %get3A_516 : vector<1x16xf32> to vector<16xf32>
      %swap3A_518 = arith.index_cast %shift_right_arithmetic3A_508 : i32 to index
      %swap3A_519 = arith.index_cast %multiple_of3A_513 : i32 to index
      %swap3A_520 = tpu.vector_load %arg7[%swap3A_518, %swap3A_519] {strides = array<i32>} : memref<32x1024xf32, #tpu.memory_space<vmem>>, vector<1x16xf32>,
      %swap3A_521 = vector.shape_cast %swap3A_520 : vector<1x16xf32> to vector<16xf32>
      %swap3A_522 = vector.shape_cast %get3A_517 : vector<16xf32> to vector<1x16xf32>
      tpu.vector_store %arg7[%swap3A_518, %swap3A_519], %swap3A_522 {add = true, strides = array<i32>} : memref<32x1024xf32, #tpu.memory_space<vmem>>, vector<1x16xf32>,
      %scan3A_523 = arith.constant 7 : i32
      %scan3A_524 = arith.addi %scan3A_404, %scan3A_523 : i32
      %shift_right_arithmetic3A_525 = arith.constant 6 : i32
      %shift_right_arithmetic3A_526 = arith.shrsi %scan3A_524, %shift_right_arithmetic3A_525 : i32
      %and3A_527 = arith.constant 63 : i32
      %and3A_528 = arith.andi %scan3A_524, %and3A_527 : i32
      %shift_left3A_529 = arith.constant 4 : i32
      %shift_left3A_530 = arith.shli %and3A_528, %shift_left3A_529 : i32
      %multiple_of3A_531 = tpu.assume_multiple %shift_left3A_530, 16 : i32
      %get3A_532 = arith.index_cast %shift_right_arithmetic3A_526 : i32 to index
      %get3A_533 = arith.index_cast %multiple_of3A_531 : i32 to index
      %get3A_534 = tpu.vector_load %arg9[%get3A_532, %get3A_533] {strides = array<i32>} : memref<32x1024xf32, #tpu.memory_space<vmem>>, vector<1x16xf32>,
      %get3A_535 = vector.shape_cast %get3A_534 : vector<1x16xf32> to vector<16xf32>
      %swap3A_536 = arith.index_cast %shift_right_arithmetic3A_526 : i32 to index
      %swap3A_537 = arith.index_cast %multiple_of3A_531 : i32 to index
      %swap3A_538 = tpu.vector_load %arg7[%swap3A_536, %swap3A_537] {strides = array<i32>} : memref<32x1024xf32, #tpu.memory_space<vmem>>, vector<1x16xf32>,
      %swap3A_539 = vector.shape_cast %swap3A_538 : vector<1x16xf32> to vector<16xf32>
      %swap3A_540 = vector.shape_cast %get3A_535 : vector<16xf32> to vector<1x16xf32>
      tpu.vector_store %arg7[%swap3A_536, %swap3A_537], %swap3A_540 {add = true, strides = array<i32>} : memref<32x1024xf32, #tpu.memory_space<vmem>>, vector<1x16xf32>,
    }
    %scan3A_204 = arith.constant 2048 : i32
    %add3A_205 = arith.constant 0 : i32
    %add3A_206 = arith.addi %mul3A_2, %add3A_205 : i32
    %dma_start3A_207 = arith.constant 2 : i32
    %dma_start3A_208 = arith.constant 0 : i32
    %dma_start3A_209 = tpu.memref_slice %arg5[%dma_start3A_207, %add3A_206, %dma_start3A_208] : memref<4x2048x1024xf32, #tpu.memory_space<hbm>> -> memref<1x32x1024xf32, #tpu.memory_space<hbm>>
    %dma_start3A_210 = tpu.memref_squeeze %dma_start3A_209 : memref<1x32x1024xf32, #tpu.memory_space<hbm>> -> memref<32x1024xf32, #tpu.memory_space<hbm>>
    %dma_start3A_211 = arith.constant 0 : i32
    %dma_start3A_212 = tpu.memref_slice %arg5[%dma_start3A_207, %add3A_206, %dma_start3A_211] : memref<4x2048x1024xf32, #tpu.memory_space<hbm>> -> memref<1x32x1024xf32, #tpu.memory_space<hbm>>
    %dma_start3A_213 = tpu.memref_squeeze %dma_start3A_212 : memref<1x32x1024xf32, #tpu.memory_space<hbm>> -> memref<32x1024xf32, #tpu.memory_space<hbm>>
    tpu.enqueue_dma source(%arg7 : memref<32x1024xf32, #tpu.memory_space<vmem>>) target(%dma_start3A_213 : memref<32x1024xf32, #tpu.memory_space<hbm>>) target_semaphore(%arg11 : memref<!tpu.dma_semaphore, #tpu.memory_space<semaphore_mem>>)
    %dma_wait3A_214 = arith.constant 2 : i32
    %dma_wait3A_215 = arith.constant 0 : i32
    %dma_wait3A_216 = tpu.memref_slice %arg5[%dma_wait3A_214, %add3A_206, %dma_wait3A_215] : memref<4x2048x1024xf32, #tpu.memory_space<hbm>> -> memref<1x32x1024xf32, #tpu.memory_space<hbm>>
    %dma_wait3A_217 = tpu.memref_squeeze %dma_wait3A_216 : memref<1x32x1024xf32, #tpu.memory_space<hbm>> -> memref<32x1024xf32, #tpu.memory_space<hbm>>
    %dma_wait3A_218 = arith.constant 0 : i32
    %dma_wait3A_219 = tpu.memref_slice %arg5[%dma_wait3A_214, %add3A_206, %dma_wait3A_218] : memref<4x2048x1024xf32, #tpu.memory_space<hbm>> -> memref<1x32x1024xf32, #tpu.memory_space<hbm>>
    %dma_wait3A_220 = tpu.memref_squeeze %dma_wait3A_219 : memref<1x32x1024xf32, #tpu.memory_space<hbm>> -> memref<32x1024xf32, #tpu.memory_space<hbm>>
    tpu.wait_dma2 semaphore(%arg11 : memref<!tpu.dma_semaphore, #tpu.memory_space<semaphore_mem>>) src(%arg7 : memref<32x1024xf32, #tpu.memory_space<vmem>>) dst(%dma_wait3A_220 : memref<32x1024xf32, #tpu.memory_space<hbm>>)
    %dma_start3A_221 = arith.constant 0 : i32
    %dma_start3A_222 = arith.constant 32 : i32
    %dma_start3A_223 = tpu.memref_slice %arg6[%dma_start3A_221, %dma_start3A_222] : memref<4x64xi32, #tpu.memory_space<vmem>> -> memref<1x32xi32, #tpu.memory_space<vmem>>
    %dma_start3A_224 = tpu.memref_squeeze %dma_start3A_223 : memref<1x32xi32, #tpu.memory_space<vmem>> -> memref<32xi32, #tpu.memory_space<vmem>>
    %dma_start3A_225 = arith.constant 0 : i32
    %dma_start3A_226 = arith.constant 0 : i32
    %dma_start3A_227 = tpu.memref_slice %arg3[%dma_start3A_225, %dma_start3A_226] : memref<50257x1024xf32, #tpu.memory_space<hbm>> -> memref<50257x1024xf32, #tpu.memory_space<hbm>>
    tpu.enqueue_indirect_dma source(%dma_start3A_227 : memref<50257x1024xf32, #tpu.memory_space<hbm>>) target(%arg7 : memref<32x1024xf32, #tpu.memory_space<vmem>>) offsets(%dma_start3A_224 : memref<32xi32, #tpu.memory_space<vmem>>) semaphore(%arg10 : memref<!tpu.dma_semaphore, #tpu.memory_space<semaphore_mem>>)
    %dma_wait3A_228 = arith.constant 3 : i32
    %dma_wait3A_229 = arith.constant 0 : i32
    %dma_wait3A_230 = tpu.memref_slice %arg6[%dma_wait3A_228, %dma_wait3A_229] : memref<4x64xi32, #tpu.memory_space<vmem>> -> memref<1x32xi32, #tpu.memory_space<vmem>>
    %dma_wait3A_231 = tpu.memref_squeeze %dma_wait3A_230 : memref<1x32xi32, #tpu.memory_space<vmem>> -> memref<32xi32, #tpu.memory_space<vmem>>
    %dma_wait3A_232 = arith.constant 0 : i32
    %dma_wait3A_233 = arith.constant 0 : i32
    %dma_wait3A_234 = tpu.memref_slice %arg3[%dma_wait3A_232, %dma_wait3A_233] : memref<50257x1024xf32, #tpu.memory_space<hbm>> -> memref<50257x1024xf32, #tpu.memory_space<hbm>>
    tpu.wait_indirect_dma semaphore(%arg10 : memref<!tpu.dma_semaphore, #tpu.memory_space<semaphore_mem>>) src(%dma_wait3A_234 : memref<50257x1024xf32, #tpu.memory_space<hbm>>) dst(%arg8 : memref<32x1024xf32, #tpu.memory_space<vmem>>)
    %scan3A_235 = arith.constant 0 : i32
    %scan3A_236 = arith.constant 0 : i32
    %scan3A_237 = arith.constant 2048 : i32
    %scan3A_238 = arith.addi %scan3A_236, %scan3A_237 : i32
    %scan3A_239 = arith.constant 8 : i32
    scf.for %scan3A_404 = %scan3A_236 to %scan3A_238 step %scan3A_239  : i32 {
      %shift_right_arithmetic3A = arith.constant 6 : i32
      %shift_right_arithmetic3A_405 = arith.shrsi %scan3A_404, %shift_right_arithmetic3A : i32
      %and3A = arith.constant 63 : i32
      %and3A_406 = arith.andi %scan3A_404, %and3A : i32
      %shift_left3A = arith.constant 4 : i32
      %shift_left3A_407 = arith.shli %and3A_406, %shift_left3A : i32
      %multiple_of3A = tpu.assume_multiple %shift_left3A_407, 16 : i32
      %get3A = arith.index_cast %shift_right_arithmetic3A_405 : i32 to index
      %get3A_408 = arith.index_cast %multiple_of3A : i32 to index
      %get3A_409 = tpu.vector_load %arg9[%get3A, %get3A_408] {strides = array<i32>} : memref<32x1024xf32, #tpu.memory_space<vmem>>, vector<1x16xf32>,
      %get3A_410 = vector.shape_cast %get3A_409 : vector<1x16xf32> to vector<16xf32>
      %swap3A = arith.index_cast %shift_right_arithmetic3A_405 : i32 to index
      %swap3A_411 = arith.index_cast %multiple_of3A : i32 to index
      %swap3A_412 = tpu.vector_load %arg8[%swap3A, %swap3A_411] {strides = array<i32>} : memref<32x1024xf32, #tpu.memory_space<vmem>>, vector<1x16xf32>,
      %swap3A_413 = vector.shape_cast %swap3A_412 : vector<1x16xf32> to vector<16xf32>
      %swap3A_414 = vector.shape_cast %get3A_410 : vector<16xf32> to vector<1x16xf32>
      tpu.vector_store %arg8[%swap3A, %swap3A_411], %swap3A_414 {add = true, strides = array<i32>} : memref<32x1024xf32, #tpu.memory_space<vmem>>, vector<1x16xf32>,
      %scan3A_415 = arith.constant 1 : i32
      %scan3A_416 = arith.addi %scan3A_404, %scan3A_415 : i32
      %shift_right_arithmetic3A_417 = arith.constant 6 : i32
      %shift_right_arithmetic3A_418 = arith.shrsi %scan3A_416, %shift_right_arithmetic3A_417 : i32
      %and3A_419 = arith.constant 63 : i32
      %and3A_420 = arith.andi %scan3A_416, %and3A_419 : i32
      %shift_left3A_421 = arith.constant 4 : i32
      %shift_left3A_422 = arith.shli %and3A_420, %shift_left3A_421 : i32
      %multiple_of3A_423 = tpu.assume_multiple %shift_left3A_422, 16 : i32
      %get3A_424 = arith.index_cast %shift_right_arithmetic3A_418 : i32 to index
      %get3A_425 = arith.index_cast %multiple_of3A_423 : i32 to index
      %get3A_426 = tpu.vector_load %arg9[%get3A_424, %get3A_425] {strides = array<i32>} : memref<32x1024xf32, #tpu.memory_space<vmem>>, vector<1x16xf32>,
      %get3A_427 = vector.shape_cast %get3A_426 : vector<1x16xf32> to vector<16xf32>
      %swap3A_428 = arith.index_cast %shift_right_arithmetic3A_418 : i32 to index
      %swap3A_429 = arith.index_cast %multiple_of3A_423 : i32 to index
      %swap3A_430 = tpu.vector_load %arg8[%swap3A_428, %swap3A_429] {strides = array<i32>} : memref<32x1024xf32, #tpu.memory_space<vmem>>, vector<1x16xf32>,
      %swap3A_431 = vector.shape_cast %swap3A_430 : vector<1x16xf32> to vector<16xf32>
      %swap3A_432 = vector.shape_cast %get3A_427 : vector<16xf32> to vector<1x16xf32>
      tpu.vector_store %arg8[%swap3A_428, %swap3A_429], %swap3A_432 {add = true, strides = array<i32>} : memref<32x1024xf32, #tpu.memory_space<vmem>>, vector<1x16xf32>,
      %scan3A_433 = arith.constant 2 : i32
      %scan3A_434 = arith.addi %scan3A_404, %scan3A_433 : i32
      %shift_right_arithmetic3A_435 = arith.constant 6 : i32
      %shift_right_arithmetic3A_436 = arith.shrsi %scan3A_434, %shift_right_arithmetic3A_435 : i32
      %and3A_437 = arith.constant 63 : i32
      %and3A_438 = arith.andi %scan3A_434, %and3A_437 : i32
      %shift_left3A_439 = arith.constant 4 : i32
      %shift_left3A_440 = arith.shli %and3A_438, %shift_left3A_439 : i32
      %multiple_of3A_441 = tpu.assume_multiple %shift_left3A_440, 16 : i32
      %get3A_442 = arith.index_cast %shift_right_arithmetic3A_436 : i32 to index
      %get3A_443 = arith.index_cast %multiple_of3A_441 : i32 to index
      %get3A_444 = tpu.vector_load %arg9[%get3A_442, %get3A_443] {strides = array<i32>} : memref<32x1024xf32, #tpu.memory_space<vmem>>, vector<1x16xf32>,
      %get3A_445 = vector.shape_cast %get3A_444 : vector<1x16xf32> to vector<16xf32>
      %swap3A_446 = arith.index_cast %shift_right_arithmetic3A_436 : i32 to index
      %swap3A_447 = arith.index_cast %multiple_of3A_441 : i32 to index
      %swap3A_448 = tpu.vector_load %arg8[%swap3A_446, %swap3A_447] {strides = array<i32>} : memref<32x1024xf32, #tpu.memory_space<vmem>>, vector<1x16xf32>,
      %swap3A_449 = vector.shape_cast %swap3A_448 : vector<1x16xf32> to vector<16xf32>
      %swap3A_450 = vector.shape_cast %get3A_445 : vector<16xf32> to vector<1x16xf32>
      tpu.vector_store %arg8[%swap3A_446, %swap3A_447], %swap3A_450 {add = true, strides = array<i32>} : memref<32x1024xf32, #tpu.memory_space<vmem>>, vector<1x16xf32>,
      %scan3A_451 = arith.constant 3 : i32
      %scan3A_452 = arith.addi %scan3A_404, %scan3A_451 : i32
      %shift_right_arithmetic3A_453 = arith.constant 6 : i32
      %shift_right_arithmetic3A_454 = arith.shrsi %scan3A_452, %shift_right_arithmetic3A_453 : i32
      %and3A_455 = arith.constant 63 : i32
      %and3A_456 = arith.andi %scan3A_452, %and3A_455 : i32
      %shift_left3A_457 = arith.constant 4 : i32
      %shift_left3A_458 = arith.shli %and3A_456, %shift_left3A_457 : i32
      %multiple_of3A_459 = tpu.assume_multiple %shift_left3A_458, 16 : i32
      %get3A_460 = arith.index_cast %shift_right_arithmetic3A_454 : i32 to index
      %get3A_461 = arith.index_cast %multiple_of3A_459 : i32 to index
      %get3A_462 = tpu.vector_load %arg9[%get3A_460, %get3A_461] {strides = array<i32>} : memref<32x1024xf32, #tpu.memory_space<vmem>>, vector<1x16xf32>,
      %get3A_463 = vector.shape_cast %get3A_462 : vector<1x16xf32> to vector<16xf32>
      %swap3A_464 = arith.index_cast %shift_right_arithmetic3A_454 : i32 to index
      %swap3A_465 = arith.index_cast %multiple_of3A_459 : i32 to index
      %swap3A_466 = tpu.vector_load %arg8[%swap3A_464, %swap3A_465] {strides = array<i32>} : memref<32x1024xf32, #tpu.memory_space<vmem>>, vector<1x16xf32>,
      %swap3A_467 = vector.shape_cast %swap3A_466 : vector<1x16xf32> to vector<16xf32>
      %swap3A_468 = vector.shape_cast %get3A_463 : vector<16xf32> to vector<1x16xf32>
      tpu.vector_store %arg8[%swap3A_464, %swap3A_465], %swap3A_468 {add = true, strides = array<i32>} : memref<32x1024xf32, #tpu.memory_space<vmem>>, vector<1x16xf32>,
      %scan3A_469 = arith.constant 4 : i32
      %scan3A_470 = arith.addi %scan3A_404, %scan3A_469 : i32
      %shift_right_arithmetic3A_471 = arith.constant 6 : i32
      %shift_right_arithmetic3A_472 = arith.shrsi %scan3A_470, %shift_right_arithmetic3A_471 : i32
      %and3A_473 = arith.constant 63 : i32
      %and3A_474 = arith.andi %scan3A_470, %and3A_473 : i32
      %shift_left3A_475 = arith.constant 4 : i32
      %shift_left3A_476 = arith.shli %and3A_474, %shift_left3A_475 : i32
      %multiple_of3A_477 = tpu.assume_multiple %shift_left3A_476, 16 : i32
      %get3A_478 = arith.index_cast %shift_right_arithmetic3A_472 : i32 to index
      %get3A_479 = arith.index_cast %multiple_of3A_477 : i32 to index
      %get3A_480 = tpu.vector_load %arg9[%get3A_478, %get3A_479] {strides = array<i32>} : memref<32x1024xf32, #tpu.memory_space<vmem>>, vector<1x16xf32>,
      %get3A_481 = vector.shape_cast %get3A_480 : vector<1x16xf32> to vector<16xf32>
      %swap3A_482 = arith.index_cast %shift_right_arithmetic3A_472 : i32 to index
      %swap3A_483 = arith.index_cast %multiple_of3A_477 : i32 to index
      %swap3A_484 = tpu.vector_load %arg8[%swap3A_482, %swap3A_483] {strides = array<i32>} : memref<32x1024xf32, #tpu.memory_space<vmem>>, vector<1x16xf32>,
      %swap3A_485 = vector.shape_cast %swap3A_484 : vector<1x16xf32> to vector<16xf32>
      %swap3A_486 = vector.shape_cast %get3A_481 : vector<16xf32> to vector<1x16xf32>
      tpu.vector_store %arg8[%swap3A_482, %swap3A_483], %swap3A_486 {add = true, strides = array<i32>} : memref<32x1024xf32, #tpu.memory_space<vmem>>, vector<1x16xf32>,
      %scan3A_487 = arith.constant 5 : i32
      %scan3A_488 = arith.addi %scan3A_404, %scan3A_487 : i32
      %shift_right_arithmetic3A_489 = arith.constant 6 : i32
      %shift_right_arithmetic3A_490 = arith.shrsi %scan3A_488, %shift_right_arithmetic3A_489 : i32
      %and3A_491 = arith.constant 63 : i32
      %and3A_492 = arith.andi %scan3A_488, %and3A_491 : i32
      %shift_left3A_493 = arith.constant 4 : i32
      %shift_left3A_494 = arith.shli %and3A_492, %shift_left3A_493 : i32
      %multiple_of3A_495 = tpu.assume_multiple %shift_left3A_494, 16 : i32
      %get3A_496 = arith.index_cast %shift_right_arithmetic3A_490 : i32 to index
      %get3A_497 = arith.index_cast %multiple_of3A_495 : i32 to index
      %get3A_498 = tpu.vector_load %arg9[%get3A_496, %get3A_497] {strides = array<i32>} : memref<32x1024xf32, #tpu.memory_space<vmem>>, vector<1x16xf32>,
      %get3A_499 = vector.shape_cast %get3A_498 : vector<1x16xf32> to vector<16xf32>
      %swap3A_500 = arith.index_cast %shift_right_arithmetic3A_490 : i32 to index
      %swap3A_501 = arith.index_cast %multiple_of3A_495 : i32 to index
      %swap3A_502 = tpu.vector_load %arg8[%swap3A_500, %swap3A_501] {strides = array<i32>} : memref<32x1024xf32, #tpu.memory_space<vmem>>, vector<1x16xf32>,
      %swap3A_503 = vector.shape_cast %swap3A_502 : vector<1x16xf32> to vector<16xf32>
      %swap3A_504 = vector.shape_cast %get3A_499 : vector<16xf32> to vector<1x16xf32>
      tpu.vector_store %arg8[%swap3A_500, %swap3A_501], %swap3A_504 {add = true, strides = array<i32>} : memref<32x1024xf32, #tpu.memory_space<vmem>>, vector<1x16xf32>,
      %scan3A_505 = arith.constant 6 : i32
      %scan3A_506 = arith.addi %scan3A_404, %scan3A_505 : i32
      %shift_right_arithmetic3A_507 = arith.constant 6 : i32
      %shift_right_arithmetic3A_508 = arith.shrsi %scan3A_506, %shift_right_arithmetic3A_507 : i32
      %and3A_509 = arith.constant 63 : i32
      %and3A_510 = arith.andi %scan3A_506, %and3A_509 : i32
      %shift_left3A_511 = arith.constant 4 : i32
      %shift_left3A_512 = arith.shli %and3A_510, %shift_left3A_511 : i32
      %multiple_of3A_513 = tpu.assume_multiple %shift_left3A_512, 16 : i32
      %get3A_514 = arith.index_cast %shift_right_arithmetic3A_508 : i32 to index
      %get3A_515 = arith.index_cast %multiple_of3A_513 : i32 to index
      %get3A_516 = tpu.vector_load %arg9[%get3A_514, %get3A_515] {strides = array<i32>} : memref<32x1024xf32, #tpu.memory_space<vmem>>, vector<1x16xf32>,
      %get3A_517 = vector.shape_cast %get3A_516 : vector<1x16xf32> to vector<16xf32>
      %swap3A_518 = arith.index_cast %shift_right_arithmetic3A_508 : i32 to index
      %swap3A_519 = arith.index_cast %multiple_of3A_513 : i32 to index
      %swap3A_520 = tpu.vector_load %arg8[%swap3A_518, %swap3A_519] {strides = array<i32>} : memref<32x1024xf32, #tpu.memory_space<vmem>>, vector<1x16xf32>,
      %swap3A_521 = vector.shape_cast %swap3A_520 : vector<1x16xf32> to vector<16xf32>
      %swap3A_522 = vector.shape_cast %get3A_517 : vector<16xf32> to vector<1x16xf32>
      tpu.vector_store %arg8[%swap3A_518, %swap3A_519], %swap3A_522 {add = true, strides = array<i32>} : memref<32x1024xf32, #tpu.memory_space<vmem>>, vector<1x16xf32>,
      %scan3A_523 = arith.constant 7 : i32
      %scan3A_524 = arith.addi %scan3A_404, %scan3A_523 : i32
      %shift_right_arithmetic3A_525 = arith.constant 6 : i32
      %shift_right_arithmetic3A_526 = arith.shrsi %scan3A_524, %shift_right_arithmetic3A_525 : i32
      %and3A_527 = arith.constant 63 : i32
      %and3A_528 = arith.andi %scan3A_524, %and3A_527 : i32
      %shift_left3A_529 = arith.constant 4 : i32
      %shift_left3A_530 = arith.shli %and3A_528, %shift_left3A_529 : i32
      %multiple_of3A_531 = tpu.assume_multiple %shift_left3A_530, 16 : i32
      %get3A_532 = arith.index_cast %shift_right_arithmetic3A_526 : i32 to index
      %get3A_533 = arith.index_cast %multiple_of3A_531 : i32 to index
      %get3A_534 = tpu.vector_load %arg9[%get3A_532, %get3A_533] {strides = array<i32>} : memref<32x1024xf32, #tpu.memory_space<vmem>>, vector<1x16xf32>,
      %get3A_535 = vector.shape_cast %get3A_534 : vector<1x16xf32> to vector<16xf32>
      %swap3A_536 = arith.index_cast %shift_right_arithmetic3A_526 : i32 to index
      %swap3A_537 = arith.index_cast %multiple_of3A_531 : i32 to index
      %swap3A_538 = tpu.vector_load %arg8[%swap3A_536, %swap3A_537] {strides = array<i32>} : memref<32x1024xf32, #tpu.memory_space<vmem>>, vector<1x16xf32>,
      %swap3A_539 = vector.shape_cast %swap3A_538 : vector<1x16xf32> to vector<16xf32>
      %swap3A_540 = vector.shape_cast %get3A_535 : vector<16xf32> to vector<1x16xf32>
      tpu.vector_store %arg8[%swap3A_536, %swap3A_537], %swap3A_540 {add = true, strides = array<i32>} : memref<32x1024xf32, #tpu.memory_space<vmem>>, vector<1x16xf32>,
    }
    %scan3A_240 = arith.constant 2048 : i32
    %add3A_241 = arith.constant 32 : i32
    %add3A_242 = arith.addi %mul3A_2, %add3A_241 : i32
    %dma_start3A_243 = arith.constant 0 : i32
    %dma_start3A_244 = tpu.memref_slice %arg4[%add3A_242, %dma_start3A_243] : memref<2048x1024xf32, #tpu.memory_space<hbm>> -> memref<32x1024xf32, #tpu.memory_space<hbm>>
    %dma_start3A_245 = arith.constant 0 : i32
    %dma_start3A_246 = tpu.memref_slice %arg4[%add3A_242, %dma_start3A_245] : memref<2048x1024xf32, #tpu.memory_space<hbm>> -> memref<32x1024xf32, #tpu.memory_space<hbm>>
    tpu.enqueue_dma source(%dma_start3A_246 : memref<32x1024xf32, #tpu.memory_space<hbm>>) target(%arg9 : memref<32x1024xf32, #tpu.memory_space<vmem>>) target_semaphore(%arg12 : memref<!tpu.dma_semaphore, #tpu.memory_space<semaphore_mem>>)
    %add3A_247 = arith.constant 0 : i32
    %add3A_248 = arith.addi %mul3A_2, %add3A_247 : i32
    %dma_start3A_249 = arith.constant 3 : i32
    %dma_start3A_250 = arith.constant 0 : i32
    %dma_start3A_251 = tpu.memref_slice %arg5[%dma_start3A_249, %add3A_248, %dma_start3A_250] : memref<4x2048x1024xf32, #tpu.memory_space<hbm>> -> memref<1x32x1024xf32, #tpu.memory_space<hbm>>
    %dma_start3A_252 = tpu.memref_squeeze %dma_start3A_251 : memref<1x32x1024xf32, #tpu.memory_space<hbm>> -> memref<32x1024xf32, #tpu.memory_space<hbm>>
    %dma_start3A_253 = arith.constant 0 : i32
    %dma_start3A_254 = tpu.memref_slice %arg5[%dma_start3A_249, %add3A_248, %dma_start3A_253] : memref<4x2048x1024xf32, #tpu.memory_space<hbm>> -> memref<1x32x1024xf32, #tpu.memory_space<hbm>>
    %dma_start3A_255 = tpu.memref_squeeze %dma_start3A_254 : memref<1x32x1024xf32, #tpu.memory_space<hbm>> -> memref<32x1024xf32, #tpu.memory_space<hbm>>
    tpu.enqueue_dma source(%arg8 : memref<32x1024xf32, #tpu.memory_space<vmem>>) target(%dma_start3A_255 : memref<32x1024xf32, #tpu.memory_space<hbm>>) target_semaphore(%arg11 : memref<!tpu.dma_semaphore, #tpu.memory_space<semaphore_mem>>)
    %dma_wait3A_256 = arith.constant 3 : i32
    %dma_wait3A_257 = arith.constant 0 : i32
    %dma_wait3A_258 = tpu.memref_slice %arg5[%dma_wait3A_256, %add3A_248, %dma_wait3A_257] : memref<4x2048x1024xf32, #tpu.memory_space<hbm>> -> memref<1x32x1024xf32, #tpu.memory_space<hbm>>
    %dma_wait3A_259 = tpu.memref_squeeze %dma_wait3A_258 : memref<1x32x1024xf32, #tpu.memory_space<hbm>> -> memref<32x1024xf32, #tpu.memory_space<hbm>>
    %dma_wait3A_260 = arith.constant 0 : i32
    %dma_wait3A_261 = tpu.memref_slice %arg5[%dma_wait3A_256, %add3A_248, %dma_wait3A_260] : memref<4x2048x1024xf32, #tpu.memory_space<hbm>> -> memref<1x32x1024xf32, #tpu.memory_space<hbm>>
    %dma_wait3A_262 = tpu.memref_squeeze %dma_wait3A_261 : memref<1x32x1024xf32, #tpu.memory_space<hbm>> -> memref<32x1024xf32, #tpu.memory_space<hbm>>
    tpu.wait_dma2 semaphore(%arg11 : memref<!tpu.dma_semaphore, #tpu.memory_space<semaphore_mem>>) src(%arg8 : memref<32x1024xf32, #tpu.memory_space<vmem>>) dst(%dma_wait3A_262 : memref<32x1024xf32, #tpu.memory_space<hbm>>)
    %dma_start3A_263 = arith.constant 1 : i32
    %dma_start3A_264 = arith.constant 32 : i32
    %dma_start3A_265 = tpu.memref_slice %arg6[%dma_start3A_263, %dma_start3A_264] : memref<4x64xi32, #tpu.memory_space<vmem>> -> memref<1x32xi32, #tpu.memory_space<vmem>>
    %dma_start3A_266 = tpu.memref_squeeze %dma_start3A_265 : memref<1x32xi32, #tpu.memory_space<vmem>> -> memref<32xi32, #tpu.memory_space<vmem>>
    %dma_start3A_267 = arith.constant 0 : i32
    %dma_start3A_268 = arith.constant 0 : i32
    %dma_start3A_269 = tpu.memref_slice %arg3[%dma_start3A_267, %dma_start3A_268] : memref<50257x1024xf32, #tpu.memory_space<hbm>> -> memref<50257x1024xf32, #tpu.memory_space<hbm>>
    tpu.enqueue_indirect_dma source(%dma_start3A_269 : memref<50257x1024xf32, #tpu.memory_space<hbm>>) target(%arg8 : memref<32x1024xf32, #tpu.memory_space<vmem>>) offsets(%dma_start3A_266 : memref<32xi32, #tpu.memory_space<vmem>>) semaphore(%arg10 : memref<!tpu.dma_semaphore, #tpu.memory_space<semaphore_mem>>)
    %dma_wait3A_270 = arith.constant 0 : i32
    %dma_wait3A_271 = arith.constant 32 : i32
    %dma_wait3A_272 = tpu.memref_slice %arg6[%dma_wait3A_270, %dma_wait3A_271] : memref<4x64xi32, #tpu.memory_space<vmem>> -> memref<1x32xi32, #tpu.memory_space<vmem>>
    %dma_wait3A_273 = tpu.memref_squeeze %dma_wait3A_272 : memref<1x32xi32, #tpu.memory_space<vmem>> -> memref<32xi32, #tpu.memory_space<vmem>>
    %dma_wait3A_274 = arith.constant 0 : i32
    %dma_wait3A_275 = arith.constant 0 : i32
    %dma_wait3A_276 = tpu.memref_slice %arg3[%dma_wait3A_274, %dma_wait3A_275] : memref<50257x1024xf32, #tpu.memory_space<hbm>> -> memref<50257x1024xf32, #tpu.memory_space<hbm>>
    tpu.wait_indirect_dma semaphore(%arg10 : memref<!tpu.dma_semaphore, #tpu.memory_space<semaphore_mem>>) src(%dma_wait3A_276 : memref<50257x1024xf32, #tpu.memory_space<hbm>>) dst(%arg7 : memref<32x1024xf32, #tpu.memory_space<vmem>>)
    %dma_wait3A_277 = arith.constant 0 : i32
    %dma_wait3A_278 = tpu.memref_slice %arg4[%add3A_242, %dma_wait3A_277] : memref<2048x1024xf32, #tpu.memory_space<hbm>> -> memref<32x1024xf32, #tpu.memory_space<hbm>>
    %dma_wait3A_279 = arith.constant 0 : i32
    %dma_wait3A_280 = tpu.memref_slice %arg4[%add3A_242, %dma_wait3A_279] : memref<2048x1024xf32, #tpu.memory_space<hbm>> -> memref<32x1024xf32, #tpu.memory_space<hbm>>
    tpu.wait_dma2 semaphore(%arg12 : memref<!tpu.dma_semaphore, #tpu.memory_space<semaphore_mem>>) src(%dma_wait3A_280 : memref<32x1024xf32, #tpu.memory_space<hbm>>) dst(%arg9 : memref<32x1024xf32, #tpu.memory_space<vmem>>)
    %scan3A_281 = arith.constant 0 : i32
    %scan3A_282 = arith.constant 0 : i32
    %scan3A_283 = arith.constant 2048 : i32
    %scan3A_284 = arith.addi %scan3A_282, %scan3A_283 : i32
    %scan3A_285 = arith.constant 8 : i32
    scf.for %scan3A_404 = %scan3A_282 to %scan3A_284 step %scan3A_285  : i32 {
      %shift_right_arithmetic3A = arith.constant 6 : i32
      %shift_right_arithmetic3A_405 = arith.shrsi %scan3A_404, %shift_right_arithmetic3A : i32
      %and3A = arith.constant 63 : i32
      %and3A_406 = arith.andi %scan3A_404, %and3A : i32
      %shift_left3A = arith.constant 4 : i32
      %shift_left3A_407 = arith.shli %and3A_406, %shift_left3A : i32
      %multiple_of3A = tpu.assume_multiple %shift_left3A_407, 16 : i32
      %get3A = arith.index_cast %shift_right_arithmetic3A_405 : i32 to index
      %get3A_408 = arith.index_cast %multiple_of3A : i32 to index
      %get3A_409 = tpu.vector_load %arg9[%get3A, %get3A_408] {strides = array<i32>} : memref<32x1024xf32, #tpu.memory_space<vmem>>, vector<1x16xf32>,
      %get3A_410 = vector.shape_cast %get3A_409 : vector<1x16xf32> to vector<16xf32>
      %swap3A = arith.index_cast %shift_right_arithmetic3A_405 : i32 to index
      %swap3A_411 = arith.index_cast %multiple_of3A : i32 to index
      %swap3A_412 = tpu.vector_load %arg7[%swap3A, %swap3A_411] {strides = array<i32>} : memref<32x1024xf32, #tpu.memory_space<vmem>>, vector<1x16xf32>,
      %swap3A_413 = vector.shape_cast %swap3A_412 : vector<1x16xf32> to vector<16xf32>
      %swap3A_414 = vector.shape_cast %get3A_410 : vector<16xf32> to vector<1x16xf32>
      tpu.vector_store %arg7[%swap3A, %swap3A_411], %swap3A_414 {add = true, strides = array<i32>} : memref<32x1024xf32, #tpu.memory_space<vmem>>, vector<1x16xf32>,
      %scan3A_415 = arith.constant 1 : i32
      %scan3A_416 = arith.addi %scan3A_404, %scan3A_415 : i32
      %shift_right_arithmetic3A_417 = arith.constant 6 : i32
      %shift_right_arithmetic3A_418 = arith.shrsi %scan3A_416, %shift_right_arithmetic3A_417 : i32
      %and3A_419 = arith.constant 63 : i32
      %and3A_420 = arith.andi %scan3A_416, %and3A_419 : i32
      %shift_left3A_421 = arith.constant 4 : i32
      %shift_left3A_422 = arith.shli %and3A_420, %shift_left3A_421 : i32
      %multiple_of3A_423 = tpu.assume_multiple %shift_left3A_422, 16 : i32
      %get3A_424 = arith.index_cast %shift_right_arithmetic3A_418 : i32 to index
      %get3A_425 = arith.index_cast %multiple_of3A_423 : i32 to index
      %get3A_426 = tpu.vector_load %arg9[%get3A_424, %get3A_425] {strides = array<i32>} : memref<32x1024xf32, #tpu.memory_space<vmem>>, vector<1x16xf32>,
      %get3A_427 = vector.shape_cast %get3A_426 : vector<1x16xf32> to vector<16xf32>
      %swap3A_428 = arith.index_cast %shift_right_arithmetic3A_418 : i32 to index
      %swap3A_429 = arith.index_cast %multiple_of3A_423 : i32 to index
      %swap3A_430 = tpu.vector_load %arg7[%swap3A_428, %swap3A_429] {strides = array<i32>} : memref<32x1024xf32, #tpu.memory_space<vmem>>, vector<1x16xf32>,
      %swap3A_431 = vector.shape_cast %swap3A_430 : vector<1x16xf32> to vector<16xf32>
      %swap3A_432 = vector.shape_cast %get3A_427 : vector<16xf32> to vector<1x16xf32>
      tpu.vector_store %arg7[%swap3A_428, %swap3A_429], %swap3A_432 {add = true, strides = array<i32>} : memref<32x1024xf32, #tpu.memory_space<vmem>>, vector<1x16xf32>,
      %scan3A_433 = arith.constant 2 : i32
      %scan3A_434 = arith.addi %scan3A_404, %scan3A_433 : i32
      %shift_right_arithmetic3A_435 = arith.constant 6 : i32
      %shift_right_arithmetic3A_436 = arith.shrsi %scan3A_434, %shift_right_arithmetic3A_435 : i32
      %and3A_437 = arith.constant 63 : i32
      %and3A_438 = arith.andi %scan3A_434, %and3A_437 : i32
      %shift_left3A_439 = arith.constant 4 : i32
      %shift_left3A_440 = arith.shli %and3A_438, %shift_left3A_439 : i32
      %multiple_of3A_441 = tpu.assume_multiple %shift_left3A_440, 16 : i32
      %get3A_442 = arith.index_cast %shift_right_arithmetic3A_436 : i32 to index
      %get3A_443 = arith.index_cast %multiple_of3A_441 : i32 to index
      %get3A_444 = tpu.vector_load %arg9[%get3A_442, %get3A_443] {strides = array<i32>} : memref<32x1024xf32, #tpu.memory_space<vmem>>, vector<1x16xf32>,
      %get3A_445 = vector.shape_cast %get3A_444 : vector<1x16xf32> to vector<16xf32>
      %swap3A_446 = arith.index_cast %shift_right_arithmetic3A_436 : i32 to index
      %swap3A_447 = arith.index_cast %multiple_of3A_441 : i32 to index
      %swap3A_448 = tpu.vector_load %arg7[%swap3A_446, %swap3A_447] {strides = array<i32>} : memref<32x1024xf32, #tpu.memory_space<vmem>>, vector<1x16xf32>,
      %swap3A_449 = vector.shape_cast %swap3A_448 : vector<1x16xf32> to vector<16xf32>
      %swap3A_450 = vector.shape_cast %get3A_445 : vector<16xf32> to vector<1x16xf32>
      tpu.vector_store %arg7[%swap3A_446, %swap3A_447], %swap3A_450 {add = true, strides = array<i32>} : memref<32x1024xf32, #tpu.memory_space<vmem>>, vector<1x16xf32>,
      %scan3A_451 = arith.constant 3 : i32
      %scan3A_452 = arith.addi %scan3A_404, %scan3A_451 : i32
      %shift_right_arithmetic3A_453 = arith.constant 6 : i32
      %shift_right_arithmetic3A_454 = arith.shrsi %scan3A_452, %shift_right_arithmetic3A_453 : i32
      %and3A_455 = arith.constant 63 : i32
      %and3A_456 = arith.andi %scan3A_452, %and3A_455 : i32
      %shift_left3A_457 = arith.constant 4 : i32
      %shift_left3A_458 = arith.shli %and3A_456, %shift_left3A_457 : i32
      %multiple_of3A_459 = tpu.assume_multiple %shift_left3A_458, 16 : i32
      %get3A_460 = arith.index_cast %shift_right_arithmetic3A_454 : i32 to index
      %get3A_461 = arith.index_cast %multiple_of3A_459 : i32 to index
      %get3A_462 = tpu.vector_load %arg9[%get3A_460, %get3A_461] {strides = array<i32>} : memref<32x1024xf32, #tpu.memory_space<vmem>>, vector<1x16xf32>,
      %get3A_463 = vector.shape_cast %get3A_462 : vector<1x16xf32> to vector<16xf32>
      %swap3A_464 = arith.index_cast %shift_right_arithmetic3A_454 : i32 to index
      %swap3A_465 = arith.index_cast %multiple_of3A_459 : i32 to index
      %swap3A_466 = tpu.vector_load %arg7[%swap3A_464, %swap3A_465] {strides = array<i32>} : memref<32x1024xf32, #tpu.memory_space<vmem>>, vector<1x16xf32>,
      %swap3A_467 = vector.shape_cast %swap3A_466 : vector<1x16xf32> to vector<16xf32>
      %swap3A_468 = vector.shape_cast %get3A_463 : vector<16xf32> to vector<1x16xf32>
      tpu.vector_store %arg7[%swap3A_464, %swap3A_465], %swap3A_468 {add = true, strides = array<i32>} : memref<32x1024xf32, #tpu.memory_space<vmem>>, vector<1x16xf32>,
      %scan3A_469 = arith.constant 4 : i32
      %scan3A_470 = arith.addi %scan3A_404, %scan3A_469 : i32
      %shift_right_arithmetic3A_471 = arith.constant 6 : i32
      %shift_right_arithmetic3A_472 = arith.shrsi %scan3A_470, %shift_right_arithmetic3A_471 : i32
      %and3A_473 = arith.constant 63 : i32
      %and3A_474 = arith.andi %scan3A_470, %and3A_473 : i32
      %shift_left3A_475 = arith.constant 4 : i32
      %shift_left3A_476 = arith.shli %and3A_474, %shift_left3A_475 : i32
      %multiple_of3A_477 = tpu.assume_multiple %shift_left3A_476, 16 : i32
      %get3A_478 = arith.index_cast %shift_right_arithmetic3A_472 : i32 to index
      %get3A_479 = arith.index_cast %multiple_of3A_477 : i32 to index
      %get3A_480 = tpu.vector_load %arg9[%get3A_478, %get3A_479] {strides = array<i32>} : memref<32x1024xf32, #tpu.memory_space<vmem>>, vector<1x16xf32>,
      %get3A_481 = vector.shape_cast %get3A_480 : vector<1x16xf32> to vector<16xf32>
      %swap3A_482 = arith.index_cast %shift_right_arithmetic3A_472 : i32 to index
      %swap3A_483 = arith.index_cast %multiple_of3A_477 : i32 to index
      %swap3A_484 = tpu.vector_load %arg7[%swap3A_482, %swap3A_483] {strides = array<i32>} : memref<32x1024xf32, #tpu.memory_space<vmem>>, vector<1x16xf32>,
      %swap3A_485 = vector.shape_cast %swap3A_484 : vector<1x16xf32> to vector<16xf32>
      %swap3A_486 = vector.shape_cast %get3A_481 : vector<16xf32> to vector<1x16xf32>
      tpu.vector_store %arg7[%swap3A_482, %swap3A_483], %swap3A_486 {add = true, strides = array<i32>} : memref<32x1024xf32, #tpu.memory_space<vmem>>, vector<1x16xf32>,
      %scan3A_487 = arith.constant 5 : i32
      %scan3A_488 = arith.addi %scan3A_404, %scan3A_487 : i32
      %shift_right_arithmetic3A_489 = arith.constant 6 : i32
      %shift_right_arithmetic3A_490 = arith.shrsi %scan3A_488, %shift_right_arithmetic3A_489 : i32
      %and3A_491 = arith.constant 63 : i32
      %and3A_492 = arith.andi %scan3A_488, %and3A_491 : i32
      %shift_left3A_493 = arith.constant 4 : i32
      %shift_left3A_494 = arith.shli %and3A_492, %shift_left3A_493 : i32
      %multiple_of3A_495 = tpu.assume_multiple %shift_left3A_494, 16 : i32
      %get3A_496 = arith.index_cast %shift_right_arithmetic3A_490 : i32 to index
      %get3A_497 = arith.index_cast %multiple_of3A_495 : i32 to index
      %get3A_498 = tpu.vector_load %arg9[%get3A_496, %get3A_497] {strides = array<i32>} : memref<32x1024xf32, #tpu.memory_space<vmem>>, vector<1x16xf32>,
      %get3A_499 = vector.shape_cast %get3A_498 : vector<1x16xf32> to vector<16xf32>
      %swap3A_500 = arith.index_cast %shift_right_arithmetic3A_490 : i32 to index
      %swap3A_501 = arith.index_cast %multiple_of3A_495 : i32 to index
      %swap3A_502 = tpu.vector_load %arg7[%swap3A_500, %swap3A_501] {strides = array<i32>} : memref<32x1024xf32, #tpu.memory_space<vmem>>, vector<1x16xf32>,
      %swap3A_503 = vector.shape_cast %swap3A_502 : vector<1x16xf32> to vector<16xf32>
      %swap3A_504 = vector.shape_cast %get3A_499 : vector<16xf32> to vector<1x16xf32>
      tpu.vector_store %arg7[%swap3A_500, %swap3A_501], %swap3A_504 {add = true, strides = array<i32>} : memref<32x1024xf32, #tpu.memory_space<vmem>>, vector<1x16xf32>,
      %scan3A_505 = arith.constant 6 : i32
      %scan3A_506 = arith.addi %scan3A_404, %scan3A_505 : i32
      %shift_right_arithmetic3A_507 = arith.constant 6 : i32
      %shift_right_arithmetic3A_508 = arith.shrsi %scan3A_506, %shift_right_arithmetic3A_507 : i32
      %and3A_509 = arith.constant 63 : i32
      %and3A_510 = arith.andi %scan3A_506, %and3A_509 : i32
      %shift_left3A_511 = arith.constant 4 : i32
      %shift_left3A_512 = arith.shli %and3A_510, %shift_left3A_511 : i32
      %multiple_of3A_513 = tpu.assume_multiple %shift_left3A_512, 16 : i32
      %get3A_514 = arith.index_cast %shift_right_arithmetic3A_508 : i32 to index
      %get3A_515 = arith.index_cast %multiple_of3A_513 : i32 to index
      %get3A_516 = tpu.vector_load %arg9[%get3A_514, %get3A_515] {strides = array<i32>} : memref<32x1024xf32, #tpu.memory_space<vmem>>, vector<1x16xf32>,
      %get3A_517 = vector.shape_cast %get3A_516 : vector<1x16xf32> to vector<16xf32>
      %swap3A_518 = arith.index_cast %shift_right_arithmetic3A_508 : i32 to index
      %swap3A_519 = arith.index_cast %multiple_of3A_513 : i32 to index
      %swap3A_520 = tpu.vector_load %arg7[%swap3A_518, %swap3A_519] {strides = array<i32>} : memref<32x1024xf32, #tpu.memory_space<vmem>>, vector<1x16xf32>,
      %swap3A_521 = vector.shape_cast %swap3A_520 : vector<1x16xf32> to vector<16xf32>
      %swap3A_522 = vector.shape_cast %get3A_517 : vector<16xf32> to vector<1x16xf32>
      tpu.vector_store %arg7[%swap3A_518, %swap3A_519], %swap3A_522 {add = true, strides = array<i32>} : memref<32x1024xf32, #tpu.memory_space<vmem>>, vector<1x16xf32>,
      %scan3A_523 = arith.constant 7 : i32
      %scan3A_524 = arith.addi %scan3A_404, %scan3A_523 : i32
      %shift_right_arithmetic3A_525 = arith.constant 6 : i32
      %shift_right_arithmetic3A_526 = arith.shrsi %scan3A_524, %shift_right_arithmetic3A_525 : i32
      %and3A_527 = arith.constant 63 : i32
      %and3A_528 = arith.andi %scan3A_524, %and3A_527 : i32
      %shift_left3A_529 = arith.constant 4 : i32
      %shift_left3A_530 = arith.shli %and3A_528, %shift_left3A_529 : i32
      %multiple_of3A_531 = tpu.assume_multiple %shift_left3A_530, 16 : i32
      %get3A_532 = arith.index_cast %shift_right_arithmetic3A_526 : i32 to index
      %get3A_533 = arith.index_cast %multiple_of3A_531 : i32 to index
      %get3A_534 = tpu.vector_load %arg9[%get3A_532, %get3A_533] {strides = array<i32>} : memref<32x1024xf32, #tpu.memory_space<vmem>>, vector<1x16xf32>,
      %get3A_535 = vector.shape_cast %get3A_534 : vector<1x16xf32> to vector<16xf32>
      %swap3A_536 = arith.index_cast %shift_right_arithmetic3A_526 : i32 to index
      %swap3A_537 = arith.index_cast %multiple_of3A_531 : i32 to index
      %swap3A_538 = tpu.vector_load %arg7[%swap3A_536, %swap3A_537] {strides = array<i32>} : memref<32x1024xf32, #tpu.memory_space<vmem>>, vector<1x16xf32>,
      %swap3A_539 = vector.shape_cast %swap3A_538 : vector<1x16xf32> to vector<16xf32>
      %swap3A_540 = vector.shape_cast %get3A_535 : vector<16xf32> to vector<1x16xf32>
      tpu.vector_store %arg7[%swap3A_536, %swap3A_537], %swap3A_540 {add = true, strides = array<i32>} : memref<32x1024xf32, #tpu.memory_space<vmem>>, vector<1x16xf32>,
    }
    %scan3A_286 = arith.constant 2048 : i32
    %add3A_287 = arith.constant 32 : i32
    %add3A_288 = arith.addi %mul3A_2, %add3A_287 : i32
    %dma_start3A_289 = arith.constant 0 : i32
    %dma_start3A_290 = arith.constant 0 : i32
    %dma_start3A_291 = tpu.memref_slice %arg5[%dma_start3A_289, %add3A_288, %dma_start3A_290] : memref<4x2048x1024xf32, #tpu.memory_space<hbm>> -> memref<1x32x1024xf32, #tpu.memory_space<hbm>>
    %dma_start3A_292 = tpu.memref_squeeze %dma_start3A_291 : memref<1x32x1024xf32, #tpu.memory_space<hbm>> -> memref<32x1024xf32, #tpu.memory_space<hbm>>
    %dma_start3A_293 = arith.constant 0 : i32
    %dma_start3A_294 = tpu.memref_slice %arg5[%dma_start3A_289, %add3A_288, %dma_start3A_293] : memref<4x2048x1024xf32, #tpu.memory_space<hbm>> -> memref<1x32x1024xf32, #tpu.memory_space<hbm>>
    %dma_start3A_295 = tpu.memref_squeeze %dma_start3A_294 : memref<1x32x1024xf32, #tpu.memory_space<hbm>> -> memref<32x1024xf32, #tpu.memory_space<hbm>>
    tpu.enqueue_dma source(%arg7 : memref<32x1024xf32, #tpu.memory_space<vmem>>) target(%dma_start3A_295 : memref<32x1024xf32, #tpu.memory_space<hbm>>) target_semaphore(%arg11 : memref<!tpu.dma_semaphore, #tpu.memory_space<semaphore_mem>>)
    %dma_wait3A_296 = arith.constant 0 : i32
    %dma_wait3A_297 = arith.constant 0 : i32
    %dma_wait3A_298 = tpu.memref_slice %arg5[%dma_wait3A_296, %add3A_288, %dma_wait3A_297] : memref<4x2048x1024xf32, #tpu.memory_space<hbm>> -> memref<1x32x1024xf32, #tpu.memory_space<hbm>>
    %dma_wait3A_299 = tpu.memref_squeeze %dma_wait3A_298 : memref<1x32x1024xf32, #tpu.memory_space<hbm>> -> memref<32x1024xf32, #tpu.memory_space<hbm>>
    %dma_wait3A_300 = arith.constant 0 : i32
    %dma_wait3A_301 = tpu.memref_slice %arg5[%dma_wait3A_296, %add3A_288, %dma_wait3A_300] : memref<4x2048x1024xf32, #tpu.memory_space<hbm>> -> memref<1x32x1024xf32, #tpu.memory_space<hbm>>
    %dma_wait3A_302 = tpu.memref_squeeze %dma_wait3A_301 : memref<1x32x1024xf32, #tpu.memory_space<hbm>> -> memref<32x1024xf32, #tpu.memory_space<hbm>>
    tpu.wait_dma2 semaphore(%arg11 : memref<!tpu.dma_semaphore, #tpu.memory_space<semaphore_mem>>) src(%arg7 : memref<32x1024xf32, #tpu.memory_space<vmem>>) dst(%dma_wait3A_302 : memref<32x1024xf32, #tpu.memory_space<hbm>>)
    %dma_start3A_303 = arith.constant 2 : i32
    %dma_start3A_304 = arith.constant 32 : i32
    %dma_start3A_305 = tpu.memref_slice %arg6[%dma_start3A_303, %dma_start3A_304] : memref<4x64xi32, #tpu.memory_space<vmem>> -> memref<1x32xi32, #tpu.memory_space<vmem>>
    %dma_start3A_306 = tpu.memref_squeeze %dma_start3A_305 : memref<1x32xi32, #tpu.memory_space<vmem>> -> memref<32xi32, #tpu.memory_space<vmem>>
    %dma_start3A_307 = arith.constant 0 : i32
    %dma_start3A_308 = arith.constant 0 : i32
    %dma_start3A_309 = tpu.memref_slice %arg3[%dma_start3A_307, %dma_start3A_308] : memref<50257x1024xf32, #tpu.memory_space<hbm>> -> memref<50257x1024xf32, #tpu.memory_space<hbm>>
    tpu.enqueue_indirect_dma source(%dma_start3A_309 : memref<50257x1024xf32, #tpu.memory_space<hbm>>) target(%arg7 : memref<32x1024xf32, #tpu.memory_space<vmem>>) offsets(%dma_start3A_306 : memref<32xi32, #tpu.memory_space<vmem>>) semaphore(%arg10 : memref<!tpu.dma_semaphore, #tpu.memory_space<semaphore_mem>>)
    %dma_wait3A_310 = arith.constant 1 : i32
    %dma_wait3A_311 = arith.constant 32 : i32
    %dma_wait3A_312 = tpu.memref_slice %arg6[%dma_wait3A_310, %dma_wait3A_311] : memref<4x64xi32, #tpu.memory_space<vmem>> -> memref<1x32xi32, #tpu.memory_space<vmem>>
    %dma_wait3A_313 = tpu.memref_squeeze %dma_wait3A_312 : memref<1x32xi32, #tpu.memory_space<vmem>> -> memref<32xi32, #tpu.memory_space<vmem>>
    %dma_wait3A_314 = arith.constant 0 : i32
    %dma_wait3A_315 = arith.constant 0 : i32
    %dma_wait3A_316 = tpu.memref_slice %arg3[%dma_wait3A_314, %dma_wait3A_315] : memref<50257x1024xf32, #tpu.memory_space<hbm>> -> memref<50257x1024xf32, #tpu.memory_space<hbm>>
    tpu.wait_indirect_dma semaphore(%arg10 : memref<!tpu.dma_semaphore, #tpu.memory_space<semaphore_mem>>) src(%dma_wait3A_316 : memref<50257x1024xf32, #tpu.memory_space<hbm>>) dst(%arg8 : memref<32x1024xf32, #tpu.memory_space<vmem>>)
    %scan3A_317 = arith.constant 0 : i32
    %scan3A_318 = arith.constant 0 : i32
    %scan3A_319 = arith.constant 2048 : i32
    %scan3A_320 = arith.addi %scan3A_318, %scan3A_319 : i32
    %scan3A_321 = arith.constant 8 : i32
    scf.for %scan3A_404 = %scan3A_318 to %scan3A_320 step %scan3A_321  : i32 {
      %shift_right_arithmetic3A = arith.constant 6 : i32
      %shift_right_arithmetic3A_405 = arith.shrsi %scan3A_404, %shift_right_arithmetic3A : i32
      %and3A = arith.constant 63 : i32
      %and3A_406 = arith.andi %scan3A_404, %and3A : i32
      %shift_left3A = arith.constant 4 : i32
      %shift_left3A_407 = arith.shli %and3A_406, %shift_left3A : i32
      %multiple_of3A = tpu.assume_multiple %shift_left3A_407, 16 : i32
      %get3A = arith.index_cast %shift_right_arithmetic3A_405 : i32 to index
      %get3A_408 = arith.index_cast %multiple_of3A : i32 to index
      %get3A_409 = tpu.vector_load %arg9[%get3A, %get3A_408] {strides = array<i32>} : memref<32x1024xf32, #tpu.memory_space<vmem>>, vector<1x16xf32>,
      %get3A_410 = vector.shape_cast %get3A_409 : vector<1x16xf32> to vector<16xf32>
      %swap3A = arith.index_cast %shift_right_arithmetic3A_405 : i32 to index
      %swap3A_411 = arith.index_cast %multiple_of3A : i32 to index
      %swap3A_412 = tpu.vector_load %arg8[%swap3A, %swap3A_411] {strides = array<i32>} : memref<32x1024xf32, #tpu.memory_space<vmem>>, vector<1x16xf32>,
      %swap3A_413 = vector.shape_cast %swap3A_412 : vector<1x16xf32> to vector<16xf32>
      %swap3A_414 = vector.shape_cast %get3A_410 : vector<16xf32> to vector<1x16xf32>
      tpu.vector_store %arg8[%swap3A, %swap3A_411], %swap3A_414 {add = true, strides = array<i32>} : memref<32x1024xf32, #tpu.memory_space<vmem>>, vector<1x16xf32>,
      %scan3A_415 = arith.constant 1 : i32
      %scan3A_416 = arith.addi %scan3A_404, %scan3A_415 : i32
      %shift_right_arithmetic3A_417 = arith.constant 6 : i32
      %shift_right_arithmetic3A_418 = arith.shrsi %scan3A_416, %shift_right_arithmetic3A_417 : i32
      %and3A_419 = arith.constant 63 : i32
      %and3A_420 = arith.andi %scan3A_416, %and3A_419 : i32
      %shift_left3A_421 = arith.constant 4 : i32
      %shift_left3A_422 = arith.shli %and3A_420, %shift_left3A_421 : i32
      %multiple_of3A_423 = tpu.assume_multiple %shift_left3A_422, 16 : i32
      %get3A_424 = arith.index_cast %shift_right_arithmetic3A_418 : i32 to index
      %get3A_425 = arith.index_cast %multiple_of3A_423 : i32 to index
      %get3A_426 = tpu.vector_load %arg9[%get3A_424, %get3A_425] {strides = array<i32>} : memref<32x1024xf32, #tpu.memory_space<vmem>>, vector<1x16xf32>,
      %get3A_427 = vector.shape_cast %get3A_426 : vector<1x16xf32> to vector<16xf32>
      %swap3A_428 = arith.index_cast %shift_right_arithmetic3A_418 : i32 to index
      %swap3A_429 = arith.index_cast %multiple_of3A_423 : i32 to index
      %swap3A_430 = tpu.vector_load %arg8[%swap3A_428, %swap3A_429] {strides = array<i32>} : memref<32x1024xf32, #tpu.memory_space<vmem>>, vector<1x16xf32>,
      %swap3A_431 = vector.shape_cast %swap3A_430 : vector<1x16xf32> to vector<16xf32>
      %swap3A_432 = vector.shape_cast %get3A_427 : vector<16xf32> to vector<1x16xf32>
      tpu.vector_store %arg8[%swap3A_428, %swap3A_429], %swap3A_432 {add = true, strides = array<i32>} : memref<32x1024xf32, #tpu.memory_space<vmem>>, vector<1x16xf32>,
      %scan3A_433 = arith.constant 2 : i32
      %scan3A_434 = arith.addi %scan3A_404, %scan3A_433 : i32
      %shift_right_arithmetic3A_435 = arith.constant 6 : i32
      %shift_right_arithmetic3A_436 = arith.shrsi %scan3A_434, %shift_right_arithmetic3A_435 : i32
      %and3A_437 = arith.constant 63 : i32
      %and3A_438 = arith.andi %scan3A_434, %and3A_437 : i32
      %shift_left3A_439 = arith.constant 4 : i32
      %shift_left3A_440 = arith.shli %and3A_438, %shift_left3A_439 : i32
      %multiple_of3A_441 = tpu.assume_multiple %shift_left3A_440, 16 : i32
      %get3A_442 = arith.index_cast %shift_right_arithmetic3A_436 : i32 to index
      %get3A_443 = arith.index_cast %multiple_of3A_441 : i32 to index
      %get3A_444 = tpu.vector_load %arg9[%get3A_442, %get3A_443] {strides = array<i32>} : memref<32x1024xf32, #tpu.memory_space<vmem>>, vector<1x16xf32>,
      %get3A_445 = vector.shape_cast %get3A_444 : vector<1x16xf32> to vector<16xf32>
      %swap3A_446 = arith.index_cast %shift_right_arithmetic3A_436 : i32 to index
      %swap3A_447 = arith.index_cast %multiple_of3A_441 : i32 to index
      %swap3A_448 = tpu.vector_load %arg8[%swap3A_446, %swap3A_447] {strides = array<i32>} : memref<32x1024xf32, #tpu.memory_space<vmem>>, vector<1x16xf32>,
      %swap3A_449 = vector.shape_cast %swap3A_448 : vector<1x16xf32> to vector<16xf32>
      %swap3A_450 = vector.shape_cast %get3A_445 : vector<16xf32> to vector<1x16xf32>
      tpu.vector_store %arg8[%swap3A_446, %swap3A_447], %swap3A_450 {add = true, strides = array<i32>} : memref<32x1024xf32, #tpu.memory_space<vmem>>, vector<1x16xf32>,
      %scan3A_451 = arith.constant 3 : i32
      %scan3A_452 = arith.addi %scan3A_404, %scan3A_451 : i32
      %shift_right_arithmetic3A_453 = arith.constant 6 : i32
      %shift_right_arithmetic3A_454 = arith.shrsi %scan3A_452, %shift_right_arithmetic3A_453 : i32
      %and3A_455 = arith.constant 63 : i32
      %and3A_456 = arith.andi %scan3A_452, %and3A_455 : i32
      %shift_left3A_457 = arith.constant 4 : i32
      %shift_left3A_458 = arith.shli %and3A_456, %shift_left3A_457 : i32
      %multiple_of3A_459 = tpu.assume_multiple %shift_left3A_458, 16 : i32
      %get3A_460 = arith.index_cast %shift_right_arithmetic3A_454 : i32 to index
      %get3A_461 = arith.index_cast %multiple_of3A_459 : i32 to index
      %get3A_462 = tpu.vector_load %arg9[%get3A_460, %get3A_461] {strides = array<i32>} : memref<32x1024xf32, #tpu.memory_space<vmem>>, vector<1x16xf32>,
      %get3A_463 = vector.shape_cast %get3A_462 : vector<1x16xf32> to vector<16xf32>
      %swap3A_464 = arith.index_cast %shift_right_arithmetic3A_454 : i32 to index
      %swap3A_465 = arith.index_cast %multiple_of3A_459 : i32 to index
      %swap3A_466 = tpu.vector_load %arg8[%swap3A_464, %swap3A_465] {strides = array<i32>} : memref<32x1024xf32, #tpu.memory_space<vmem>>, vector<1x16xf32>,
      %swap3A_467 = vector.shape_cast %swap3A_466 : vector<1x16xf32> to vector<16xf32>
      %swap3A_468 = vector.shape_cast %get3A_463 : vector<16xf32> to vector<1x16xf32>
      tpu.vector_store %arg8[%swap3A_464, %swap3A_465], %swap3A_468 {add = true, strides = array<i32>} : memref<32x1024xf32, #tpu.memory_space<vmem>>, vector<1x16xf32>,
      %scan3A_469 = arith.constant 4 : i32
      %scan3A_470 = arith.addi %scan3A_404, %scan3A_469 : i32
      %shift_right_arithmetic3A_471 = arith.constant 6 : i32
      %shift_right_arithmetic3A_472 = arith.shrsi %scan3A_470, %shift_right_arithmetic3A_471 : i32
      %and3A_473 = arith.constant 63 : i32
      %and3A_474 = arith.andi %scan3A_470, %and3A_473 : i32
      %shift_left3A_475 = arith.constant 4 : i32
      %shift_left3A_476 = arith.shli %and3A_474, %shift_left3A_475 : i32
      %multiple_of3A_477 = tpu.assume_multiple %shift_left3A_476, 16 : i32
      %get3A_478 = arith.index_cast %shift_right_arithmetic3A_472 : i32 to index
      %get3A_479 = arith.index_cast %multiple_of3A_477 : i32 to index
      %get3A_480 = tpu.vector_load %arg9[%get3A_478, %get3A_479] {strides = array<i32>} : memref<32x1024xf32, #tpu.memory_space<vmem>>, vector<1x16xf32>,
      %get3A_481 = vector.shape_cast %get3A_480 : vector<1x16xf32> to vector<16xf32>
      %swap3A_482 = arith.index_cast %shift_right_arithmetic3A_472 : i32 to index
      %swap3A_483 = arith.index_cast %multiple_of3A_477 : i32 to index
      %swap3A_484 = tpu.vector_load %arg8[%swap3A_482, %swap3A_483] {strides = array<i32>} : memref<32x1024xf32, #tpu.memory_space<vmem>>, vector<1x16xf32>,
      %swap3A_485 = vector.shape_cast %swap3A_484 : vector<1x16xf32> to vector<16xf32>
      %swap3A_486 = vector.shape_cast %get3A_481 : vector<16xf32> to vector<1x16xf32>
      tpu.vector_store %arg8[%swap3A_482, %swap3A_483], %swap3A_486 {add = true, strides = array<i32>} : memref<32x1024xf32, #tpu.memory_space<vmem>>, vector<1x16xf32>,
      %scan3A_487 = arith.constant 5 : i32
      %scan3A_488 = arith.addi %scan3A_404, %scan3A_487 : i32
      %shift_right_arithmetic3A_489 = arith.constant 6 : i32
      %shift_right_arithmetic3A_490 = arith.shrsi %scan3A_488, %shift_right_arithmetic3A_489 : i32
      %and3A_491 = arith.constant 63 : i32
      %and3A_492 = arith.andi %scan3A_488, %and3A_491 : i32
      %shift_left3A_493 = arith.constant 4 : i32
      %shift_left3A_494 = arith.shli %and3A_492, %shift_left3A_493 : i32
      %multiple_of3A_495 = tpu.assume_multiple %shift_left3A_494, 16 : i32
      %get3A_496 = arith.index_cast %shift_right_arithmetic3A_490 : i32 to index
      %get3A_497 = arith.index_cast %multiple_of3A_495 : i32 to index
      %get3A_498 = tpu.vector_load %arg9[%get3A_496, %get3A_497] {strides = array<i32>} : memref<32x1024xf32, #tpu.memory_space<vmem>>, vector<1x16xf32>,
      %get3A_499 = vector.shape_cast %get3A_498 : vector<1x16xf32> to vector<16xf32>
      %swap3A_500 = arith.index_cast %shift_right_arithmetic3A_490 : i32 to index
      %swap3A_501 = arith.index_cast %multiple_of3A_495 : i32 to index
      %swap3A_502 = tpu.vector_load %arg8[%swap3A_500, %swap3A_501] {strides = array<i32>} : memref<32x1024xf32, #tpu.memory_space<vmem>>, vector<1x16xf32>,
      %swap3A_503 = vector.shape_cast %swap3A_502 : vector<1x16xf32> to vector<16xf32>
      %swap3A_504 = vector.shape_cast %get3A_499 : vector<16xf32> to vector<1x16xf32>
      tpu.vector_store %arg8[%swap3A_500, %swap3A_501], %swap3A_504 {add = true, strides = array<i32>} : memref<32x1024xf32, #tpu.memory_space<vmem>>, vector<1x16xf32>,
      %scan3A_505 = arith.constant 6 : i32
      %scan3A_506 = arith.addi %scan3A_404, %scan3A_505 : i32
      %shift_right_arithmetic3A_507 = arith.constant 6 : i32
      %shift_right_arithmetic3A_508 = arith.shrsi %scan3A_506, %shift_right_arithmetic3A_507 : i32
      %and3A_509 = arith.constant 63 : i32
      %and3A_510 = arith.andi %scan3A_506, %and3A_509 : i32
      %shift_left3A_511 = arith.constant 4 : i32
      %shift_left3A_512 = arith.shli %and3A_510, %shift_left3A_511 : i32
      %multiple_of3A_513 = tpu.assume_multiple %shift_left3A_512, 16 : i32
      %get3A_514 = arith.index_cast %shift_right_arithmetic3A_508 : i32 to index
      %get3A_515 = arith.index_cast %multiple_of3A_513 : i32 to index
      %get3A_516 = tpu.vector_load %arg9[%get3A_514, %get3A_515] {strides = array<i32>} : memref<32x1024xf32, #tpu.memory_space<vmem>>, vector<1x16xf32>,
      %get3A_517 = vector.shape_cast %get3A_516 : vector<1x16xf32> to vector<16xf32>
      %swap3A_518 = arith.index_cast %shift_right_arithmetic3A_508 : i32 to index
      %swap3A_519 = arith.index_cast %multiple_of3A_513 : i32 to index
      %swap3A_520 = tpu.vector_load %arg8[%swap3A_518, %swap3A_519] {strides = array<i32>} : memref<32x1024xf32, #tpu.memory_space<vmem>>, vector<1x16xf32>,
      %swap3A_521 = vector.shape_cast %swap3A_520 : vector<1x16xf32> to vector<16xf32>
      %swap3A_522 = vector.shape_cast %get3A_517 : vector<16xf32> to vector<1x16xf32>
      tpu.vector_store %arg8[%swap3A_518, %swap3A_519], %swap3A_522 {add = true, strides = array<i32>} : memref<32x1024xf32, #tpu.memory_space<vmem>>, vector<1x16xf32>,
      %scan3A_523 = arith.constant 7 : i32
      %scan3A_524 = arith.addi %scan3A_404, %scan3A_523 : i32
      %shift_right_arithmetic3A_525 = arith.constant 6 : i32
      %shift_right_arithmetic3A_526 = arith.shrsi %scan3A_524, %shift_right_arithmetic3A_525 : i32
      %and3A_527 = arith.constant 63 : i32
      %and3A_528 = arith.andi %scan3A_524, %and3A_527 : i32
      %shift_left3A_529 = arith.constant 4 : i32
      %shift_left3A_530 = arith.shli %and3A_528, %shift_left3A_529 : i32
      %multiple_of3A_531 = tpu.assume_multiple %shift_left3A_530, 16 : i32
      %get3A_532 = arith.index_cast %shift_right_arithmetic3A_526 : i32 to index
      %get3A_533 = arith.index_cast %multiple_of3A_531 : i32 to index
      %get3A_534 = tpu.vector_load %arg9[%get3A_532, %get3A_533] {strides = array<i32>} : memref<32x1024xf32, #tpu.memory_space<vmem>>, vector<1x16xf32>,
      %get3A_535 = vector.shape_cast %get3A_534 : vector<1x16xf32> to vector<16xf32>
      %swap3A_536 = arith.index_cast %shift_right_arithmetic3A_526 : i32 to index
      %swap3A_537 = arith.index_cast %multiple_of3A_531 : i32 to index
      %swap3A_538 = tpu.vector_load %arg8[%swap3A_536, %swap3A_537] {strides = array<i32>} : memref<32x1024xf32, #tpu.memory_space<vmem>>, vector<1x16xf32>,
      %swap3A_539 = vector.shape_cast %swap3A_538 : vector<1x16xf32> to vector<16xf32>
      %swap3A_540 = vector.shape_cast %get3A_535 : vector<16xf32> to vector<1x16xf32>
      tpu.vector_store %arg8[%swap3A_536, %swap3A_537], %swap3A_540 {add = true, strides = array<i32>} : memref<32x1024xf32, #tpu.memory_space<vmem>>, vector<1x16xf32>,
    }
    %scan3A_322 = arith.constant 2048 : i32
    %add3A_323 = arith.constant 32 : i32
    %add3A_324 = arith.addi %mul3A_2, %add3A_323 : i32
    %dma_start3A_325 = arith.constant 1 : i32
    %dma_start3A_326 = arith.constant 0 : i32
    %dma_start3A_327 = tpu.memref_slice %arg5[%dma_start3A_325, %add3A_324, %dma_start3A_326] : memref<4x2048x1024xf32, #tpu.memory_space<hbm>> -> memref<1x32x1024xf32, #tpu.memory_space<hbm>>
    %dma_start3A_328 = tpu.memref_squeeze %dma_start3A_327 : memref<1x32x1024xf32, #tpu.memory_space<hbm>> -> memref<32x1024xf32, #tpu.memory_space<hbm>>
    %dma_start3A_329 = arith.constant 0 : i32
    %dma_start3A_330 = tpu.memref_slice %arg5[%dma_start3A_325, %add3A_324, %dma_start3A_329] : memref<4x2048x1024xf32, #tpu.memory_space<hbm>> -> memref<1x32x1024xf32, #tpu.memory_space<hbm>>
    %dma_start3A_331 = tpu.memref_squeeze %dma_start3A_330 : memref<1x32x1024xf32, #tpu.memory_space<hbm>> -> memref<32x1024xf32, #tpu.memory_space<hbm>>
    tpu.enqueue_dma source(%arg8 : memref<32x1024xf32, #tpu.memory_space<vmem>>) target(%dma_start3A_331 : memref<32x1024xf32, #tpu.memory_space<hbm>>) target_semaphore(%arg11 : memref<!tpu.dma_semaphore, #tpu.memory_space<semaphore_mem>>)
    %dma_wait3A_332 = arith.constant 1 : i32
    %dma_wait3A_333 = arith.constant 0 : i32
    %dma_wait3A_334 = tpu.memref_slice %arg5[%dma_wait3A_332, %add3A_324, %dma_wait3A_333] : memref<4x2048x1024xf32, #tpu.memory_space<hbm>> -> memref<1x32x1024xf32, #tpu.memory_space<hbm>>
    %dma_wait3A_335 = tpu.memref_squeeze %dma_wait3A_334 : memref<1x32x1024xf32, #tpu.memory_space<hbm>> -> memref<32x1024xf32, #tpu.memory_space<hbm>>
    %dma_wait3A_336 = arith.constant 0 : i32
    %dma_wait3A_337 = tpu.memref_slice %arg5[%dma_wait3A_332, %add3A_324, %dma_wait3A_336] : memref<4x2048x1024xf32, #tpu.memory_space<hbm>> -> memref<1x32x1024xf32, #tpu.memory_space<hbm>>
    %dma_wait3A_338 = tpu.memref_squeeze %dma_wait3A_337 : memref<1x32x1024xf32, #tpu.memory_space<hbm>> -> memref<32x1024xf32, #tpu.memory_space<hbm>>
    tpu.wait_dma2 semaphore(%arg11 : memref<!tpu.dma_semaphore, #tpu.memory_space<semaphore_mem>>) src(%arg8 : memref<32x1024xf32, #tpu.memory_space<vmem>>) dst(%dma_wait3A_338 : memref<32x1024xf32, #tpu.memory_space<hbm>>)
    %dma_start3A_339 = arith.constant 3 : i32
    %dma_start3A_340 = arith.constant 32 : i32
    %dma_start3A_341 = tpu.memref_slice %arg6[%dma_start3A_339, %dma_start3A_340] : memref<4x64xi32, #tpu.memory_space<vmem>> -> memref<1x32xi32, #tpu.memory_space<vmem>>
    %dma_start3A_342 = tpu.memref_squeeze %dma_start3A_341 : memref<1x32xi32, #tpu.memory_space<vmem>> -> memref<32xi32, #tpu.memory_space<vmem>>
    %dma_start3A_343 = arith.constant 0 : i32
    %dma_start3A_344 = arith.constant 0 : i32
    %dma_start3A_345 = tpu.memref_slice %arg3[%dma_start3A_343, %dma_start3A_344] : memref<50257x1024xf32, #tpu.memory_space<hbm>> -> memref<50257x1024xf32, #tpu.memory_space<hbm>>
    tpu.enqueue_indirect_dma source(%dma_start3A_345 : memref<50257x1024xf32, #tpu.memory_space<hbm>>) target(%arg8 : memref<32x1024xf32, #tpu.memory_space<vmem>>) offsets(%dma_start3A_342 : memref<32xi32, #tpu.memory_space<vmem>>) semaphore(%arg10 : memref<!tpu.dma_semaphore, #tpu.memory_space<semaphore_mem>>)
    %dma_wait3A_346 = arith.constant 2 : i32
    %dma_wait3A_347 = arith.constant 32 : i32
    %dma_wait3A_348 = tpu.memref_slice %arg6[%dma_wait3A_346, %dma_wait3A_347] : memref<4x64xi32, #tpu.memory_space<vmem>> -> memref<1x32xi32, #tpu.memory_space<vmem>>
    %dma_wait3A_349 = tpu.memref_squeeze %dma_wait3A_348 : memref<1x32xi32, #tpu.memory_space<vmem>> -> memref<32xi32, #tpu.memory_space<vmem>>
    %dma_wait3A_350 = arith.constant 0 : i32
    %dma_wait3A_351 = arith.constant 0 : i32
    %dma_wait3A_352 = tpu.memref_slice %arg3[%dma_wait3A_350, %dma_wait3A_351] : memref<50257x1024xf32, #tpu.memory_space<hbm>> -> memref<50257x1024xf32, #tpu.memory_space<hbm>>
    tpu.wait_indirect_dma semaphore(%arg10 : memref<!tpu.dma_semaphore, #tpu.memory_space<semaphore_mem>>) src(%dma_wait3A_352 : memref<50257x1024xf32, #tpu.memory_space<hbm>>) dst(%arg7 : memref<32x1024xf32, #tpu.memory_space<vmem>>)
    %scan3A_353 = arith.constant 0 : i32
    %scan3A_354 = arith.constant 0 : i32
    %scan3A_355 = arith.constant 2048 : i32
    %scan3A_356 = arith.addi %scan3A_354, %scan3A_355 : i32
    %scan3A_357 = arith.constant 8 : i32
    scf.for %scan3A_404 = %scan3A_354 to %scan3A_356 step %scan3A_357  : i32 {
      %shift_right_arithmetic3A = arith.constant 6 : i32
      %shift_right_arithmetic3A_405 = arith.shrsi %scan3A_404, %shift_right_arithmetic3A : i32
      %and3A = arith.constant 63 : i32
      %and3A_406 = arith.andi %scan3A_404, %and3A : i32
      %shift_left3A = arith.constant 4 : i32
      %shift_left3A_407 = arith.shli %and3A_406, %shift_left3A : i32
      %multiple_of3A = tpu.assume_multiple %shift_left3A_407, 16 : i32
      %get3A = arith.index_cast %shift_right_arithmetic3A_405 : i32 to index
      %get3A_408 = arith.index_cast %multiple_of3A : i32 to index
      %get3A_409 = tpu.vector_load %arg9[%get3A, %get3A_408] {strides = array<i32>} : memref<32x1024xf32, #tpu.memory_space<vmem>>, vector<1x16xf32>,
      %get3A_410 = vector.shape_cast %get3A_409 : vector<1x16xf32> to vector<16xf32>
      %swap3A = arith.index_cast %shift_right_arithmetic3A_405 : i32 to index
      %swap3A_411 = arith.index_cast %multiple_of3A : i32 to index
      %swap3A_412 = tpu.vector_load %arg7[%swap3A, %swap3A_411] {strides = array<i32>} : memref<32x1024xf32, #tpu.memory_space<vmem>>, vector<1x16xf32>,
      %swap3A_413 = vector.shape_cast %swap3A_412 : vector<1x16xf32> to vector<16xf32>
      %swap3A_414 = vector.shape_cast %get3A_410 : vector<16xf32> to vector<1x16xf32>
      tpu.vector_store %arg7[%swap3A, %swap3A_411], %swap3A_414 {add = true, strides = array<i32>} : memref<32x1024xf32, #tpu.memory_space<vmem>>, vector<1x16xf32>,
      %scan3A_415 = arith.constant 1 : i32
      %scan3A_416 = arith.addi %scan3A_404, %scan3A_415 : i32
      %shift_right_arithmetic3A_417 = arith.constant 6 : i32
      %shift_right_arithmetic3A_418 = arith.shrsi %scan3A_416, %shift_right_arithmetic3A_417 : i32
      %and3A_419 = arith.constant 63 : i32
      %and3A_420 = arith.andi %scan3A_416, %and3A_419 : i32
      %shift_left3A_421 = arith.constant 4 : i32
      %shift_left3A_422 = arith.shli %and3A_420, %shift_left3A_421 : i32
      %multiple_of3A_423 = tpu.assume_multiple %shift_left3A_422, 16 : i32
      %get3A_424 = arith.index_cast %shift_right_arithmetic3A_418 : i32 to index
      %get3A_425 = arith.index_cast %multiple_of3A_423 : i32 to index
      %get3A_426 = tpu.vector_load %arg9[%get3A_424, %get3A_425] {strides = array<i32>} : memref<32x1024xf32, #tpu.memory_space<vmem>>, vector<1x16xf32>,
      %get3A_427 = vector.shape_cast %get3A_426 : vector<1x16xf32> to vector<16xf32>
      %swap3A_428 = arith.index_cast %shift_right_arithmetic3A_418 : i32 to index
      %swap3A_429 = arith.index_cast %multiple_of3A_423 : i32 to index
      %swap3A_430 = tpu.vector_load %arg7[%swap3A_428, %swap3A_429] {strides = array<i32>} : memref<32x1024xf32, #tpu.memory_space<vmem>>, vector<1x16xf32>,
      %swap3A_431 = vector.shape_cast %swap3A_430 : vector<1x16xf32> to vector<16xf32>
      %swap3A_432 = vector.shape_cast %get3A_427 : vector<16xf32> to vector<1x16xf32>
      tpu.vector_store %arg7[%swap3A_428, %swap3A_429], %swap3A_432 {add = true, strides = array<i32>} : memref<32x1024xf32, #tpu.memory_space<vmem>>, vector<1x16xf32>,
      %scan3A_433 = arith.constant 2 : i32
      %scan3A_434 = arith.addi %scan3A_404, %scan3A_433 : i32
      %shift_right_arithmetic3A_435 = arith.constant 6 : i32
      %shift_right_arithmetic3A_436 = arith.shrsi %scan3A_434, %shift_right_arithmetic3A_435 : i32
      %and3A_437 = arith.constant 63 : i32
      %and3A_438 = arith.andi %scan3A_434, %and3A_437 : i32
      %shift_left3A_439 = arith.constant 4 : i32
      %shift_left3A_440 = arith.shli %and3A_438, %shift_left3A_439 : i32
      %multiple_of3A_441 = tpu.assume_multiple %shift_left3A_440, 16 : i32
      %get3A_442 = arith.index_cast %shift_right_arithmetic3A_436 : i32 to index
      %get3A_443 = arith.index_cast %multiple_of3A_441 : i32 to index
      %get3A_444 = tpu.vector_load %arg9[%get3A_442, %get3A_443] {strides = array<i32>} : memref<32x1024xf32, #tpu.memory_space<vmem>>, vector<1x16xf32>,
      %get3A_445 = vector.shape_cast %get3A_444 : vector<1x16xf32> to vector<16xf32>
      %swap3A_446 = arith.index_cast %shift_right_arithmetic3A_436 : i32 to index
      %swap3A_447 = arith.index_cast %multiple_of3A_441 : i32 to index
      %swap3A_448 = tpu.vector_load %arg7[%swap3A_446, %swap3A_447] {strides = array<i32>} : memref<32x1024xf32, #tpu.memory_space<vmem>>, vector<1x16xf32>,
      %swap3A_449 = vector.shape_cast %swap3A_448 : vector<1x16xf32> to vector<16xf32>
      %swap3A_450 = vector.shape_cast %get3A_445 : vector<16xf32> to vector<1x16xf32>
      tpu.vector_store %arg7[%swap3A_446, %swap3A_447], %swap3A_450 {add = true, strides = array<i32>} : memref<32x1024xf32, #tpu.memory_space<vmem>>, vector<1x16xf32>,
      %scan3A_451 = arith.constant 3 : i32
      %scan3A_452 = arith.addi %scan3A_404, %scan3A_451 : i32
      %shift_right_arithmetic3A_453 = arith.constant 6 : i32
      %shift_right_arithmetic3A_454 = arith.shrsi %scan3A_452, %shift_right_arithmetic3A_453 : i32
      %and3A_455 = arith.constant 63 : i32
      %and3A_456 = arith.andi %scan3A_452, %and3A_455 : i32
      %shift_left3A_457 = arith.constant 4 : i32
      %shift_left3A_458 = arith.shli %and3A_456, %shift_left3A_457 : i32
      %multiple_of3A_459 = tpu.assume_multiple %shift_left3A_458, 16 : i32
      %get3A_460 = arith.index_cast %shift_right_arithmetic3A_454 : i32 to index
      %get3A_461 = arith.index_cast %multiple_of3A_459 : i32 to index
      %get3A_462 = tpu.vector_load %arg9[%get3A_460, %get3A_461] {strides = array<i32>} : memref<32x1024xf32, #tpu.memory_space<vmem>>, vector<1x16xf32>,
      %get3A_463 = vector.shape_cast %get3A_462 : vector<1x16xf32> to vector<16xf32>
      %swap3A_464 = arith.index_cast %shift_right_arithmetic3A_454 : i32 to index
      %swap3A_465 = arith.index_cast %multiple_of3A_459 : i32 to index
      %swap3A_466 = tpu.vector_load %arg7[%swap3A_464, %swap3A_465] {strides = array<i32>} : memref<32x1024xf32, #tpu.memory_space<vmem>>, vector<1x16xf32>,
      %swap3A_467 = vector.shape_cast %swap3A_466 : vector<1x16xf32> to vector<16xf32>
      %swap3A_468 = vector.shape_cast %get3A_463 : vector<16xf32> to vector<1x16xf32>
      tpu.vector_store %arg7[%swap3A_464, %swap3A_465], %swap3A_468 {add = true, strides = array<i32>} : memref<32x1024xf32, #tpu.memory_space<vmem>>, vector<1x16xf32>,
      %scan3A_469 = arith.constant 4 : i32
      %scan3A_470 = arith.addi %scan3A_404, %scan3A_469 : i32
      %shift_right_arithmetic3A_471 = arith.constant 6 : i32
      %shift_right_arithmetic3A_472 = arith.shrsi %scan3A_470, %shift_right_arithmetic3A_471 : i32
      %and3A_473 = arith.constant 63 : i32
      %and3A_474 = arith.andi %scan3A_470, %and3A_473 : i32
      %shift_left3A_475 = arith.constant 4 : i32
      %shift_left3A_476 = arith.shli %and3A_474, %shift_left3A_475 : i32
      %multiple_of3A_477 = tpu.assume_multiple %shift_left3A_476, 16 : i32
      %get3A_478 = arith.index_cast %shift_right_arithmetic3A_472 : i32 to index
      %get3A_479 = arith.index_cast %multiple_of3A_477 : i32 to index
      %get3A_480 = tpu.vector_load %arg9[%get3A_478, %get3A_479] {strides = array<i32>} : memref<32x1024xf32, #tpu.memory_space<vmem>>, vector<1x16xf32>,
      %get3A_481 = vector.shape_cast %get3A_480 : vector<1x16xf32> to vector<16xf32>
      %swap3A_482 = arith.index_cast %shift_right_arithmetic3A_472 : i32 to index
      %swap3A_483 = arith.index_cast %multiple_of3A_477 : i32 to index
      %swap3A_484 = tpu.vector_load %arg7[%swap3A_482, %swap3A_483] {strides = array<i32>} : memref<32x1024xf32, #tpu.memory_space<vmem>>, vector<1x16xf32>,
      %swap3A_485 = vector.shape_cast %swap3A_484 : vector<1x16xf32> to vector<16xf32>
      %swap3A_486 = vector.shape_cast %get3A_481 : vector<16xf32> to vector<1x16xf32>
      tpu.vector_store %arg7[%swap3A_482, %swap3A_483], %swap3A_486 {add = true, strides = array<i32>} : memref<32x1024xf32, #tpu.memory_space<vmem>>, vector<1x16xf32>,
      %scan3A_487 = arith.constant 5 : i32
      %scan3A_488 = arith.addi %scan3A_404, %scan3A_487 : i32
      %shift_right_arithmetic3A_489 = arith.constant 6 : i32
      %shift_right_arithmetic3A_490 = arith.shrsi %scan3A_488, %shift_right_arithmetic3A_489 : i32
      %and3A_491 = arith.constant 63 : i32
      %and3A_492 = arith.andi %scan3A_488, %and3A_491 : i32
      %shift_left3A_493 = arith.constant 4 : i32
      %shift_left3A_494 = arith.shli %and3A_492, %shift_left3A_493 : i32
      %multiple_of3A_495 = tpu.assume_multiple %shift_left3A_494, 16 : i32
      %get3A_496 = arith.index_cast %shift_right_arithmetic3A_490 : i32 to index
      %get3A_497 = arith.index_cast %multiple_of3A_495 : i32 to index
      %get3A_498 = tpu.vector_load %arg9[%get3A_496, %get3A_497] {strides = array<i32>} : memref<32x1024xf32, #tpu.memory_space<vmem>>, vector<1x16xf32>,
      %get3A_499 = vector.shape_cast %get3A_498 : vector<1x16xf32> to vector<16xf32>
      %swap3A_500 = arith.index_cast %shift_right_arithmetic3A_490 : i32 to index
      %swap3A_501 = arith.index_cast %multiple_of3A_495 : i32 to index
      %swap3A_502 = tpu.vector_load %arg7[%swap3A_500, %swap3A_501] {strides = array<i32>} : memref<32x1024xf32, #tpu.memory_space<vmem>>, vector<1x16xf32>,
      %swap3A_503 = vector.shape_cast %swap3A_502 : vector<1x16xf32> to vector<16xf32>
      %swap3A_504 = vector.shape_cast %get3A_499 : vector<16xf32> to vector<1x16xf32>
      tpu.vector_store %arg7[%swap3A_500, %swap3A_501], %swap3A_504 {add = true, strides = array<i32>} : memref<32x1024xf32, #tpu.memory_space<vmem>>, vector<1x16xf32>,
      %scan3A_505 = arith.constant 6 : i32
      %scan3A_506 = arith.addi %scan3A_404, %scan3A_505 : i32
      %shift_right_arithmetic3A_507 = arith.constant 6 : i32
      %shift_right_arithmetic3A_508 = arith.shrsi %scan3A_506, %shift_right_arithmetic3A_507 : i32
      %and3A_509 = arith.constant 63 : i32
      %and3A_510 = arith.andi %scan3A_506, %and3A_509 : i32
      %shift_left3A_511 = arith.constant 4 : i32
      %shift_left3A_512 = arith.shli %and3A_510, %shift_left3A_511 : i32
      %multiple_of3A_513 = tpu.assume_multiple %shift_left3A_512, 16 : i32
      %get3A_514 = arith.index_cast %shift_right_arithmetic3A_508 : i32 to index
      %get3A_515 = arith.index_cast %multiple_of3A_513 : i32 to index
      %get3A_516 = tpu.vector_load %arg9[%get3A_514, %get3A_515] {strides = array<i32>} : memref<32x1024xf32, #tpu.memory_space<vmem>>, vector<1x16xf32>,
      %get3A_517 = vector.shape_cast %get3A_516 : vector<1x16xf32> to vector<16xf32>
      %swap3A_518 = arith.index_cast %shift_right_arithmetic3A_508 : i32 to index
      %swap3A_519 = arith.index_cast %multiple_of3A_513 : i32 to index
      %swap3A_520 = tpu.vector_load %arg7[%swap3A_518, %swap3A_519] {strides = array<i32>} : memref<32x1024xf32, #tpu.memory_space<vmem>>, vector<1x16xf32>,
      %swap3A_521 = vector.shape_cast %swap3A_520 : vector<1x16xf32> to vector<16xf32>
      %swap3A_522 = vector.shape_cast %get3A_517 : vector<16xf32> to vector<1x16xf32>
      tpu.vector_store %arg7[%swap3A_518, %swap3A_519], %swap3A_522 {add = true, strides = array<i32>} : memref<32x1024xf32, #tpu.memory_space<vmem>>, vector<1x16xf32>,
      %scan3A_523 = arith.constant 7 : i32
      %scan3A_524 = arith.addi %scan3A_404, %scan3A_523 : i32
      %shift_right_arithmetic3A_525 = arith.constant 6 : i32
      %shift_right_arithmetic3A_526 = arith.shrsi %scan3A_524, %shift_right_arithmetic3A_525 : i32
      %and3A_527 = arith.constant 63 : i32
      %and3A_528 = arith.andi %scan3A_524, %and3A_527 : i32
      %shift_left3A_529 = arith.constant 4 : i32
      %shift_left3A_530 = arith.shli %and3A_528, %shift_left3A_529 : i32
      %multiple_of3A_531 = tpu.assume_multiple %shift_left3A_530, 16 : i32
      %get3A_532 = arith.index_cast %shift_right_arithmetic3A_526 : i32 to index
      %get3A_533 = arith.index_cast %multiple_of3A_531 : i32 to index
      %get3A_534 = tpu.vector_load %arg9[%get3A_532, %get3A_533] {strides = array<i32>} : memref<32x1024xf32, #tpu.memory_space<vmem>>, vector<1x16xf32>,
      %get3A_535 = vector.shape_cast %get3A_534 : vector<1x16xf32> to vector<16xf32>
      %swap3A_536 = arith.index_cast %shift_right_arithmetic3A_526 : i32 to index
      %swap3A_537 = arith.index_cast %multiple_of3A_531 : i32 to index
      %swap3A_538 = tpu.vector_load %arg7[%swap3A_536, %swap3A_537] {strides = array<i32>} : memref<32x1024xf32, #tpu.memory_space<vmem>>, vector<1x16xf32>,
      %swap3A_539 = vector.shape_cast %swap3A_538 : vector<1x16xf32> to vector<16xf32>
      %swap3A_540 = vector.shape_cast %get3A_535 : vector<16xf32> to vector<1x16xf32>
      tpu.vector_store %arg7[%swap3A_536, %swap3A_537], %swap3A_540 {add = true, strides = array<i32>} : memref<32x1024xf32, #tpu.memory_space<vmem>>, vector<1x16xf32>,
    }
    %scan3A_358 = arith.constant 2048 : i32
    %add3A_359 = arith.constant 32 : i32
    %add3A_360 = arith.addi %mul3A_2, %add3A_359 : i32
    %dma_start3A_361 = arith.constant 2 : i32
    %dma_start3A_362 = arith.constant 0 : i32
    %dma_start3A_363 = tpu.memref_slice %arg5[%dma_start3A_361, %add3A_360, %dma_start3A_362] : memref<4x2048x1024xf32, #tpu.memory_space<hbm>> -> memref<1x32x1024xf32, #tpu.memory_space<hbm>>
    %dma_start3A_364 = tpu.memref_squeeze %dma_start3A_363 : memref<1x32x1024xf32, #tpu.memory_space<hbm>> -> memref<32x1024xf32, #tpu.memory_space<hbm>>
    %dma_start3A_365 = arith.constant 0 : i32
    %dma_start3A_366 = tpu.memref_slice %arg5[%dma_start3A_361, %add3A_360, %dma_start3A_365] : memref<4x2048x1024xf32, #tpu.memory_space<hbm>> -> memref<1x32x1024xf32, #tpu.memory_space<hbm>>
    %dma_start3A_367 = tpu.memref_squeeze %dma_start3A_366 : memref<1x32x1024xf32, #tpu.memory_space<hbm>> -> memref<32x1024xf32, #tpu.memory_space<hbm>>
    tpu.enqueue_dma source(%arg7 : memref<32x1024xf32, #tpu.memory_space<vmem>>) target(%dma_start3A_367 : memref<32x1024xf32, #tpu.memory_space<hbm>>) target_semaphore(%arg11 : memref<!tpu.dma_semaphore, #tpu.memory_space<semaphore_mem>>)
    %dma_wait3A_368 = arith.constant 3 : i32
    %dma_wait3A_369 = arith.constant 32 : i32
    %dma_wait3A_370 = tpu.memref_slice %arg6[%dma_wait3A_368, %dma_wait3A_369] : memref<4x64xi32, #tpu.memory_space<vmem>> -> memref<1x32xi32, #tpu.memory_space<vmem>>
    %dma_wait3A_371 = tpu.memref_squeeze %dma_wait3A_370 : memref<1x32xi32, #tpu.memory_space<vmem>> -> memref<32xi32, #tpu.memory_space<vmem>>
    %dma_wait3A_372 = arith.constant 0 : i32
    %dma_wait3A_373 = arith.constant 0 : i32
    %dma_wait3A_374 = tpu.memref_slice %arg3[%dma_wait3A_372, %dma_wait3A_373] : memref<50257x1024xf32, #tpu.memory_space<hbm>> -> memref<50257x1024xf32, #tpu.memory_space<hbm>>
    tpu.wait_indirect_dma semaphore(%arg10 : memref<!tpu.dma_semaphore, #tpu.memory_space<semaphore_mem>>) src(%dma_wait3A_374 : memref<50257x1024xf32, #tpu.memory_space<hbm>>) dst(%arg8 : memref<32x1024xf32, #tpu.memory_space<vmem>>)
    %scan3A_375 = arith.constant 0 : i32
    %scan3A_376 = arith.constant 0 : i32
    %scan3A_377 = arith.constant 2048 : i32
    %scan3A_378 = arith.addi %scan3A_376, %scan3A_377 : i32
    %scan3A_379 = arith.constant 8 : i32
    scf.for %scan3A_404 = %scan3A_376 to %scan3A_378 step %scan3A_379  : i32 {
      %shift_right_arithmetic3A = arith.constant 6 : i32
      %shift_right_arithmetic3A_405 = arith.shrsi %scan3A_404, %shift_right_arithmetic3A : i32
      %and3A = arith.constant 63 : i32
      %and3A_406 = arith.andi %scan3A_404, %and3A : i32
      %shift_left3A = arith.constant 4 : i32
      %shift_left3A_407 = arith.shli %and3A_406, %shift_left3A : i32
      %multiple_of3A = tpu.assume_multiple %shift_left3A_407, 16 : i32
      %get3A = arith.index_cast %shift_right_arithmetic3A_405 : i32 to index
      %get3A_408 = arith.index_cast %multiple_of3A : i32 to index
      %get3A_409 = tpu.vector_load %arg9[%get3A, %get3A_408] {strides = array<i32>} : memref<32x1024xf32, #tpu.memory_space<vmem>>, vector<1x16xf32>,
      %get3A_410 = vector.shape_cast %get3A_409 : vector<1x16xf32> to vector<16xf32>
      %swap3A = arith.index_cast %shift_right_arithmetic3A_405 : i32 to index
      %swap3A_411 = arith.index_cast %multiple_of3A : i32 to index
      %swap3A_412 = tpu.vector_load %arg8[%swap3A, %swap3A_411] {strides = array<i32>} : memref<32x1024xf32, #tpu.memory_space<vmem>>, vector<1x16xf32>,
      %swap3A_413 = vector.shape_cast %swap3A_412 : vector<1x16xf32> to vector<16xf32>
      %swap3A_414 = vector.shape_cast %get3A_410 : vector<16xf32> to vector<1x16xf32>
      tpu.vector_store %arg8[%swap3A, %swap3A_411], %swap3A_414 {add = true, strides = array<i32>} : memref<32x1024xf32, #tpu.memory_space<vmem>>, vector<1x16xf32>,
      %scan3A_415 = arith.constant 1 : i32
      %scan3A_416 = arith.addi %scan3A_404, %scan3A_415 : i32
      %shift_right_arithmetic3A_417 = arith.constant 6 : i32
      %shift_right_arithmetic3A_418 = arith.shrsi %scan3A_416, %shift_right_arithmetic3A_417 : i32
      %and3A_419 = arith.constant 63 : i32
      %and3A_420 = arith.andi %scan3A_416, %and3A_419 : i32
      %shift_left3A_421 = arith.constant 4 : i32
      %shift_left3A_422 = arith.shli %and3A_420, %shift_left3A_421 : i32
      %multiple_of3A_423 = tpu.assume_multiple %shift_left3A_422, 16 : i32
      %get3A_424 = arith.index_cast %shift_right_arithmetic3A_418 : i32 to index
      %get3A_425 = arith.index_cast %multiple_of3A_423 : i32 to index
      %get3A_426 = tpu.vector_load %arg9[%get3A_424, %get3A_425] {strides = array<i32>} : memref<32x1024xf32, #tpu.memory_space<vmem>>, vector<1x16xf32>,
      %get3A_427 = vector.shape_cast %get3A_426 : vector<1x16xf32> to vector<16xf32>
      %swap3A_428 = arith.index_cast %shift_right_arithmetic3A_418 : i32 to index
      %swap3A_429 = arith.index_cast %multiple_of3A_423 : i32 to index
      %swap3A_430 = tpu.vector_load %arg8[%swap3A_428, %swap3A_429] {strides = array<i32>} : memref<32x1024xf32, #tpu.memory_space<vmem>>, vector<1x16xf32>,
      %swap3A_431 = vector.shape_cast %swap3A_430 : vector<1x16xf32> to vector<16xf32>
      %swap3A_432 = vector.shape_cast %get3A_427 : vector<16xf32> to vector<1x16xf32>
      tpu.vector_store %arg8[%swap3A_428, %swap3A_429], %swap3A_432 {add = true, strides = array<i32>} : memref<32x1024xf32, #tpu.memory_space<vmem>>, vector<1x16xf32>,
      %scan3A_433 = arith.constant 2 : i32
      %scan3A_434 = arith.addi %scan3A_404, %scan3A_433 : i32
      %shift_right_arithmetic3A_435 = arith.constant 6 : i32
      %shift_right_arithmetic3A_436 = arith.shrsi %scan3A_434, %shift_right_arithmetic3A_435 : i32
      %and3A_437 = arith.constant 63 : i32
      %and3A_438 = arith.andi %scan3A_434, %and3A_437 : i32
      %shift_left3A_439 = arith.constant 4 : i32
      %shift_left3A_440 = arith.shli %and3A_438, %shift_left3A_439 : i32
      %multiple_of3A_441 = tpu.assume_multiple %shift_left3A_440, 16 : i32
      %get3A_442 = arith.index_cast %shift_right_arithmetic3A_436 : i32 to index
      %get3A_443 = arith.index_cast %multiple_of3A_441 : i32 to index
      %get3A_444 = tpu.vector_load %arg9[%get3A_442, %get3A_443] {strides = array<i32>} : memref<32x1024xf32, #tpu.memory_space<vmem>>, vector<1x16xf32>,
      %get3A_445 = vector.shape_cast %get3A_444 : vector<1x16xf32> to vector<16xf32>
      %swap3A_446 = arith.index_cast %shift_right_arithmetic3A_436 : i32 to index
      %swap3A_447 = arith.index_cast %multiple_of3A_441 : i32 to index
      %swap3A_448 = tpu.vector_load %arg8[%swap3A_446, %swap3A_447] {strides = array<i32>} : memref<32x1024xf32, #tpu.memory_space<vmem>>, vector<1x16xf32>,
      %swap3A_449 = vector.shape_cast %swap3A_448 : vector<1x16xf32> to vector<16xf32>
      %swap3A_450 = vector.shape_cast %get3A_445 : vector<16xf32> to vector<1x16xf32>
      tpu.vector_store %arg8[%swap3A_446, %swap3A_447], %swap3A_450 {add = true, strides = array<i32>} : memref<32x1024xf32, #tpu.memory_space<vmem>>, vector<1x16xf32>,
      %scan3A_451 = arith.constant 3 : i32
      %scan3A_452 = arith.addi %scan3A_404, %scan3A_451 : i32
      %shift_right_arithmetic3A_453 = arith.constant 6 : i32
      %shift_right_arithmetic3A_454 = arith.shrsi %scan3A_452, %shift_right_arithmetic3A_453 : i32
      %and3A_455 = arith.constant 63 : i32
      %and3A_456 = arith.andi %scan3A_452, %and3A_455 : i32
      %shift_left3A_457 = arith.constant 4 : i32
      %shift_left3A_458 = arith.shli %and3A_456, %shift_left3A_457 : i32
      %multiple_of3A_459 = tpu.assume_multiple %shift_left3A_458, 16 : i32
      %get3A_460 = arith.index_cast %shift_right_arithmetic3A_454 : i32 to index
      %get3A_461 = arith.index_cast %multiple_of3A_459 : i32 to index
      %get3A_462 = tpu.vector_load %arg9[%get3A_460, %get3A_461] {strides = array<i32>} : memref<32x1024xf32, #tpu.memory_space<vmem>>, vector<1x16xf32>,
      %get3A_463 = vector.shape_cast %get3A_462 : vector<1x16xf32> to vector<16xf32>
      %swap3A_464 = arith.index_cast %shift_right_arithmetic3A_454 : i32 to index
      %swap3A_465 = arith.index_cast %multiple_of3A_459 : i32 to index
      %swap3A_466 = tpu.vector_load %arg8[%swap3A_464, %swap3A_465] {strides = array<i32>} : memref<32x1024xf32, #tpu.memory_space<vmem>>, vector<1x16xf32>,
      %swap3A_467 = vector.shape_cast %swap3A_466 : vector<1x16xf32> to vector<16xf32>
      %swap3A_468 = vector.shape_cast %get3A_463 : vector<16xf32> to vector<1x16xf32>
      tpu.vector_store %arg8[%swap3A_464, %swap3A_465], %swap3A_468 {add = true, strides = array<i32>} : memref<32x1024xf32, #tpu.memory_space<vmem>>, vector<1x16xf32>,
      %scan3A_469 = arith.constant 4 : i32
      %scan3A_470 = arith.addi %scan3A_404, %scan3A_469 : i32
      %shift_right_arithmetic3A_471 = arith.constant 6 : i32
      %shift_right_arithmetic3A_472 = arith.shrsi %scan3A_470, %shift_right_arithmetic3A_471 : i32
      %and3A_473 = arith.constant 63 : i32
      %and3A_474 = arith.andi %scan3A_470, %and3A_473 : i32
      %shift_left3A_475 = arith.constant 4 : i32
      %shift_left3A_476 = arith.shli %and3A_474, %shift_left3A_475 : i32
      %multiple_of3A_477 = tpu.assume_multiple %shift_left3A_476, 16 : i32
      %get3A_478 = arith.index_cast %shift_right_arithmetic3A_472 : i32 to index
      %get3A_479 = arith.index_cast %multiple_of3A_477 : i32 to index
      %get3A_480 = tpu.vector_load %arg9[%get3A_478, %get3A_479] {strides = array<i32>} : memref<32x1024xf32, #tpu.memory_space<vmem>>, vector<1x16xf32>,
      %get3A_481 = vector.shape_cast %get3A_480 : vector<1x16xf32> to vector<16xf32>
      %swap3A_482 = arith.index_cast %shift_right_arithmetic3A_472 : i32 to index
      %swap3A_483 = arith.index_cast %multiple_of3A_477 : i32 to index
      %swap3A_484 = tpu.vector_load %arg8[%swap3A_482, %swap3A_483] {strides = array<i32>} : memref<32x1024xf32, #tpu.memory_space<vmem>>, vector<1x16xf32>,
      %swap3A_485 = vector.shape_cast %swap3A_484 : vector<1x16xf32> to vector<16xf32>
      %swap3A_486 = vector.shape_cast %get3A_481 : vector<16xf32> to vector<1x16xf32>
      tpu.vector_store %arg8[%swap3A_482, %swap3A_483], %swap3A_486 {add = true, strides = array<i32>} : memref<32x1024xf32, #tpu.memory_space<vmem>>, vector<1x16xf32>,
      %scan3A_487 = arith.constant 5 : i32
      %scan3A_488 = arith.addi %scan3A_404, %scan3A_487 : i32
      %shift_right_arithmetic3A_489 = arith.constant 6 : i32
      %shift_right_arithmetic3A_490 = arith.shrsi %scan3A_488, %shift_right_arithmetic3A_489 : i32
      %and3A_491 = arith.constant 63 : i32
      %and3A_492 = arith.andi %scan3A_488, %and3A_491 : i32
      %shift_left3A_493 = arith.constant 4 : i32
      %shift_left3A_494 = arith.shli %and3A_492, %shift_left3A_493 : i32
      %multiple_of3A_495 = tpu.assume_multiple %shift_left3A_494, 16 : i32
      %get3A_496 = arith.index_cast %shift_right_arithmetic3A_490 : i32 to index
      %get3A_497 = arith.index_cast %multiple_of3A_495 : i32 to index
      %get3A_498 = tpu.vector_load %arg9[%get3A_496, %get3A_497] {strides = array<i32>} : memref<32x1024xf32, #tpu.memory_space<vmem>>, vector<1x16xf32>,
      %get3A_499 = vector.shape_cast %get3A_498 : vector<1x16xf32> to vector<16xf32>
      %swap3A_500 = arith.index_cast %shift_right_arithmetic3A_490 : i32 to index
      %swap3A_501 = arith.index_cast %multiple_of3A_495 : i32 to index
      %swap3A_502 = tpu.vector_load %arg8[%swap3A_500, %swap3A_501] {strides = array<i32>} : memref<32x1024xf32, #tpu.memory_space<vmem>>, vector<1x16xf32>,
      %swap3A_503 = vector.shape_cast %swap3A_502 : vector<1x16xf32> to vector<16xf32>
      %swap3A_504 = vector.shape_cast %get3A_499 : vector<16xf32> to vector<1x16xf32>
      tpu.vector_store %arg8[%swap3A_500, %swap3A_501], %swap3A_504 {add = true, strides = array<i32>} : memref<32x1024xf32, #tpu.memory_space<vmem>>, vector<1x16xf32>,
      %scan3A_505 = arith.constant 6 : i32
      %scan3A_506 = arith.addi %scan3A_404, %scan3A_505 : i32
      %shift_right_arithmetic3A_507 = arith.constant 6 : i32
      %shift_right_arithmetic3A_508 = arith.shrsi %scan3A_506, %shift_right_arithmetic3A_507 : i32
      %and3A_509 = arith.constant 63 : i32
      %and3A_510 = arith.andi %scan3A_506, %and3A_509 : i32
      %shift_left3A_511 = arith.constant 4 : i32
      %shift_left3A_512 = arith.shli %and3A_510, %shift_left3A_511 : i32
      %multiple_of3A_513 = tpu.assume_multiple %shift_left3A_512, 16 : i32
      %get3A_514 = arith.index_cast %shift_right_arithmetic3A_508 : i32 to index
      %get3A_515 = arith.index_cast %multiple_of3A_513 : i32 to index
      %get3A_516 = tpu.vector_load %arg9[%get3A_514, %get3A_515] {strides = array<i32>} : memref<32x1024xf32, #tpu.memory_space<vmem>>, vector<1x16xf32>,
      %get3A_517 = vector.shape_cast %get3A_516 : vector<1x16xf32> to vector<16xf32>
      %swap3A_518 = arith.index_cast %shift_right_arithmetic3A_508 : i32 to index
      %swap3A_519 = arith.index_cast %multiple_of3A_513 : i32 to index
      %swap3A_520 = tpu.vector_load %arg8[%swap3A_518, %swap3A_519] {strides = array<i32>} : memref<32x1024xf32, #tpu.memory_space<vmem>>, vector<1x16xf32>,
      %swap3A_521 = vector.shape_cast %swap3A_520 : vector<1x16xf32> to vector<16xf32>
      %swap3A_522 = vector.shape_cast %get3A_517 : vector<16xf32> to vector<1x16xf32>
      tpu.vector_store %arg8[%swap3A_518, %swap3A_519], %swap3A_522 {add = true, strides = array<i32>} : memref<32x1024xf32, #tpu.memory_space<vmem>>, vector<1x16xf32>,
      %scan3A_523 = arith.constant 7 : i32
      %scan3A_524 = arith.addi %scan3A_404, %scan3A_523 : i32
      %shift_right_arithmetic3A_525 = arith.constant 6 : i32
      %shift_right_arithmetic3A_526 = arith.shrsi %scan3A_524, %shift_right_arithmetic3A_525 : i32
      %and3A_527 = arith.constant 63 : i32
      %and3A_528 = arith.andi %scan3A_524, %and3A_527 : i32
      %shift_left3A_529 = arith.constant 4 : i32
      %shift_left3A_530 = arith.shli %and3A_528, %shift_left3A_529 : i32
      %multiple_of3A_531 = tpu.assume_multiple %shift_left3A_530, 16 : i32
      %get3A_532 = arith.index_cast %shift_right_arithmetic3A_526 : i32 to index
      %get3A_533 = arith.index_cast %multiple_of3A_531 : i32 to index
      %get3A_534 = tpu.vector_load %arg9[%get3A_532, %get3A_533] {strides = array<i32>} : memref<32x1024xf32, #tpu.memory_space<vmem>>, vector<1x16xf32>,
      %get3A_535 = vector.shape_cast %get3A_534 : vector<1x16xf32> to vector<16xf32>
      %swap3A_536 = arith.index_cast %shift_right_arithmetic3A_526 : i32 to index
      %swap3A_537 = arith.index_cast %multiple_of3A_531 : i32 to index
      %swap3A_538 = tpu.vector_load %arg8[%swap3A_536, %swap3A_537] {strides = array<i32>} : memref<32x1024xf32, #tpu.memory_space<vmem>>, vector<1x16xf32>,
      %swap3A_539 = vector.shape_cast %swap3A_538 : vector<1x16xf32> to vector<16xf32>
      %swap3A_540 = vector.shape_cast %get3A_535 : vector<16xf32> to vector<1x16xf32>
      tpu.vector_store %arg8[%swap3A_536, %swap3A_537], %swap3A_540 {add = true, strides = array<i32>} : memref<32x1024xf32, #tpu.memory_space<vmem>>, vector<1x16xf32>,
    }
    %scan3A_380 = arith.constant 2048 : i32
    %add3A_381 = arith.constant 32 : i32
    %add3A_382 = arith.addi %mul3A_2, %add3A_381 : i32
    %dma_start3A_383 = arith.constant 3 : i32
    %dma_start3A_384 = arith.constant 0 : i32
    %dma_start3A_385 = tpu.memref_slice %arg5[%dma_start3A_383, %add3A_382, %dma_start3A_384] : memref<4x2048x1024xf32, #tpu.memory_space<hbm>> -> memref<1x32x1024xf32, #tpu.memory_space<hbm>>
    %dma_start3A_386 = tpu.memref_squeeze %dma_start3A_385 : memref<1x32x1024xf32, #tpu.memory_space<hbm>> -> memref<32x1024xf32, #tpu.memory_space<hbm>>
    %dma_start3A_387 = arith.constant 0 : i32
    %dma_start3A_388 = tpu.memref_slice %arg5[%dma_start3A_383, %add3A_382, %dma_start3A_387] : memref<4x2048x1024xf32, #tpu.memory_space<hbm>> -> memref<1x32x1024xf32, #tpu.memory_space<hbm>>
    %dma_start3A_389 = tpu.memref_squeeze %dma_start3A_388 : memref<1x32x1024xf32, #tpu.memory_space<hbm>> -> memref<32x1024xf32, #tpu.memory_space<hbm>>
    tpu.enqueue_dma source(%arg8 : memref<32x1024xf32, #tpu.memory_space<vmem>>) target(%dma_start3A_389 : memref<32x1024xf32, #tpu.memory_space<hbm>>) target_semaphore(%arg11 : memref<!tpu.dma_semaphore, #tpu.memory_space<semaphore_mem>>)
    %dma_wait3A_390 = arith.constant 2 : i32
    %dma_wait3A_391 = arith.constant 0 : i32
    %dma_wait3A_392 = tpu.memref_slice %arg5[%dma_wait3A_390, %add3A_360, %dma_wait3A_391] : memref<4x2048x1024xf32, #tpu.memory_space<hbm>> -> memref<1x32x1024xf32, #tpu.memory_space<hbm>>
    %dma_wait3A_393 = tpu.memref_squeeze %dma_wait3A_392 : memref<1x32x1024xf32, #tpu.memory_space<hbm>> -> memref<32x1024xf32, #tpu.memory_space<hbm>>
    %dma_wait3A_394 = arith.constant 0 : i32
    %dma_wait3A_395 = tpu.memref_slice %arg5[%dma_wait3A_390, %add3A_360, %dma_wait3A_394] : memref<4x2048x1024xf32, #tpu.memory_space<hbm>> -> memref<1x32x1024xf32, #tpu.memory_space<hbm>>
    %dma_wait3A_396 = tpu.memref_squeeze %dma_wait3A_395 : memref<1x32x1024xf32, #tpu.memory_space<hbm>> -> memref<32x1024xf32, #tpu.memory_space<hbm>>
    tpu.wait_dma2 semaphore(%arg11 : memref<!tpu.dma_semaphore, #tpu.memory_space<semaphore_mem>>) src(%arg7 : memref<32x1024xf32, #tpu.memory_space<vmem>>) dst(%dma_wait3A_396 : memref<32x1024xf32, #tpu.memory_space<hbm>>)
    %dma_wait3A_397 = arith.constant 3 : i32
    %dma_wait3A_398 = arith.constant 0 : i32
    %dma_wait3A_399 = tpu.memref_slice %arg5[%dma_wait3A_397, %add3A_382, %dma_wait3A_398] : memref<4x2048x1024xf32, #tpu.memory_space<hbm>> -> memref<1x32x1024xf32, #tpu.memory_space<hbm>>
    %dma_wait3A_400 = tpu.memref_squeeze %dma_wait3A_399 : memref<1x32x1024xf32, #tpu.memory_space<hbm>> -> memref<32x1024xf32, #tpu.memory_space<hbm>>
    %dma_wait3A_401 = arith.constant 0 : i32
    %dma_wait3A_402 = tpu.memref_slice %arg5[%dma_wait3A_397, %add3A_382, %dma_wait3A_401] : memref<4x2048x1024xf32, #tpu.memory_space<hbm>> -> memref<1x32x1024xf32, #tpu.memory_space<hbm>>
    %dma_wait3A_403 = tpu.memref_squeeze %dma_wait3A_402 : memref<1x32x1024xf32, #tpu.memory_space<hbm>> -> memref<32x1024xf32, #tpu.memory_space<hbm>>
    tpu.wait_dma2 semaphore(%arg11 : memref<!tpu.dma_semaphore, #tpu.memory_space<semaphore_mem>>) src(%arg8 : memref<32x1024xf32, #tpu.memory_space<vmem>>) dst(%dma_wait3A_403 : memref<32x1024xf32, #tpu.memory_space<hbm>>)
    return
  }
}

</mosaic_0001>

<sc_bundles>
// kernel: kernel.3.cloned.1.call-start
scs
__scs_entry_jumppad:
0x0: {  	(pc) =	sbr.rel $0x88, $3  }
0x1: {  	(tag) =	ssettag $0x0;
	lr =	simm.s32 $0x1  }
0x2: {  	[smem:$0x3F9E] =	sst lr;
	_ =	strace $0xD0000000  }
0x3: {  	_ = 	snop  }
0x4: {  	_ = 	snop  }
0x5: {  	_ = 	snop  }
0x6: {  	_ = 	snop  }
0x7: {  	_ = 	snop  }
__scs_overlays_trampoline_lowered:
0x8: {  	[smem:$0x3FAD] =	sst s0  }
0x9: {  	[smem:$0x3FAE] =	sst s1  }
0xa: {  	[smem:$0x3FAF] =	sst s2  }
0xb: {  	[smem:$0x3FB0] =	sst s3  }
0xc: {  	[smem:$0x3FB1] =	sst s4  }
0xd: {  	[smem:$0x3FB2] =	sst s5  }
0xe: {  	[smem:$0x3FB3] =	sst s6  }
0xf: {  	[smem:$0x3FB4] =	sst s7  }
0x10: {  	[smem:$0x3FB5] =	sst s8  }
0x11: {  	[smem:$0x3FB6] =	sst s9;
	s0 =	simm.s32 @!p0 $0x0  }
0x12: {  	s1 =	sld [smem:$0x3F9C];
	s0 =	simm.s32 @p0 $0x1  }
0x13: {  	[smem:$0x3FB7] =	sst s0;
	s0 =	simm.s32 @!p1 $0x0  }
0x14: {  	s2 =	sld [smem:$0x3F9B];
	s0 =	simm.s32 @p1 $0x1  }
0x15: {  	[smem:$0x3FB8] =	sst s0;
	s0 =	simm.s32 @!p2 $0x0  }
0x16: {  	s3 =	sld [smem:$0x3FDB];
	s0 =	simm.s32 @p2 $0x1  }
0x17: {  	s4 =	simm.s32 $0x1BF5;
	[smem:$0x3FBA] =	sst s0  }
0x18: {  	s0 =	sld [smem:$0x3F9D];
	_ =	swait.ge [sflag:s4], $0x0  }
0x19: {  	s7 =	sld [smem:$0x3F9E]  }
0x1a: {  	s8 =	sadd.s32 $0xFFFFE003, lr  }
0x1b: {  	s9 =	sadd.s32 $0xFFFFFEF7, lr;
	s5 =	simm.s32 $0xFFFFFFFF;
	p2 =	slt.u32 s8, $0xFFFFF086  }
0x1c: {  	p1 =	slt.u32 s9, $0xF7A;
	s5 =	simm.s32 @!p2 $0x0  }
0x1d: {  	s5 =	simm.s32 @p1 $0x1;
	p0 =	seq.s32 s7, s2  }
0x1e: {  	s7 =	smul.u32 @!p0 $0xF7A, s2;
	p2 =	seq.s32 @!p0 s5, $0x0  }
0x1f: {  	s9 =	smul.u32 $0xF7A, s1;
	s8 =	simm.s32 @!p0 $0x1BF5;
	p2 =	por !p2, p0  }
0x20: {  	[sflag:s8] =	ssyncset.s32 @!p0 $0xFFFFF086;
	s6 =	sadd.s32 @!p0 s3, s7;
	s7 =	simm.s32 @!p0 $0x108  }
0x21: {  	s3 =	sadd.s32 s3, s9;
	s6 =	sadd.s32 @!p0 $0x88, s6;
	s7 =	simm.s32 @p2 $0x1082  }
0x22: {  	[simem:s7], [sflag:s8] =	dma.local @!p0 [hbm:s6], $0xF7A  }
0x23: {  	s9 =	sor.u32 $0xD0000000, s2;
	s6 =	simm.s32 $0x108;
	_ =	swait.ge @!p0 [sflag:s8], $0x0  }
0x24: {  	s3 =	sadd.s32 $0x88, s3;
	s6 =	simm.s32 @!p1 $0x1082;
	[sflag:s4] =	ssyncset.s32 $0xFFFFF086  }
0x25: {  	[simem:s6], [sflag:s4] =	dma.local [hbm:s3], $0xF7A  }
0x26: {  	[smem:$0x3F9E] =	sst s1;
	(tag) =	ssettag s2;
	_ =	strace s9  }
0x27: {  	s1 =	sld [smem:$0x3FAE]  }
0x28: {  	s2 =	sld [smem:$0x3FAF]  }
0x29: {  	s4 =	sld [smem:$0x3FB1]  }
0x2a: {  	p0 =	seq.s32 s5, $0x0;
	s5 =	sld [smem:$0x3FB2]  }
0x2b: {  	s6 =	sld [smem:$0x3FB3]  }
0x2c: {  	s7 =	sld [smem:$0x3FB4]  }
0x2d: {  	s3 =	simm.s32 $0x108;
	s8 =	sld [smem:$0x3FB5]  }
0x2e: {  	s3 =	simm.s32 @!p0 $0x1082;
	s9 =	sld [smem:$0x3FB6]  }
0x2f: {  	lr =	sadd.s32 s0, s3;
	s0 =	sld [smem:$0x3FAD]  }
0x30: {  	s3 =	sld [smem:$0x3FB0]  }
0x31: {  	[smem:$0x3FB9] =	sst s10  }
0x32: {  	s10 =	sld [smem:$0x3FB7];
	_ =	sdelay $0x3  }
0x33: {  	p0 =	seq.s32 s10, $0x1;
	s10 =	sld [smem:$0x3FB9];
	_ =	sdelay $0x3  }
0x34: {  	[smem:$0x3FB9] =	sst s10  }
0x35: {  	s10 =	sld [smem:$0x3FB8];
	_ =	sdelay $0x3  }
0x36: {  	p1 =	seq.s32 s10, $0x1;
	s10 =	sld [smem:$0x3FB9];
	_ =	sdelay $0x3  }
0x37: {  	[smem:$0x3FB9] =	sst s10  }
0x38: {  	s10 =	sld [smem:$0x3FBA]  }
0x39: {  	_ = 	snop;
	(pc) =	sbr.ind lr, $3  }
0x3a: {  	_ = 	snop  }
0x3b: {  	_ = 	snop  }
0x3c: {  	p2 =	seq.s32 s10, $0x1;
	s10 =	sld [smem:$0x3FB9]  }
0x3d: {  	_ =	shalt  }
0x3e: {  	_ =	shalt  }
0x3f: {  	_ =	shalt  }
0x40: {  	_ =	shalt  }
0x41: {  	_ =	shalt  }
0x42: {  	_ =	shalt  }
0x43: {  	_ =	shalt  }
0x44: {  	_ =	shalt  }
0x45: {  	_ =	shalt  }
0x46: {  	_ =	shalt  }
0x47: {  	_ =	shalt  }
0x48: {  	_ =	shalt  }
0x49: {  	_ =	shalt  }
0x4a: {  	_ =	shalt  }
0x4b: {  	_ =	shalt  }
0x4c: {  	_ =	shalt  }
0x4d: {  	_ =	shalt  }
0x4e: {  	_ =	shalt  }
0x4f: {  	_ =	shalt  }
0x50: {  	_ =	shalt  }
0x51: {  	_ =	shalt  }
0x52: {  	_ =	shalt  }
0x53: {  	_ =	shalt  }
0x54: {  	_ =	shalt  }
0x55: {  	_ =	shalt  }
0x56: {  	_ =	shalt  }
0x57: {  	_ =	shalt  }
0x58: {  	_ =	shalt  }
0x59: {  	_ =	shalt  }
0x5a: {  	_ =	shalt  }
0x5b: {  	_ =	shalt  }
0x5c: {  	_ =	shalt  }
0x5d: {  	_ =	shalt  }
0x5e: {  	_ =	shalt  }
0x5f: {  	_ =	shalt  }
0x60: {  	_ =	shalt  }
0x61: {  	_ =	shalt  }
0x62: {  	_ =	shalt  }
0x63: {  	_ =	shalt  }
0x64: {  	_ =	shalt  }
0x65: {  	_ =	shalt  }
0x66: {  	_ =	shalt  }
0x67: {  	_ =	shalt  }
0x68: {  	_ =	shalt  }
0x69: {  	_ =	shalt  }
0x6a: {  	_ =	shalt  }
0x6b: {  	_ =	shalt  }
0x6c: {  	_ =	shalt  }
0x6d: {  	_ =	shalt  }
0x6e: {  	_ =	shalt  }
0x6f: {  	_ =	shalt  }
0x70: {  	_ =	shalt  }
0x71: {  	_ =	shalt  }
0x72: {  	_ =	shalt  }
0x73: {  	_ =	shalt  }
0x74: {  	_ =	shalt  }
0x75: {  	_ =	shalt  }
0x76: {  	_ =	shalt  }
0x77: {  	_ =	shalt  }
0x78: {  	_ =	shalt  }
0x79: {  	_ =	shalt  }
0x7a: {  	_ =	shalt  }
0x7b: {  	_ =	shalt  }
0x7c: {  	_ =	shalt  }
0x7d: {  	_ =	shalt  }
0x7e: {  	_ =	shalt  }
0x7f: {  	_ =	shalt  }
0x80: {  	_ =	shalt  }
0x81: {  	_ =	shalt  }
0x82: {  	_ =	shalt  }
0x83: {  	_ =	shalt  }
0x84: {  	_ =	shalt  }
0x85: {  	_ =	shalt  }
0x86: {  	_ =	shalt  }
0x87: {  	_ =	shalt  }
.Lfunc_end0:
.L_simem_size_0:
called_computation_lowered:
.L_overlay_start_0:
0x88: {  	s2 =	sld [smem:$0x3FD9]  }
0x89: {  	s3 =	sld [smem:$0x3FFE];
	_ =	sdelay $0x1  }
0x8a: {  	s1 =	srdreg.scid  }
0x8b: {  	s0 =	sand.u32 $0x1, s1  }
0x8c: {  	s18 =	sshll.u32 s0, $0xA;
	s2 =	sadd.s32 s3, s2  }
0x8d: {  	s2 =	sadd.s32 s2, s18  }
0x8e: {  	[smem:$0x3FC5] =	sst s2  }
0x8f: {  	_ = 	snop  }
0x90: {  	s2 =	sld [smem:$0x3FC9]  }
0x91: {  	s19 =	sld [smem:$0x3FC8]  }
0x92: {  	s4 =	sld [smem:$0x3FC7]  }
0x93: {  	s5 =	sld [smem:$0x3FD0];
	(tm) =	ssettm $0x1  }
0x94: {  	s6 =	sld [smem:$0x3FFB];
	_ =	sdelay $0x3  }
0x95: {  	_ =	strace s6  }
0x96: {  	s6 =	sld [smem:$0x3FFC];
	_ =	sdelay $0x3  }
0x97: {  	_ =	strace s6  }
0x98: {  	s6 =	sld [smem:$0x3FFD];
	_ =	sdelay $0x3  }
0x99: {  	_ =	strace s6  }
0x9a: {  	_ =	strace $0x8FFFFFFF  }
0x9b: {  	s20 =	sld [smem:$0x3FDB];
	_ =	sdelay $0x1  }
0x9c: {  	s7 =	simm.s32 $_scs_section_size  }
0x9d: {  	s8 =	simm.s32 $_size__tile_overlayer_lowered;
	s9 =	simm.s32 $_tile_overlayer_lowered  }
0x9e: {  	s23 =	simm.s32 $0x1BFF;
	s22 =	sshll.u32 s9, $0x1;
	s6 =	sadd.s32 s7, s20  }
0x9f: {  	s10 =	simm.s32 $0x0;
	s21 =	sshll.u32 s8, $0x1;
	s8 =	sadd.s32 s22, s6  }
0xa0: {  	[timem:s10], [sflag:s23] =	dma.local [hbm:s8], s21  }
0xa1: {  	_ =	swait.ge [sflag:s23], s21  }
0xa2: {  	s7 =	ssub.s32 $0x0, s21;
	[sflag:s23] =	ssyncset.done $0x0  }
0xa3: {  	[sflag:s23] =	ssyncadd.s32 s7;
	_ =	sdelay $0x1  }
0xa4: {  	s24 =	simm.s32 $0x1B8B  }
0xa5: {  	_ =	swait.ge [sflag:s24], $0x1  }
0xa6: {  	[sflag:s24] =	ssyncset.done $0x0  }
0xa7: {  	s25 =	simm.s32 $0x1B8E;
	[sflag:s24] =	ssyncadd.s32 $0xFFFFFFFF  }
0xa8: {  	s26 =	simm.s32 $execute0_lowered;
	[smem:$0x3FD2] =	sst s25  }
0xa9: {  	s7 =	sshll.u32 s26, $0x1;
	_ =	strace $0x80000046;
	[dreg:$0x1] =	wrdreg $0xFFFFFFFF  }
0xaa: {  	s28 =	simm.s32 $_size_execute0_lowered;
	s6 =	sadd.s32 s6, s7;
	[dreg:$0x0] =	wrdreg $0x0  }
0xab: {  	s7 =	sshll.u32 s28, $0x1;
	[dreg:$0x2] =	wrdreg s6  }
0xac: {  	[dreg:$0x3] =	wrdreg s7  }
0xad: {  	[dreg:$0x4] =	wrdreg $0xC0  }
0xae: {  	_ =	task [dreg:s10], $0x5FFFF  }
0xaf: {  	[dreg:$0x1] =	wrdreg $0xFFFFFFFF  }
0xb0: {  	[dreg:$0x0] =	wrdreg $0x60  }
0xb1: {  	[dreg:$0x2] =	wrdreg s2  }
0xb2: {  	[dreg:$0x3] =	wrdreg s19  }
0xb3: {  	[dreg:$0x4] =	wrdreg s4  }
0xb4: {  	[dreg:$0x5] =	wrdreg s5  }
0xb5: {  	[dreg:$0x6] =	wrdreg $0x9  }
0xb6: {  	_ =	task.clear_ibuf [dreg:s10], $0x7FFFF;
	_ =	strace $0x90000046  }
0xb7: {  	s29 =	simm.s32 $0x9;
	_ =	strace $0x80000048  }
0xb8: {  	_ =	swait.ge [sflag:s29], $0x1  }
0xb9: {  	[sflag:s29] =	ssyncadd.s32 $0xFFFFFFFF  }
0xba: {  	_ =	strace $0x90000048  }
0xbb: {  	_ =	sfence  }
0xbc: {  	s30 =	sld [smem:$0x0];
	_ =	sdelay $0x2  }
0xbd: {  	s31 =	sshll.u32 s1, $0xD;
	s1 =	sshrl.u32 s1, $0x2  }
0xbe: {  	s3 =	sand.u32 $0x4000, s31;
	s1 =	sadd.s32 s1, s30  }
0xbf: {  	s0 =	sor.u32 s3, s0;
	s1 =	sshll.u32 s1, $0x11  }
0xc0: {  	s0 =	sor.u32 s1, s0  }
0xc1: {  	s0 =	sadd.s32 $0x8F2B, s0  }
0xc2: {  	[sflag:s0] =	ssyncadd.remote.s32 $0x1  }
0xc3: {  	_ =	sfence.sel $0xFFFF  }
0xc4: {  	[dreg:$0x0] =	wrdreg $0xFFFFFFFF;
	(pc) =	sbr.abs _section_cstart, $3  }
0xc5: {  	[dreg:$0x1] =	wrdreg $0xFFFFFFFF  }
0xc6: {  	_ =	task.clear_ibuf [dreg:s10], $0x2FFFF;
	_ =	strace $0x9FFFFFFF  }
0xc7: {  	(tm) =	ssettm $0x7FFFFFFF  }
tec
execute0_lowered:
.L_overlay_start_1:
0x0: {  	(tag) =	ssettag $0x1  }
0x1: {  	s0 =	rddreg [dreg:$0x0]  }
0x2: {  	s1 =	rddreg [dreg:$0x1]  }
0x3: {  	s2 =	srdreg.scid;
	s4 =	rddreg [dreg:$0x2]  }
0x4: {  	s3 =	stileid.u32;
	s5 =	rddreg [dreg:$0x3];
	s15 =	simm.s32 $0x8200  }
0x5: {  	s11 =	simm.s32 $0xC200;
	s28 =	simm.s32 $0xCA00;
	s29 =	simm.s32 $0xD200  }
0x6: {  	s30 =	simm.s32 $0xDA00;
	s31 =	simm.s32 $0xE200;
	s2 =	sand.u32 $0x1, s2  }
0x7: {  	s6 =	sshll.u32 s3, $0x7;
	s3 =	simm.s32 $0x0;
	s7 =	sshll.u32 s2, $0x6  }
0x8: {  	s10 =	sadd.s32 $0x300, s1;
	[smem:$0x7FF] =	sst s3;
	s6 =	sor.u32 s7, s6  }
0x9: {  	s2 =	ssub.s32 $0x2, s2;
	_ =	strace $0x80000047;
	s18 =	sshll.u32 s6, $0x7  }
0xa: {  	s16 =	sshrl.u32 s2, $0x1;
	s8 =	sshll.u32 s6, $0x2;
	s19 =	sadd.s32 s4, s18  }
0xb: {  	s2 =	ssub.s32 s2, s16;
	s6 =	sadd.s32 s5, s18;
	[dreg:$0xa] =	wrdreg s19  }
0xc: {  	s9 =	sand.u32 $0x1E00, s8;
	s26 =	smax.u32 s2, $0x1;
	[dreg:$0x9] =	wrdreg s6  }
0xd: {  	s2 =	simm.s32 $0xEA00;
	s20 =	sadd.s32 $0x40000, s6;
	[dreg:$0x13] =	wrdreg s26  }
0xe: {  	s9 =	sor.u32 s7, s9;
	s21 =	sadd.s32 $0x80000, s6;
	[dreg:$0xb] =	wrdreg s20  }
0xf: {  	s7 =	sor.u32 s7, s8;
	s22 =	sadd.s32 $0xC0000, s6;
	[dreg:$0xc] =	wrdreg s21  }
0x10: {  	s23 =	sadd.s32 $0x41000, s6;
	s24 =	sadd.s32 $0x81000, s6;
	[dreg:$0xe] =	wrdreg s22  }
0x11: {  	s25 =	sadd.s32 $0xC1000, s6;
	s26 =	simm.s32 $0x200;
	[dreg:$0x10] =	wrdreg s23  }
0x12: {  	s19 =	simm.s32 $0xA200;
	s9 =	sshrl.u32 s9, $0x3;
	[dreg:$0x11] =	wrdreg s24  }
0x13: {  	s7 =	sshrl.u32 s7, $0x3;
	[dreg:$0x12] =	wrdreg s25;
	s25 =	simm.s32 $0x3  }
0x14: {  	s20 =	simm.s32 $0xAA00;
	s21 =	simm.s32 $0xB200;
	s22 =	simm.s32 $0xFA00  }
0x15: {  	s23 =	simm.s32 $0x1;
	s24 =	simm.s32 $0x2;
	s9 =	sadd.s32 s0, s9  }
0x16: {  	s17 =	sor.u32 $0x20, s7;
	[dreg:$0x5] =	wrdreg s9;
	s9 =	sadd.s32 $0x10, s9  }
0x17: {  	s7 =	sor.u32 $0x30, s7;
	s8 =	sadd.s32 s0, s17;
	[dreg:$0x6] =	wrdreg s9  }
0x18: {  	s0 =	sadd.s32 s0, s7;
	s17 =	simm.s32 $0x9200;
	[dreg:$0x7] =	wrdreg s8  }
0x19: {  	[dreg:$0x8] =	wrdreg s0;
	s8 =	sadd.s32 $0x100, s1;
	s0 =	sor.u32 $0x1000, s18  }
0x1a: {  	v2 =	vlaneseq.u32;
	s9 =	sadd.s32 $0x200, s1;
	s18 =	simm.s32 $0x9A00;
	s4 =	sadd.s32 s4, s0  }
0x1b: {  	vm0 =	vmmov $0xffff;
	v1 =	vshrl.u32 v2, $0x3;
	s0 =	sadd.s32 s5, s0;
	s5 =	simm.s32 $0x0;
	[dreg:$0xd] =	wrdreg s4  }
0x1c: {  	v0 =	vand.u32 $0x7, v2;
	v2 =	vor.u32 $0x8, v2;
	v1 =	vmul.u32 $0x8, v1;
	[dreg:$0xf] =	wrdreg s0;
	s4 =	simm.s32 $0xBA00;
	s0 =	simm.s32 $0xF200  }
.LBB2_1:
0x1d: {  	s6 =	rddreg [dreg:$0x5]  }
0x1e: {  	[tilespmem:s3], [sflag:$0x3] =	stream.linear.gather [hbm4b:s6+s3], $0x40, $0x38;
	[tilespmem:$0x18200] =	vst v63  }
0x1f: {  	s16 =	rddreg [dreg:$0x6];
	s7 =	simm.s32 $0x80  }
0x20: {  	[tilespmem:s7], [sflag:$0x3] =	stream.linear.gather [hbm4b:s16+s3], $0x40, $0x38;
	[tilespmem:$0x18200] =	vst v63  }
0x21: {  	s12 =	simm.s32 $0x100;
	s7 =	rddreg [dreg:$0x7]  }
0x22: {  	[tilespmem:s12], [sflag:$0x3] =	stream.linear.gather [hbm4b:s7+s3], $0x40, $0x38;
	[tilespmem:$0x18200] =	vst v63  }
0x23: {  	s13 =	rddreg [dreg:$0x8];
	s14 =	simm.s32 $0x180  }
0x24: {  	[tilespmem:s14], [sflag:$0x3] =	stream.linear.gather [hbm4b:s13+s3], $0x40, $0x38;
	[tilespmem:$0x18200] =	vst v63  }
0x25: {  	_ =	swait.ge [sflag:s25], $0x40  }
0x26: {  	[sflag:s25] =	ssyncset.done $0x0  }
0x27: {  	[sflag:s25] =	ssyncadd.s32 $0xFFFFFFC0  }
0x28: {  	_ =	swait.ge [sflag:s25], $0x40  }
0x29: {  	[sflag:s25] =	ssyncset.done $0x0  }
0x2a: {  	[sflag:s25] =	ssyncadd.s32 $0xFFFFFFC0  }
0x2b: {  	_ =	swait.ge [sflag:s25], $0x40  }
0x2c: {  	[sflag:s25] =	ssyncset.done $0x0  }
0x2d: {  	[sflag:s25] =	ssyncadd.s32 $0xFFFFFFC0  }
0x2e: {  	_ =	swait.ge [sflag:s25], $0x40  }
0x2f: {  	[sflag:s25] =	ssyncset.done $0x0  }
0x30: {  	[sflag:s25] =	ssyncadd.s32 $0xFFFFFFC0  }
0x31: {  	v3 =	vld [tilespmem:$0x0];
	_ =	sdelay $0x4  }
0x32: {  	v4 =	vshll.u32 v3, $0x3  }
0x33: {  	v3 =	vand.u32 $0x7, v3;
	v4 =	vand.u32 $0xFFFFFFC0, v4  }
0x34: {  	v3 =	vor.u32 v3, v4  }
0x35: {  	v4 =	vperm.xlane v3, v0;
	_ =	sdelay $0x1  }
0x36: {  	v4 =	vadd.s32 v1, v4;
	_ =	sdelay $0x4  }
0x37: {  	[tilespmem:s26], [sflag:$0x1] =	stream.indirect_vreg.gather [hbm4b:s1+s3], $0x80, v4, vm0, $0xb8;
	[tilespmem:$0x18200] =	vst v63  }
0x38: {  	s16 =	simm.s32 $0xA00;
	v3 =	vperm.xlane v3, v2  }
0x39: {  	[tilespmem:s16], [sflag:$0x1] =	stream.indirect_vreg.gather [hbm4b:s8+s3], $0x80, v4, vm0, $0xb8;
	[tilespmem:$0x18200] =	vst v63  }
0x3a: {  	s7 =	simm.s32 $0x1200;
	v3 =	vadd.s32 v1, v3  }
0x3b: {  	[tilespmem:s7], [sflag:$0x1] =	stream.indirect_vreg.gather [hbm4b:s9+s3], $0x80, v4, vm0, $0xb8;
	[tilespmem:$0x18200] =	vst v63  }
0x3c: {  	s12 =	simm.s32 $0x1A00  }
0x3d: {  	[tilespmem:s12], [sflag:$0x1] =	stream.indirect_vreg.gather [hbm4b:s10+s3], $0x80, v4, vm0, $0xb8;
	[tilespmem:$0x18200] =	vst v63  }
0x3e: {  	s13 =	simm.s32 $0x2200  }
0x3f: {  	[tilespmem:s13], [sflag:$0x1] =	stream.indirect_vreg.gather [hbm4b:s1+s3], $0x80, v3, vm0, $0xb8;
	[tilespmem:$0x18200] =	vst v63  }
0x40: {  	s14 =	simm.s32 $0x2A00  }
0x41: {  	[tilespmem:s14], [sflag:$0x1] =	stream.indirect_vreg.gather [hbm4b:s8+s3], $0x80, v3, vm0, $0xb8;
	[tilespmem:$0x18200] =	vst v63  }
0x42: {  	s16 =	simm.s32 $0x3200  }
0x43: {  	[tilespmem:s16], [sflag:$0x1] =	stream.indirect_vreg.gather [hbm4b:s9+s3], $0x80, v3, vm0, $0xb8;
	[tilespmem:$0x18200] =	vst v63  }
0x44: {  	s7 =	simm.s32 $0x3A00  }
0x45: {  	[tilespmem:s7], [sflag:$0x1] =	stream.indirect_vreg.gather [hbm4b:s10+s3], $0x80, v3, vm0, $0xb8;
	[tilespmem:$0x18200] =	vst v63  }
0x46: {  	v3 =	vld [tilespmem:$0x10];
	_ =	sdelay $0x4  }
0x47: {  	v4 =	vshll.u32 v3, $0x3  }
0x48: {  	v3 =	vand.u32 $0x7, v3;
	v4 =	vand.u32 $0xFFFFFFC0, v4  }
0x49: {  	v3 =	vor.u32 v3, v4  }
0x4a: {  	v4 =	vperm.xlane v3, v0;
	_ =	sdelay $0x1  }
0x4b: {  	v4 =	vadd.s32 v1, v4;
	_ =	sdelay $0x3  }
0x4c: {  	s12 =	simm.s32 $0x4200  }
0x4d: {  	[tilespmem:s12], [sflag:$0x1] =	stream.indirect_vreg.gather [hbm4b:s1+s3], $0x80, v4, vm0, $0xb8;
	[tilespmem:$0x18200] =	vst v63  }
0x4e: {  	s13 =	simm.s32 $0x4A00;
	v3 =	vperm.xlane v3, v2  }
0x4f: {  	[tilespmem:s13], [sflag:$0x1] =	stream.indirect_vreg.gather [hbm4b:s8+s3], $0x80, v4, vm0, $0xb8;
	[tilespmem:$0x18200] =	vst v63  }
0x50: {  	s14 =	simm.s32 $0x5200;
	v3 =	vadd.s32 v1, v3  }
0x51: {  	[tilespmem:s14], [sflag:$0x1] =	stream.indirect_vreg.gather [hbm4b:s9+s3], $0x80, v4, vm0, $0xb8;
	[tilespmem:$0x18200] =	vst v63  }
0x52: {  	s16 =	simm.s32 $0x5A00  }
0x53: {  	[tilespmem:s16], [sflag:$0x1] =	stream.indirect_vreg.gather [hbm4b:s10+s3], $0x80, v4, vm0, $0xb8;
	[tilespmem:$0x18200] =	vst v63  }
0x54: {  	s7 =	simm.s32 $0x6200  }
0x55: {  	[tilespmem:s7], [sflag:$0x1] =	stream.indirect_vreg.gather [hbm4b:s1+s3], $0x80, v3, vm0, $0xb8;
	[tilespmem:$0x18200] =	vst v63  }
0x56: {  	s12 =	simm.s32 $0x6A00  }
0x57: {  	[tilespmem:s12], [sflag:$0x1] =	stream.indirect_vreg.gather [hbm4b:s8+s3], $0x80, v3, vm0, $0xb8;
	[tilespmem:$0x18200] =	vst v63  }
0x58: {  	s13 =	simm.s32 $0x7200  }
0x59: {  	[tilespmem:s13], [sflag:$0x1] =	stream.indirect_vreg.gather [hbm4b:s9+s3], $0x80, v3, vm0, $0xb8;
	[tilespmem:$0x18200] =	vst v63  }
0x5a: {  	s14 =	simm.s32 $0x7A00  }
0x5b: {  	[tilespmem:s14], [sflag:$0x1] =	stream.indirect_vreg.gather [hbm4b:s10+s3], $0x80, v3, vm0, $0xb8;
	[tilespmem:$0x18200] =	vst v63  }
0x5c: {  	v3 =	vld [tilespmem:$0x80];
	_ =	sdelay $0x4  }
0x5d: {  	v4 =	vshll.u32 v3, $0x3  }
0x5e: {  	v3 =	vand.u32 $0x7, v3;
	v4 =	vand.u32 $0xFFFFFFC0, v4  }
0x5f: {  	v3 =	vor.u32 v3, v4  }
0x60: {  	v4 =	vperm.xlane v3, v0;
	_ =	sdelay $0x1  }
0x61: {  	v4 =	vadd.s32 v1, v4;
	_ =	sdelay $0x4  }
0x62: {  	[tilespmem:s15], [sflag:$0x1] =	stream.indirect_vreg.gather [hbm4b:s1+s3], $0x80, v4, vm0, $0xb8;
	[tilespmem:$0x18200] =	vst v63  }
0x63: {  	s16 =	simm.s32 $0x8A00;
	v3 =	vperm.xlane v3, v2  }
0x64: {  	[tilespmem:s16], [sflag:$0x1] =	stream.indirect_vreg.gather [hbm4b:s8+s3], $0x80, v4, vm0, $0xb8;
	[tilespmem:$0x18200] =	vst v63  }
0x65: {  	v3 =	vadd.s32 v1, v3  }
0x66: {  	[tilespmem:s17], [sflag:$0x1] =	stream.indirect_vreg.gather [hbm4b:s9+s3], $0x80, v4, vm0, $0xb8;
	[tilespmem:$0x18200] =	vst v63  }
0x67: {  	_ = 	snop  }
0x68: {  	[tilespmem:s18], [sflag:$0x1] =	stream.indirect_vreg.gather [hbm4b:s10+s3], $0x80, v4, vm0, $0xb8;
	[tilespmem:$0x18200] =	vst v63  }
0x69: {  	_ = 	snop  }
0x6a: {  	[tilespmem:s19], [sflag:$0x1] =	stream.indirect_vreg.gather [hbm4b:s1+s3], $0x80, v3, vm0, $0xb8;
	[tilespmem:$0x18200] =	vst v63  }
0x6b: {  	_ = 	snop  }
0x6c: {  	[tilespmem:s20], [sflag:$0x1] =	stream.indirect_vreg.gather [hbm4b:s8+s3], $0x80, v3, vm0, $0xb8;
	[tilespmem:$0x18200] =	vst v63  }
0x6d: {  	_ = 	snop  }
0x6e: {  	[tilespmem:s21], [sflag:$0x1] =	stream.indirect_vreg.gather [hbm4b:s9+s3], $0x80, v3, vm0, $0xb8;
	[tilespmem:$0x18200] =	vst v63  }
0x6f: {  	_ = 	snop  }
0x70: {  	[tilespmem:s4], [sflag:$0x1] =	stream.indirect_vreg.gather [hbm4b:s10+s3], $0x80, v3, vm0, $0xb8;
	[tilespmem:$0x18200] =	vst v63  }
0x71: {  	v3 =	vld [tilespmem:$0x90];
	_ =	sdelay $0x4  }
0x72: {  	v4 =	vshll.u32 v3, $0x3  }
0x73: {  	v3 =	vand.u32 $0x7, v3;
	v4 =	vand.u32 $0xFFFFFFC0, v4  }
0x74: {  	v3 =	vor.u32 v3, v4  }
0x75: {  	v4 =	vperm.xlane v3, v0;
	_ =	sdelay $0x1  }
0x76: {  	v4 =	vadd.s32 v1, v4;
	_ =	sdelay $0x4  }
0x77: {  	[tilespmem:s11], [sflag:$0x1] =	stream.indirect_vreg.gather [hbm4b:s1+s3], $0x80, v4, vm0, $0xb8;
	[tilespmem:$0x18200] =	vst v63  }
0x78: {  	v3 =	vperm.xlane v3, v2  }
0x79: {  	[tilespmem:s28], [sflag:$0x1] =	stream.indirect_vreg.gather [hbm4b:s8+s3], $0x80, v4, vm0, $0xb8;
	[tilespmem:$0x18200] =	vst v63  }
0x7a: {  	v3 =	vadd.s32 v1, v3  }
0x7b: {  	[tilespmem:s29], [sflag:$0x1] =	stream.indirect_vreg.gather [hbm4b:s9+s3], $0x80, v4, vm0, $0xb8;
	[tilespmem:$0x18200] =	vst v63  }
0x7c: {  	_ = 	snop  }
0x7d: {  	[tilespmem:s30], [sflag:$0x1] =	stream.indirect_vreg.gather [hbm4b:s10+s3], $0x80, v4, vm0, $0xb8;
	[tilespmem:$0x18200] =	vst v63  }
0x7e: {  	_ = 	snop  }
0x7f: {  	[tilespmem:s31], [sflag:$0x1] =	stream.indirect_vreg.gather [hbm4b:s1+s3], $0x80, v3, vm0, $0xb8;
	[tilespmem:$0x18200] =	vst v63  }
0x80: {  	_ = 	snop  }
0x81: {  	[tilespmem:s2], [sflag:$0x1] =	stream.indirect_vreg.gather [hbm4b:s8+s3], $0x80, v3, vm0, $0xb8;
	[tilespmem:$0x18200] =	vst v63  }
0x82: {  	_ = 	snop  }
0x83: {  	[tilespmem:s0], [sflag:$0x1] =	stream.indirect_vreg.gather [hbm4b:s9+s3], $0x80, v3, vm0, $0xb8;
	[tilespmem:$0x18200] =	vst v63  }
0x84: {  	_ = 	snop  }
0x85: {  	[tilespmem:s22], [sflag:$0x1] =	stream.indirect_vreg.gather [hbm4b:s10+s3], $0x80, v3, vm0, $0xb8;
	[tilespmem:$0x18200] =	vst v63  }
0x86: {  	s7 =	rddreg [dreg:$0xa];
	s12 =	simm.s32 $0x10200  }
0x87: {  	[tilespmem:s12], [sflag:$0x3] =	stream.linear.gather [hbm4b:s7+s3], $0x8000, $0x38;
	[tilespmem:$0x18200] =	vst v63  }
0x88: {  	_ =	swait.ge [sflag:s23], $0x8000  }
0x89: {  	s13 =	simm.s32 $0x0;
	[sflag:s23] =	ssyncset.done $0x0  }
0x8a: {  	s6 =	sand.u32 $0x6000, s13;
	[sflag:s23] =	ssyncadd.s32 $0xFFFF8000  }
0x8b: {  	s14 =	sand.u32 $0x1C00, s3;
	s12 =	simm.s32 $0x0;
	_ =	swait.ge [sflag:s25], $0x8000  }
0x8c: {  	s6 =	sor.u32 s14, s6;
	s16 =	sand.u32 $0x380, s12;
	[sflag:s25] =	ssyncset.done $0x0  }
0x8d: {  	s6 =	sor.u32 s16, s6;
	[sflag:s25] =	ssyncadd.s32 $0xFFFF8000  }
0x8e: {  	v3 =	vld [tilespmem:s6+$0x10270]  }
0x8f: {  	v8 =	vld [tilespmem:s6+$0x10200]  }
0x90: {  	v9 =	vld [tilespmem:s6+$0x10210]  }
0x91: {  	v7 =	vld [tilespmem:s6+$0x10220]  }
0x92: {  	v6 =	vld [tilespmem:s6+$0x10230]  }
0x93: {  	v5 =	vld [tilespmem:s6+$0x10240]  }
0x94: {  	v4 =	vld [tilespmem:s6+$0x10260]  }
0x95: {  	[tilespmem:s6+$0x270] =	vst.add.f32.msk $0xffff, v3  }
0x96: {  	v3 =	vld [tilespmem:s6+$0x10250]  }
0x97: {  	[tilespmem:s6+$0x200] =	vst.add.f32.msk $0xffff, v8  }
0x98: {  	s7 =	simm.s32 $0x0;
	s12 =	simm.s32 $0x0;
	[tilespmem:s6+$0x210] =	vst.add.f32.msk $0xffff, v9  }
.LBB2_2:
0x99: {  	s7 =	sadd.s32 $0x8, s7;
	[tilespmem:s6+$0x220] =	vst.add.f32.msk $0xffff, v7  }
0x9a: {  	s12 =	sadd.s32 $0x400, s12;
	s13 =	sshll.u32 s7, $0x4;
	p0 =	slt.u32 s7, $0x7F8;
	[tilespmem:s6+$0x230] =	vst.add.f32.msk $0xffff, v6  }
0x9b: {  	s14 =	sand.u32 $0x1C00, s12;
	s16 =	sshll.u32 s7, $0x1;
	s13 =	sand.u32 $0x6000, s13;
	[tilespmem:s6+$0x240] =	vst.add.f32.msk $0xffff, v5  }
0x9c: {  	s13 =	sor.u32 s14, s13;
	s14 =	sand.u32 $0x380, s16;
	[tilespmem:s6+$0x250] =	vst.add.f32.msk $0xffff, v3  }
0x9d: {  	[tilespmem:s6+$0x260] =	vst.add.f32.msk $0xffff, v4;
	s6 =	sor.u32 s14, s13  }
0x9e: {  	v3 =	vld [tilespmem:s6+$0x10270]  }
0x9f: {  	v8 =	vld [tilespmem:s6+$0x10200]  }
0xa0: {  	v9 =	vld [tilespmem:s6+$0x10210]  }
0xa1: {  	v7 =	vld [tilespmem:s6+$0x10220]  }
0xa2: {  	v6 =	vld [tilespmem:s6+$0x10230]  }
0xa3: {  	[tilespmem:s6+$0x270] =	vst.add.f32.msk $0xffff, v3  }
.Ltmp0:
0xa4: {  	v5 =	vld [tilespmem:s6+$0x10240];
	(pc) =	sbr.rel @p0 .LBB2_2-.Ltmp0, $4  }
0xa5: {  	v3 =	vld [tilespmem:s6+$0x10250]  }
0xa6: {  	v4 =	vld [tilespmem:s6+$0x10260]  }
0xa7: {  	[tilespmem:s6+$0x200] =	vst.add.f32.msk $0xffff, v8  }
0xa8: {  	[tilespmem:s6+$0x210] =	vst.add.f32.msk $0xffff, v9  }
0xa9: {  	[tilespmem:s6+$0x220] =	vst.add.f32.msk $0xffff, v7  }
0xaa: {  	[tilespmem:s6+$0x230] =	vst.add.f32.msk $0xffff, v6  }
0xab: {  	[tilespmem:s6+$0x240] =	vst.add.f32.msk $0xffff, v5  }
0xac: {  	[tilespmem:s6+$0x250] =	vst.add.f32.msk $0xffff, v3  }
0xad: {  	s7 =	rddreg [dreg:$0x9];
	[tilespmem:s6+$0x260] =	vst.add.f32.msk $0xffff, v4;
	s6 =	simm.s32 $0x0  }
0xae: {  	[hbm4b:s7+s6] =	stream.linear.scatter [tilespmem:s26], [sflag:$0x2], $0x8000, $0x38;
	[tilespmem:$0x18200] =	vst v63  }
0xaf: {  	_ =	swait.ge [sflag:s24], $0x8000  }
0xb0: {  	[sflag:s24] =	ssyncset.done $0x0  }
0xb1: {  	[sflag:s24] =	ssyncadd.s32 $0xFFFF8000  }
0xb2: {  	v3 =	vld [tilespmem:$0x100];
	_ =	sdelay $0x4  }
0xb3: {  	v4 =	vshll.u32 v3, $0x3  }
0xb4: {  	v3 =	vand.u32 $0x7, v3;
	v4 =	vand.u32 $0xFFFFFFC0, v4  }
0xb5: {  	v3 =	vor.u32 v3, v4  }
0xb6: {  	v4 =	vperm.xlane v3, v0;
	_ =	sdelay $0x1  }
0xb7: {  	v4 =	vadd.s32 v1, v4;
	_ =	sdelay $0x4  }
0xb8: {  	[tilespmem:s26], [sflag:$0x1] =	stream.indirect_vreg.gather [hbm4b:s1+s6], $0x80, v4, vm0, $0xb8;
	[tilespmem:$0x18200] =	vst v63  }
0xb9: {  	s16 =	simm.s32 $0xA00;
	v3 =	vperm.xlane v3, v2  }
0xba: {  	[tilespmem:s16], [sflag:$0x1] =	stream.indirect_vreg.gather [hbm4b:s8+s6], $0x80, v4, vm0, $0xb8;
	[tilespmem:$0x18200] =	vst v63  }
0xbb: {  	s12 =	simm.s32 $0x1200;
	v3 =	vadd.s32 v1, v3  }
0xbc: {  	[tilespmem:s12], [sflag:$0x1] =	stream.indirect_vreg.gather [hbm4b:s9+s6], $0x80, v4, vm0, $0xb8;
	[tilespmem:$0x18200] =	vst v63  }
0xbd: {  	s13 =	simm.s32 $0x1A00  }
0xbe: {  	[tilespmem:s13], [sflag:$0x1] =	stream.indirect_vreg.gather [hbm4b:s10+s6], $0x80, v4, vm0, $0xb8;
	[tilespmem:$0x18200] =	vst v63  }
0xbf: {  	s14 =	simm.s32 $0x2200  }
0xc0: {  	[tilespmem:s14], [sflag:$0x1] =	stream.indirect_vreg.gather [hbm4b:s1+s6], $0x80, v3, vm0, $0xb8;
	[tilespmem:$0x18200] =	vst v63  }
0xc1: {  	s16 =	simm.s32 $0x2A00  }
0xc2: {  	[tilespmem:s16], [sflag:$0x1] =	stream.indirect_vreg.gather [hbm4b:s8+s6], $0x80, v3, vm0, $0xb8;
	[tilespmem:$0x18200] =	vst v63  }
0xc3: {  	s12 =	simm.s32 $0x3200  }
0xc4: {  	[tilespmem:s12], [sflag:$0x1] =	stream.indirect_vreg.gather [hbm4b:s9+s6], $0x80, v3, vm0, $0xb8;
	[tilespmem:$0x18200] =	vst v63  }
0xc5: {  	s13 =	simm.s32 $0x3A00  }
0xc6: {  	[tilespmem:s13], [sflag:$0x1] =	stream.indirect_vreg.gather [hbm4b:s10+s6], $0x80, v3, vm0, $0xb8;
	[tilespmem:$0x18200] =	vst v63  }
0xc7: {  	v3 =	vld [tilespmem:$0x110];
	_ =	sdelay $0x4  }
0xc8: {  	v4 =	vshll.u32 v3, $0x3  }
0xc9: {  	v3 =	vand.u32 $0x7, v3;
	v4 =	vand.u32 $0xFFFFFFC0, v4  }
0xca: {  	v3 =	vor.u32 v3, v4  }
0xcb: {  	v4 =	vperm.xlane v3, v0;
	_ =	sdelay $0x1  }
0xcc: {  	v4 =	vadd.s32 v1, v4;
	_ =	sdelay $0x3  }
0xcd: {  	s14 =	simm.s32 $0x4200  }
0xce: {  	[tilespmem:s14], [sflag:$0x1] =	stream.indirect_vreg.gather [hbm4b:s1+s6], $0x80, v4, vm0, $0xb8;
	[tilespmem:$0x18200] =	vst v63  }
0xcf: {  	s16 =	simm.s32 $0x4A00;
	v3 =	vperm.xlane v3, v2  }
0xd0: {  	[tilespmem:s16], [sflag:$0x1] =	stream.indirect_vreg.gather [hbm4b:s8+s6], $0x80, v4, vm0, $0xb8;
	[tilespmem:$0x18200] =	vst v63  }
0xd1: {  	s12 =	simm.s32 $0x5200;
	v3 =	vadd.s32 v1, v3  }
0xd2: {  	[tilespmem:s12], [sflag:$0x1] =	stream.indirect_vreg.gather [hbm4b:s9+s6], $0x80, v4, vm0, $0xb8;
	[tilespmem:$0x18200] =	vst v63  }
0xd3: {  	s13 =	simm.s32 $0x5A00  }
0xd4: {  	[tilespmem:s13], [sflag:$0x1] =	stream.indirect_vreg.gather [hbm4b:s10+s6], $0x80, v4, vm0, $0xb8;
	[tilespmem:$0x18200] =	vst v63  }
0xd5: {  	s14 =	simm.s32 $0x6200  }
0xd6: {  	[tilespmem:s14], [sflag:$0x1] =	stream.indirect_vreg.gather [hbm4b:s1+s6], $0x80, v3, vm0, $0xb8;
	[tilespmem:$0x18200] =	vst v63  }
0xd7: {  	s16 =	simm.s32 $0x6A00  }
0xd8: {  	[tilespmem:s16], [sflag:$0x1] =	stream.indirect_vreg.gather [hbm4b:s8+s6], $0x80, v3, vm0, $0xb8;
	[tilespmem:$0x18200] =	vst v63  }
0xd9: {  	s12 =	simm.s32 $0x7200;
	s14 =	simm.s32 $0x0  }
0xda: {  	[tilespmem:s12], [sflag:$0x1] =	stream.indirect_vreg.gather [hbm4b:s9+s6], $0x80, v3, vm0, $0xb8;
	[tilespmem:$0x18200] =	vst v63  }
0xdb: {  	s13 =	simm.s32 $0x7A00;
	s7 =	sand.u32 $0x6000, s14  }
0xdc: {  	[tilespmem:s13], [sflag:$0x1] =	stream.indirect_vreg.gather [hbm4b:s10+s6], $0x80, v3, vm0, $0xb8;
	[tilespmem:$0x18200] =	vst v63  }
0xdd: {  	s12 =	sand.u32 $0x1C00, s6;
	s13 =	simm.s32 $0x0;
	_ =	swait.ge [sflag:s23], $0x8000  }
0xde: {  	s7 =	sor.u32 s12, s7;
	s16 =	sand.u32 $0x380, s13;
	[sflag:s23] =	ssyncset.done $0x0  }
0xdf: {  	s7 =	sor.u32 s16, s7;
	[sflag:s23] =	ssyncadd.s32 $0xFFFF8000  }
0xe0: {  	v3 =	vld [tilespmem:s7+$0x10270]  }
0xe1: {  	v8 =	vld [tilespmem:s7+$0x10200]  }
0xe2: {  	v9 =	vld [tilespmem:s7+$0x10210]  }
0xe3: {  	v7 =	vld [tilespmem:s7+$0x10220]  }
0xe4: {  	v6 =	vld [tilespmem:s7+$0x10230]  }
0xe5: {  	v5 =	vld [tilespmem:s7+$0x10240]  }
0xe6: {  	v4 =	vld [tilespmem:s7+$0x10260]  }
0xe7: {  	[tilespmem:s7+$0x8270] =	vst.add.f32.msk $0xffff, v3  }
0xe8: {  	v3 =	vld [tilespmem:s7+$0x10250]  }
0xe9: {  	[tilespmem:s7+$0x8200] =	vst.add.f32.msk $0xffff, v8  }
0xea: {  	s12 =	simm.s32 $0x0;
	[tilespmem:s7+$0x8210] =	vst.add.f32.msk $0xffff, v9  }
.LBB2_4:
0xeb: {  	s12 =	sadd.s32 $0x8, s12;
	[tilespmem:s7+$0x8220] =	vst.add.f32.msk $0xffff, v7  }
0xec: {  	s6 =	sadd.s32 $0x400, s6;
	s13 =	sshll.u32 s12, $0x4;
	p0 =	slt.u32 s12, $0x7F8;
	[tilespmem:s7+$0x8230] =	vst.add.f32.msk $0xffff, v6  }
0xed: {  	s14 =	sand.u32 $0x1C00, s6;
	s16 =	sshll.u32 s12, $0x1;
	s13 =	sand.u32 $0x6000, s13;
	[tilespmem:s7+$0x8240] =	vst.add.f32.msk $0xffff, v5  }
0xee: {  	s13 =	sor.u32 s14, s13;
	s14 =	sand.u32 $0x380, s16;
	[tilespmem:s7+$0x8250] =	vst.add.f32.msk $0xffff, v3  }
0xef: {  	[tilespmem:s7+$0x8260] =	vst.add.f32.msk $0xffff, v4;
	s7 =	sor.u32 s14, s13  }
0xf0: {  	v3 =	vld [tilespmem:s7+$0x10270]  }
0xf1: {  	v8 =	vld [tilespmem:s7+$0x10200]  }
0xf2: {  	v9 =	vld [tilespmem:s7+$0x10210]  }
0xf3: {  	v7 =	vld [tilespmem:s7+$0x10220]  }
0xf4: {  	v6 =	vld [tilespmem:s7+$0x10230]  }
0xf5: {  	[tilespmem:s7+$0x8270] =	vst.add.f32.msk $0xffff, v3  }
.Ltmp1:
0xf6: {  	v5 =	vld [tilespmem:s7+$0x10240];
	(pc) =	sbr.rel @p0 .LBB2_4-.Ltmp1, $4  }
0xf7: {  	v3 =	vld [tilespmem:s7+$0x10250]  }
0xf8: {  	v4 =	vld [tilespmem:s7+$0x10260]  }
0xf9: {  	[tilespmem:s7+$0x8200] =	vst.add.f32.msk $0xffff, v8  }
0xfa: {  	[tilespmem:s7+$0x8210] =	vst.add.f32.msk $0xffff, v9  }
0xfb: {  	[tilespmem:s7+$0x8220] =	vst.add.f32.msk $0xffff, v7  }
0xfc: {  	[tilespmem:s7+$0x8230] =	vst.add.f32.msk $0xffff, v6  }
0xfd: {  	[tilespmem:s7+$0x8240] =	vst.add.f32.msk $0xffff, v5  }
0xfe: {  	[tilespmem:s7+$0x8250] =	vst.add.f32.msk $0xffff, v3  }
0xff: {  	s6 =	simm.s32 $0x0;
	s12 =	rddreg [dreg:$0xb];
	[tilespmem:s7+$0x8260] =	vst.add.f32.msk $0xffff, v4  }
0x100: {  	[hbm4b:s12+s6] =	stream.linear.scatter [tilespmem:s15], [sflag:$0x2], $0x8000, $0x38;
	[tilespmem:$0x18200] =	vst v63  }
0x101: {  	_ =	swait.ge [sflag:s24], $0x8000  }
0x102: {  	[sflag:s24] =	ssyncset.done $0x0  }
0x103: {  	[sflag:s24] =	ssyncadd.s32 $0xFFFF8000  }
0x104: {  	v3 =	vld [tilespmem:$0x180];
	_ =	sdelay $0x4  }
0x105: {  	v4 =	vshll.u32 v3, $0x3  }
0x106: {  	v3 =	vand.u32 $0x7, v3;
	v4 =	vand.u32 $0xFFFFFFC0, v4  }
0x107: {  	v3 =	vor.u32 v3, v4  }
0x108: {  	v4 =	vperm.xlane v3, v0;
	_ =	sdelay $0x1  }
0x109: {  	v4 =	vadd.s32 v1, v4;
	_ =	sdelay $0x4  }
0x10a: {  	[tilespmem:s15], [sflag:$0x1] =	stream.indirect_vreg.gather [hbm4b:s1+s6], $0x80, v4, vm0, $0xb8;
	[tilespmem:$0x18200] =	vst v63  }
0x10b: {  	s13 =	simm.s32 $0x8A00;
	v3 =	vperm.xlane v3, v2  }
0x10c: {  	[tilespmem:s13], [sflag:$0x1] =	stream.indirect_vreg.gather [hbm4b:s8+s6], $0x80, v4, vm0, $0xb8;
	[tilespmem:$0x18200] =	vst v63  }
0x10d: {  	v3 =	vadd.s32 v1, v3  }
0x10e: {  	[tilespmem:s17], [sflag:$0x1] =	stream.indirect_vreg.gather [hbm4b:s9+s6], $0x80, v4, vm0, $0xb8;
	[tilespmem:$0x18200] =	vst v63  }
0x10f: {  	_ = 	snop  }
0x110: {  	[tilespmem:s18], [sflag:$0x1] =	stream.indirect_vreg.gather [hbm4b:s10+s6], $0x80, v4, vm0, $0xb8;
	[tilespmem:$0x18200] =	vst v63  }
0x111: {  	_ = 	snop  }
0x112: {  	[tilespmem:s19], [sflag:$0x1] =	stream.indirect_vreg.gather [hbm4b:s1+s6], $0x80, v3, vm0, $0xb8;
	[tilespmem:$0x18200] =	vst v63  }
0x113: {  	_ = 	snop  }
0x114: {  	[tilespmem:s20], [sflag:$0x1] =	stream.indirect_vreg.gather [hbm4b:s8+s6], $0x80, v3, vm0, $0xb8;
	[tilespmem:$0x18200] =	vst v63  }
0x115: {  	_ = 	snop  }
0x116: {  	[tilespmem:s21], [sflag:$0x1] =	stream.indirect_vreg.gather [hbm4b:s9+s6], $0x80, v3, vm0, $0xb8;
	[tilespmem:$0x18200] =	vst v63  }
0x117: {  	_ = 	snop  }
0x118: {  	[tilespmem:s4], [sflag:$0x1] =	stream.indirect_vreg.gather [hbm4b:s10+s6], $0x80, v3, vm0, $0xb8;
	[tilespmem:$0x18200] =	vst v63  }
0x119: {  	v3 =	vld [tilespmem:$0x190];
	_ =	sdelay $0x4  }
0x11a: {  	v4 =	vshll.u32 v3, $0x3  }
0x11b: {  	v3 =	vand.u32 $0x7, v3;
	v4 =	vand.u32 $0xFFFFFFC0, v4  }
0x11c: {  	v3 =	vor.u32 v3, v4  }
0x11d: {  	v4 =	vperm.xlane v3, v0;
	_ =	sdelay $0x1  }
0x11e: {  	v4 =	vadd.s32 v1, v4;
	_ =	sdelay $0x4  }
0x11f: {  	[tilespmem:s11], [sflag:$0x1] =	stream.indirect_vreg.gather [hbm4b:s1+s6], $0x80, v4, vm0, $0xb8;
	[tilespmem:$0x18200] =	vst v63  }
0x120: {  	v3 =	vperm.xlane v3, v2  }
0x121: {  	[tilespmem:s28], [sflag:$0x1] =	stream.indirect_vreg.gather [hbm4b:s8+s6], $0x80, v4, vm0, $0xb8;
	[tilespmem:$0x18200] =	vst v63  }
0x122: {  	v3 =	vadd.s32 v1, v3  }
0x123: {  	[tilespmem:s29], [sflag:$0x1] =	stream.indirect_vreg.gather [hbm4b:s9+s6], $0x80, v4, vm0, $0xb8;
	[tilespmem:$0x18200] =	vst v63  }
0x124: {  	_ = 	snop  }
0x125: {  	[tilespmem:s30], [sflag:$0x1] =	stream.indirect_vreg.gather [hbm4b:s10+s6], $0x80, v4, vm0, $0xb8;
	[tilespmem:$0x18200] =	vst v63  }
0x126: {  	_ = 	snop  }
0x127: {  	[tilespmem:s31], [sflag:$0x1] =	stream.indirect_vreg.gather [hbm4b:s1+s6], $0x80, v3, vm0, $0xb8;
	[tilespmem:$0x18200] =	vst v63  }
0x128: {  	_ = 	snop  }
0x129: {  	[tilespmem:s2], [sflag:$0x1] =	stream.indirect_vreg.gather [hbm4b:s8+s6], $0x80, v3, vm0, $0xb8;
	[tilespmem:$0x18200] =	vst v63  }
0x12a: {  	s14 =	simm.s32 $0x0  }
0x12b: {  	[tilespmem:s0], [sflag:$0x1] =	stream.indirect_vreg.gather [hbm4b:s9+s6], $0x80, v3, vm0, $0xb8;
	[tilespmem:$0x18200] =	vst v63  }
0x12c: {  	s7 =	sand.u32 $0x6000, s14  }
0x12d: {  	[tilespmem:s22], [sflag:$0x1] =	stream.indirect_vreg.gather [hbm4b:s10+s6], $0x80, v3, vm0, $0xb8;
	[tilespmem:$0x18200] =	vst v63  }
0x12e: {  	s12 =	sand.u32 $0x1C00, s6;
	s13 =	simm.s32 $0x0;
	_ =	swait.ge [sflag:s23], $0x8000  }
0x12f: {  	s7 =	sor.u32 s12, s7;
	s16 =	sand.u32 $0x380, s13;
	[sflag:s23] =	ssyncset.done $0x0  }
0x130: {  	s7 =	sor.u32 s16, s7;
	[sflag:s23] =	ssyncadd.s32 $0xFFFF8000  }
0x131: {  	v3 =	vld [tilespmem:s7+$0x10270]  }
0x132: {  	v8 =	vld [tilespmem:s7+$0x10200]  }
0x133: {  	v9 =	vld [tilespmem:s7+$0x10210]  }
0x134: {  	v7 =	vld [tilespmem:s7+$0x10220]  }
0x135: {  	v6 =	vld [tilespmem:s7+$0x10230]  }
0x136: {  	v5 =	vld [tilespmem:s7+$0x10240]  }
0x137: {  	v4 =	vld [tilespmem:s7+$0x10260]  }
0x138: {  	[tilespmem:s7+$0x270] =	vst.add.f32.msk $0xffff, v3  }
0x139: {  	v3 =	vld [tilespmem:s7+$0x10250]  }
0x13a: {  	[tilespmem:s7+$0x200] =	vst.add.f32.msk $0xffff, v8  }
0x13b: {  	s12 =	simm.s32 $0x0;
	[tilespmem:s7+$0x210] =	vst.add.f32.msk $0xffff, v9  }
.LBB2_6:
0x13c: {  	s12 =	sadd.s32 $0x8, s12;
	[tilespmem:s7+$0x220] =	vst.add.f32.msk $0xffff, v7  }
0x13d: {  	s6 =	sadd.s32 $0x400, s6;
	s13 =	sshll.u32 s12, $0x4;
	p0 =	slt.u32 s12, $0x7F8;
	[tilespmem:s7+$0x230] =	vst.add.f32.msk $0xffff, v6  }
0x13e: {  	s14 =	sand.u32 $0x1C00, s6;
	s16 =	sshll.u32 s12, $0x1;
	s13 =	sand.u32 $0x6000, s13;
	[tilespmem:s7+$0x240] =	vst.add.f32.msk $0xffff, v5  }
0x13f: {  	s13 =	sor.u32 s14, s13;
	s14 =	sand.u32 $0x380, s16;
	[tilespmem:s7+$0x250] =	vst.add.f32.msk $0xffff, v3  }
0x140: {  	[tilespmem:s7+$0x260] =	vst.add.f32.msk $0xffff, v4;
	s7 =	sor.u32 s14, s13  }
0x141: {  	v3 =	vld [tilespmem:s7+$0x10270]  }
0x142: {  	v8 =	vld [tilespmem:s7+$0x10200]  }
0x143: {  	v9 =	vld [tilespmem:s7+$0x10210]  }
0x144: {  	v7 =	vld [tilespmem:s7+$0x10220]  }
0x145: {  	v6 =	vld [tilespmem:s7+$0x10230]  }
0x146: {  	[tilespmem:s7+$0x270] =	vst.add.f32.msk $0xffff, v3  }
.Ltmp2:
0x147: {  	v5 =	vld [tilespmem:s7+$0x10240];
	(pc) =	sbr.rel @p0 .LBB2_6-.Ltmp2, $4  }
0x148: {  	v3 =	vld [tilespmem:s7+$0x10250]  }
0x149: {  	v4 =	vld [tilespmem:s7+$0x10260]  }
0x14a: {  	[tilespmem:s7+$0x200] =	vst.add.f32.msk $0xffff, v8  }
0x14b: {  	[tilespmem:s7+$0x210] =	vst.add.f32.msk $0xffff, v9  }
0x14c: {  	[tilespmem:s7+$0x220] =	vst.add.f32.msk $0xffff, v7  }
0x14d: {  	[tilespmem:s7+$0x230] =	vst.add.f32.msk $0xffff, v6  }
0x14e: {  	[tilespmem:s7+$0x240] =	vst.add.f32.msk $0xffff, v5  }
0x14f: {  	[tilespmem:s7+$0x250] =	vst.add.f32.msk $0xffff, v3  }
0x150: {  	s6 =	simm.s32 $0x0;
	s14 =	rddreg [dreg:$0xc];
	[tilespmem:s7+$0x260] =	vst.add.f32.msk $0xffff, v4  }
0x151: {  	[hbm4b:s14+s6] =	stream.linear.scatter [tilespmem:s26], [sflag:$0x2], $0x8000, $0x38;
	[tilespmem:$0x18200] =	vst v63  }
0x152: {  	_ =	swait.ge [sflag:s24], $0x8000  }
0x153: {  	[sflag:s24] =	ssyncset.done $0x0  }
0x154: {  	[sflag:s24] =	ssyncadd.s32 $0xFFFF8000  }
0x155: {  	v3 =	vld [tilespmem:$0x20];
	_ =	sdelay $0x4  }
0x156: {  	v4 =	vshll.u32 v3, $0x3  }
0x157: {  	v3 =	vand.u32 $0x7, v3;
	v4 =	vand.u32 $0xFFFFFFC0, v4  }
0x158: {  	v3 =	vor.u32 v3, v4  }
0x159: {  	v4 =	vperm.xlane v3, v0;
	_ =	sdelay $0x1  }
0x15a: {  	v4 =	vadd.s32 v1, v4;
	_ =	sdelay $0x4  }
0x15b: {  	[tilespmem:s26], [sflag:$0x1] =	stream.indirect_vreg.gather [hbm4b:s1+s6], $0x80, v4, vm0, $0xb8;
	[tilespmem:$0x18200] =	vst v63  }
0x15c: {  	s16 =	simm.s32 $0xA00;
	v3 =	vperm.xlane v3, v2  }
0x15d: {  	[tilespmem:s16], [sflag:$0x1] =	stream.indirect_vreg.gather [hbm4b:s8+s6], $0x80, v4, vm0, $0xb8;
	[tilespmem:$0x18200] =	vst v63  }
0x15e: {  	s12 =	simm.s32 $0x1200;
	v3 =	vadd.s32 v1, v3  }
0x15f: {  	[tilespmem:s12], [sflag:$0x1] =	stream.indirect_vreg.gather [hbm4b:s9+s6], $0x80, v4, vm0, $0xb8;
	[tilespmem:$0x18200] =	vst v63  }
0x160: {  	s13 =	simm.s32 $0x1A00  }
0x161: {  	[tilespmem:s13], [sflag:$0x1] =	stream.indirect_vreg.gather [hbm4b:s10+s6], $0x80, v4, vm0, $0xb8;
	[tilespmem:$0x18200] =	vst v63  }
0x162: {  	s14 =	simm.s32 $0x2200  }
0x163: {  	[tilespmem:s14], [sflag:$0x1] =	stream.indirect_vreg.gather [hbm4b:s1+s6], $0x80, v3, vm0, $0xb8;
	[tilespmem:$0x18200] =	vst v63  }
0x164: {  	s16 =	simm.s32 $0x2A00  }
0x165: {  	[tilespmem:s16], [sflag:$0x1] =	stream.indirect_vreg.gather [hbm4b:s8+s6], $0x80, v3, vm0, $0xb8;
	[tilespmem:$0x18200] =	vst v63  }
0x166: {  	s12 =	simm.s32 $0x3200  }
0x167: {  	[tilespmem:s12], [sflag:$0x1] =	stream.indirect_vreg.gather [hbm4b:s9+s6], $0x80, v3, vm0, $0xb8;
	[tilespmem:$0x18200] =	vst v63  }
0x168: {  	s13 =	simm.s32 $0x3A00  }
0x169: {  	[tilespmem:s13], [sflag:$0x1] =	stream.indirect_vreg.gather [hbm4b:s10+s6], $0x80, v3, vm0, $0xb8;
	[tilespmem:$0x18200] =	vst v63  }
0x16a: {  	v3 =	vld [tilespmem:$0x30];
	_ =	sdelay $0x4  }
0x16b: {  	v4 =	vshll.u32 v3, $0x3  }
0x16c: {  	v3 =	vand.u32 $0x7, v3;
	v4 =	vand.u32 $0xFFFFFFC0, v4  }
0x16d: {  	v3 =	vor.u32 v3, v4  }
0x16e: {  	v4 =	vperm.xlane v3, v0;
	_ =	sdelay $0x1  }
0x16f: {  	v4 =	vadd.s32 v1, v4;
	_ =	sdelay $0x3  }
0x170: {  	s14 =	simm.s32 $0x4200  }
0x171: {  	[tilespmem:s14], [sflag:$0x1] =	stream.indirect_vreg.gather [hbm4b:s1+s6], $0x80, v4, vm0, $0xb8;
	[tilespmem:$0x18200] =	vst v63  }
0x172: {  	s16 =	simm.s32 $0x4A00;
	v3 =	vperm.xlane v3, v2  }
0x173: {  	[tilespmem:s16], [sflag:$0x1] =	stream.indirect_vreg.gather [hbm4b:s8+s6], $0x80, v4, vm0, $0xb8;
	[tilespmem:$0x18200] =	vst v63  }
0x174: {  	s12 =	simm.s32 $0x5200;
	v3 =	vadd.s32 v1, v3  }
0x175: {  	[tilespmem:s12], [sflag:$0x1] =	stream.indirect_vreg.gather [hbm4b:s9+s6], $0x80, v4, vm0, $0xb8;
	[tilespmem:$0x18200] =	vst v63  }
0x176: {  	s13 =	simm.s32 $0x5A00  }
0x177: {  	[tilespmem:s13], [sflag:$0x1] =	stream.indirect_vreg.gather [hbm4b:s10+s6], $0x80, v4, vm0, $0xb8;
	[tilespmem:$0x18200] =	vst v63  }
0x178: {  	s14 =	simm.s32 $0x6200  }
0x179: {  	[tilespmem:s14], [sflag:$0x1] =	stream.indirect_vreg.gather [hbm4b:s1+s6], $0x80, v3, vm0, $0xb8;
	[tilespmem:$0x18200] =	vst v63  }
0x17a: {  	s16 =	simm.s32 $0x6A00  }
0x17b: {  	[tilespmem:s16], [sflag:$0x1] =	stream.indirect_vreg.gather [hbm4b:s8+s6], $0x80, v3, vm0, $0xb8;
	[tilespmem:$0x18200] =	vst v63  }
0x17c: {  	s12 =	simm.s32 $0x7200;
	s14 =	simm.s32 $0x0  }
0x17d: {  	[tilespmem:s12], [sflag:$0x1] =	stream.indirect_vreg.gather [hbm4b:s9+s6], $0x80, v3, vm0, $0xb8;
	[tilespmem:$0x18200] =	vst v63  }
0x17e: {  	s13 =	simm.s32 $0x7A00;
	s7 =	sand.u32 $0x6000, s14  }
0x17f: {  	[tilespmem:s13], [sflag:$0x1] =	stream.indirect_vreg.gather [hbm4b:s10+s6], $0x80, v3, vm0, $0xb8;
	[tilespmem:$0x18200] =	vst v63  }
0x180: {  	s12 =	sand.u32 $0x1C00, s6;
	s13 =	simm.s32 $0x0;
	_ =	swait.ge [sflag:s23], $0x8000  }
0x181: {  	s7 =	sor.u32 s12, s7;
	s16 =	sand.u32 $0x380, s13;
	[sflag:s23] =	ssyncset.done $0x0  }
0x182: {  	s7 =	sor.u32 s16, s7;
	[sflag:s23] =	ssyncadd.s32 $0xFFFF8000  }
0x183: {  	v3 =	vld [tilespmem:s7+$0x10270]  }
0x184: {  	v8 =	vld [tilespmem:s7+$0x10200]  }
0x185: {  	v9 =	vld [tilespmem:s7+$0x10210]  }
0x186: {  	v7 =	vld [tilespmem:s7+$0x10220]  }
0x187: {  	v6 =	vld [tilespmem:s7+$0x10230]  }
0x188: {  	v5 =	vld [tilespmem:s7+$0x10240]  }
0x189: {  	v4 =	vld [tilespmem:s7+$0x10260]  }
0x18a: {  	[tilespmem:s7+$0x8270] =	vst.add.f32.msk $0xffff, v3  }
0x18b: {  	v3 =	vld [tilespmem:s7+$0x10250]  }
0x18c: {  	[tilespmem:s7+$0x8200] =	vst.add.f32.msk $0xffff, v8  }
0x18d: {  	s12 =	simm.s32 $0x0;
	[tilespmem:s7+$0x8210] =	vst.add.f32.msk $0xffff, v9  }
.LBB2_8:
0x18e: {  	s12 =	sadd.s32 $0x8, s12;
	[tilespmem:s7+$0x8220] =	vst.add.f32.msk $0xffff, v7  }
0x18f: {  	s6 =	sadd.s32 $0x400, s6;
	s13 =	sshll.u32 s12, $0x4;
	p0 =	slt.u32 s12, $0x7F8;
	[tilespmem:s7+$0x8230] =	vst.add.f32.msk $0xffff, v6  }
0x190: {  	s14 =	sand.u32 $0x1C00, s6;
	s16 =	sshll.u32 s12, $0x1;
	s13 =	sand.u32 $0x6000, s13;
	[tilespmem:s7+$0x8240] =	vst.add.f32.msk $0xffff, v5  }
0x191: {  	s13 =	sor.u32 s14, s13;
	s14 =	sand.u32 $0x380, s16;
	[tilespmem:s7+$0x8250] =	vst.add.f32.msk $0xffff, v3  }
0x192: {  	[tilespmem:s7+$0x8260] =	vst.add.f32.msk $0xffff, v4;
	s7 =	sor.u32 s14, s13  }
0x193: {  	v3 =	vld [tilespmem:s7+$0x10270]  }
0x194: {  	v8 =	vld [tilespmem:s7+$0x10200]  }
0x195: {  	v9 =	vld [tilespmem:s7+$0x10210]  }
0x196: {  	v7 =	vld [tilespmem:s7+$0x10220]  }
0x197: {  	v6 =	vld [tilespmem:s7+$0x10230]  }
0x198: {  	[tilespmem:s7+$0x8270] =	vst.add.f32.msk $0xffff, v3  }
.Ltmp3:
0x199: {  	v5 =	vld [tilespmem:s7+$0x10240];
	(pc) =	sbr.rel @p0 .LBB2_8-.Ltmp3, $4  }
0x19a: {  	v3 =	vld [tilespmem:s7+$0x10250]  }
0x19b: {  	v4 =	vld [tilespmem:s7+$0x10260]  }
0x19c: {  	[tilespmem:s7+$0x8200] =	vst.add.f32.msk $0xffff, v8  }
0x19d: {  	[tilespmem:s7+$0x8210] =	vst.add.f32.msk $0xffff, v9  }
0x19e: {  	[tilespmem:s7+$0x8220] =	vst.add.f32.msk $0xffff, v7  }
0x19f: {  	[tilespmem:s7+$0x8230] =	vst.add.f32.msk $0xffff, v6  }
0x1a0: {  	[tilespmem:s7+$0x8240] =	vst.add.f32.msk $0xffff, v5  }
0x1a1: {  	[tilespmem:s7+$0x8250] =	vst.add.f32.msk $0xffff, v3  }
0x1a2: {  	s6 =	simm.s32 $0x0;
	s14 =	rddreg [dreg:$0xd];
	s12 =	simm.s32 $0x10200;
	[tilespmem:s7+$0x8260] =	vst.add.f32.msk $0xffff, v4  }
0x1a3: {  	[tilespmem:s12], [sflag:$0x3] =	stream.linear.gather [hbm4b:s14+s6], $0x8000, $0x38;
	[tilespmem:$0x18200] =	vst v63  }
0x1a4: {  	s16 =	rddreg [dreg:$0xe]  }
0x1a5: {  	[hbm4b:s16+s6] =	stream.linear.scatter [tilespmem:s15], [sflag:$0x2], $0x8000, $0x38;
	[tilespmem:$0x18200] =	vst v63  }
0x1a6: {  	_ =	swait.ge [sflag:s24], $0x8000  }
0x1a7: {  	[sflag:s24] =	ssyncset.done $0x0  }
0x1a8: {  	[sflag:s24] =	ssyncadd.s32 $0xFFFF8000  }
0x1a9: {  	v3 =	vld [tilespmem:$0xA0];
	_ =	sdelay $0x4  }
0x1aa: {  	v4 =	vshll.u32 v3, $0x3  }
0x1ab: {  	v3 =	vand.u32 $0x7, v3;
	v4 =	vand.u32 $0xFFFFFFC0, v4  }
0x1ac: {  	v3 =	vor.u32 v3, v4  }
0x1ad: {  	v4 =	vperm.xlane v3, v0;
	_ =	sdelay $0x1  }
0x1ae: {  	v4 =	vadd.s32 v1, v4;
	_ =	sdelay $0x4  }
0x1af: {  	[tilespmem:s15], [sflag:$0x1] =	stream.indirect_vreg.gather [hbm4b:s1+s6], $0x80, v4, vm0, $0xb8;
	[tilespmem:$0x18200] =	vst v63  }
0x1b0: {  	s12 =	simm.s32 $0x8A00;
	v3 =	vperm.xlane v3, v2  }
0x1b1: {  	[tilespmem:s12], [sflag:$0x1] =	stream.indirect_vreg.gather [hbm4b:s8+s6], $0x80, v4, vm0, $0xb8;
	[tilespmem:$0x18200] =	vst v63  }
0x1b2: {  	v3 =	vadd.s32 v1, v3  }
0x1b3: {  	[tilespmem:s17], [sflag:$0x1] =	stream.indirect_vreg.gather [hbm4b:s9+s6], $0x80, v4, vm0, $0xb8;
	[tilespmem:$0x18200] =	vst v63  }
0x1b4: {  	_ = 	snop  }
0x1b5: {  	[tilespmem:s18], [sflag:$0x1] =	stream.indirect_vreg.gather [hbm4b:s10+s6], $0x80, v4, vm0, $0xb8;
	[tilespmem:$0x18200] =	vst v63  }
0x1b6: {  	_ = 	snop  }
0x1b7: {  	[tilespmem:s19], [sflag:$0x1] =	stream.indirect_vreg.gather [hbm4b:s1+s6], $0x80, v3, vm0, $0xb8;
	[tilespmem:$0x18200] =	vst v63  }
0x1b8: {  	_ = 	snop  }
0x1b9: {  	[tilespmem:s20], [sflag:$0x1] =	stream.indirect_vreg.gather [hbm4b:s8+s6], $0x80, v3, vm0, $0xb8;
	[tilespmem:$0x18200] =	vst v63  }
0x1ba: {  	_ = 	snop  }
0x1bb: {  	[tilespmem:s21], [sflag:$0x1] =	stream.indirect_vreg.gather [hbm4b:s9+s6], $0x80, v3, vm0, $0xb8;
	[tilespmem:$0x18200] =	vst v63  }
0x1bc: {  	_ = 	snop  }
0x1bd: {  	[tilespmem:s4], [sflag:$0x1] =	stream.indirect_vreg.gather [hbm4b:s10+s6], $0x80, v3, vm0, $0xb8;
	[tilespmem:$0x18200] =	vst v63  }
0x1be: {  	v3 =	vld [tilespmem:$0xB0];
	_ =	sdelay $0x4  }
0x1bf: {  	v4 =	vshll.u32 v3, $0x3  }
0x1c0: {  	v3 =	vand.u32 $0x7, v3;
	v4 =	vand.u32 $0xFFFFFFC0, v4  }
0x1c1: {  	v3 =	vor.u32 v3, v4  }
0x1c2: {  	v4 =	vperm.xlane v3, v0;
	_ =	sdelay $0x1  }
0x1c3: {  	v4 =	vadd.s32 v1, v4;
	_ =	sdelay $0x4  }
0x1c4: {  	[tilespmem:s11], [sflag:$0x1] =	stream.indirect_vreg.gather [hbm4b:s1+s6], $0x80, v4, vm0, $0xb8;
	[tilespmem:$0x18200] =	vst v63  }
0x1c5: {  	v3 =	vperm.xlane v3, v2  }
0x1c6: {  	[tilespmem:s28], [sflag:$0x1] =	stream.indirect_vreg.gather [hbm4b:s8+s6], $0x80, v4, vm0, $0xb8;
	[tilespmem:$0x18200] =	vst v63  }
0x1c7: {  	v3 =	vadd.s32 v1, v3  }
0x1c8: {  	[tilespmem:s29], [sflag:$0x1] =	stream.indirect_vreg.gather [hbm4b:s9+s6], $0x80, v4, vm0, $0xb8;
	[tilespmem:$0x18200] =	vst v63  }
0x1c9: {  	_ = 	snop  }
0x1ca: {  	[tilespmem:s30], [sflag:$0x1] =	stream.indirect_vreg.gather [hbm4b:s10+s6], $0x80, v4, vm0, $0xb8;
	[tilespmem:$0x18200] =	vst v63  }
0x1cb: {  	_ = 	snop  }
0x1cc: {  	[tilespmem:s31], [sflag:$0x1] =	stream.indirect_vreg.gather [hbm4b:s1+s6], $0x80, v3, vm0, $0xb8;
	[tilespmem:$0x18200] =	vst v63  }
0x1cd: {  	_ = 	snop  }
0x1ce: {  	[tilespmem:s2], [sflag:$0x1] =	stream.indirect_vreg.gather [hbm4b:s8+s6], $0x80, v3, vm0, $0xb8;
	[tilespmem:$0x18200] =	vst v63  }
0x1cf: {  	_ = 	snop  }
0x1d0: {  	[tilespmem:s0], [sflag:$0x1] =	stream.indirect_vreg.gather [hbm4b:s9+s6], $0x80, v3, vm0, $0xb8;
	[tilespmem:$0x18200] =	vst v63  }
0x1d1: {  	_ = 	snop  }
0x1d2: {  	[tilespmem:s22], [sflag:$0x1] =	stream.indirect_vreg.gather [hbm4b:s10+s6], $0x80, v3, vm0, $0xb8;
	[tilespmem:$0x18200] =	vst v63  }
0x1d3: {  	_ =	swait.ge [sflag:s23], $0x8000  }
0x1d4: {  	s13 =	simm.s32 $0x0;
	[sflag:s23] =	ssyncset.done $0x0  }
0x1d5: {  	s7 =	sand.u32 $0x6000, s13;
	[sflag:s23] =	ssyncadd.s32 $0xFFFF8000  }
0x1d6: {  	s13 =	simm.s32 $0x0;
	s14 =	sand.u32 $0x1C00, s6;
	_ =	swait.ge [sflag:s25], $0x8000  }
0x1d7: {  	s7 =	sor.u32 s14, s7;
	s16 =	sand.u32 $0x380, s13;
	[sflag:s25] =	ssyncset.done $0x0  }
0x1d8: {  	s7 =	sor.u32 s16, s7;
	[sflag:s25] =	ssyncadd.s32 $0xFFFF8000  }
0x1d9: {  	v3 =	vld [tilespmem:s7+$0x10270]  }
0x1da: {  	v8 =	vld [tilespmem:s7+$0x10200]  }
0x1db: {  	v9 =	vld [tilespmem:s7+$0x10210]  }
0x1dc: {  	v7 =	vld [tilespmem:s7+$0x10220]  }
0x1dd: {  	v6 =	vld [tilespmem:s7+$0x10230]  }
0x1de: {  	v5 =	vld [tilespmem:s7+$0x10240]  }
0x1df: {  	v4 =	vld [tilespmem:s7+$0x10260]  }
0x1e0: {  	[tilespmem:s7+$0x270] =	vst.add.f32.msk $0xffff, v3  }
0x1e1: {  	v3 =	vld [tilespmem:s7+$0x10250]  }
0x1e2: {  	[tilespmem:s7+$0x200] =	vst.add.f32.msk $0xffff, v8  }
0x1e3: {  	s12 =	simm.s32 $0x0;
	[tilespmem:s7+$0x210] =	vst.add.f32.msk $0xffff, v9  }
.LBB2_10:
0x1e4: {  	s12 =	sadd.s32 $0x8, s12;
	[tilespmem:s7+$0x220] =	vst.add.f32.msk $0xffff, v7  }
0x1e5: {  	s6 =	sadd.s32 $0x400, s6;
	s13 =	sshll.u32 s12, $0x4;
	p0 =	slt.u32 s12, $0x7F8;
	[tilespmem:s7+$0x230] =	vst.add.f32.msk $0xffff, v6  }
0x1e6: {  	s14 =	sand.u32 $0x1C00, s6;
	s16 =	sshll.u32 s12, $0x1;
	s13 =	sand.u32 $0x6000, s13;
	[tilespmem:s7+$0x240] =	vst.add.f32.msk $0xffff, v5  }
0x1e7: {  	s13 =	sor.u32 s14, s13;
	s14 =	sand.u32 $0x380, s16;
	[tilespmem:s7+$0x250] =	vst.add.f32.msk $0xffff, v3  }
0x1e8: {  	[tilespmem:s7+$0x260] =	vst.add.f32.msk $0xffff, v4;
	s7 =	sor.u32 s14, s13  }
0x1e9: {  	v3 =	vld [tilespmem:s7+$0x10270]  }
0x1ea: {  	v8 =	vld [tilespmem:s7+$0x10200]  }
0x1eb: {  	v9 =	vld [tilespmem:s7+$0x10210]  }
0x1ec: {  	v7 =	vld [tilespmem:s7+$0x10220]  }
0x1ed: {  	v6 =	vld [tilespmem:s7+$0x10230]  }
0x1ee: {  	[tilespmem:s7+$0x270] =	vst.add.f32.msk $0xffff, v3  }
.Ltmp4:
0x1ef: {  	v5 =	vld [tilespmem:s7+$0x10240];
	(pc) =	sbr.rel @p0 .LBB2_10-.Ltmp4, $4  }
0x1f0: {  	v3 =	vld [tilespmem:s7+$0x10250]  }
0x1f1: {  	v4 =	vld [tilespmem:s7+$0x10260]  }
0x1f2: {  	[tilespmem:s7+$0x200] =	vst.add.f32.msk $0xffff, v8  }
0x1f3: {  	[tilespmem:s7+$0x210] =	vst.add.f32.msk $0xffff, v9  }
0x1f4: {  	[tilespmem:s7+$0x220] =	vst.add.f32.msk $0xffff, v7  }
0x1f5: {  	[tilespmem:s7+$0x230] =	vst.add.f32.msk $0xffff, v6  }
0x1f6: {  	[tilespmem:s7+$0x240] =	vst.add.f32.msk $0xffff, v5  }
0x1f7: {  	[tilespmem:s7+$0x250] =	vst.add.f32.msk $0xffff, v3  }
0x1f8: {  	s6 =	simm.s32 $0x0;
	s14 =	rddreg [dreg:$0xf];
	[tilespmem:s7+$0x260] =	vst.add.f32.msk $0xffff, v4  }
0x1f9: {  	[hbm4b:s14+s6] =	stream.linear.scatter [tilespmem:s26], [sflag:$0x2], $0x8000, $0x38;
	[tilespmem:$0x18200] =	vst v63  }
0x1fa: {  	_ =	swait.ge [sflag:s24], $0x8000  }
0x1fb: {  	[sflag:s24] =	ssyncset.done $0x0  }
0x1fc: {  	[sflag:s24] =	ssyncadd.s32 $0xFFFF8000  }
0x1fd: {  	v3 =	vld [tilespmem:$0x120];
	_ =	sdelay $0x4  }
0x1fe: {  	v4 =	vshll.u32 v3, $0x3  }
0x1ff: {  	v3 =	vand.u32 $0x7, v3;
	v4 =	vand.u32 $0xFFFFFFC0, v4  }
0x200: {  	v3 =	vor.u32 v3, v4  }
0x201: {  	v4 =	vperm.xlane v3, v0;
	_ =	sdelay $0x1  }
0x202: {  	v4 =	vadd.s32 v1, v4;
	_ =	sdelay $0x4  }
0x203: {  	[tilespmem:s26], [sflag:$0x1] =	stream.indirect_vreg.gather [hbm4b:s1+s6], $0x80, v4, vm0, $0xb8;
	[tilespmem:$0x18200] =	vst v63  }
0x204: {  	s16 =	simm.s32 $0xA00;
	v3 =	vperm.xlane v3, v2  }
0x205: {  	[tilespmem:s16], [sflag:$0x1] =	stream.indirect_vreg.gather [hbm4b:s8+s6], $0x80, v4, vm0, $0xb8;
	[tilespmem:$0x18200] =	vst v63  }
0x206: {  	s12 =	simm.s32 $0x1200;
	v3 =	vadd.s32 v1, v3  }
0x207: {  	[tilespmem:s12], [sflag:$0x1] =	stream.indirect_vreg.gather [hbm4b:s9+s6], $0x80, v4, vm0, $0xb8;
	[tilespmem:$0x18200] =	vst v63  }
0x208: {  	s13 =	simm.s32 $0x1A00  }
0x209: {  	[tilespmem:s13], [sflag:$0x1] =	stream.indirect_vreg.gather [hbm4b:s10+s6], $0x80, v4, vm0, $0xb8;
	[tilespmem:$0x18200] =	vst v63  }
0x20a: {  	s14 =	simm.s32 $0x2200  }
0x20b: {  	[tilespmem:s14], [sflag:$0x1] =	stream.indirect_vreg.gather [hbm4b:s1+s6], $0x80, v3, vm0, $0xb8;
	[tilespmem:$0x18200] =	vst v63  }
0x20c: {  	s16 =	simm.s32 $0x2A00  }
0x20d: {  	[tilespmem:s16], [sflag:$0x1] =	stream.indirect_vreg.gather [hbm4b:s8+s6], $0x80, v3, vm0, $0xb8;
	[tilespmem:$0x18200] =	vst v63  }
0x20e: {  	s12 =	simm.s32 $0x3200  }
0x20f: {  	[tilespmem:s12], [sflag:$0x1] =	stream.indirect_vreg.gather [hbm4b:s9+s6], $0x80, v3, vm0, $0xb8;
	[tilespmem:$0x18200] =	vst v63  }
0x210: {  	s13 =	simm.s32 $0x3A00  }
0x211: {  	[tilespmem:s13], [sflag:$0x1] =	stream.indirect_vreg.gather [hbm4b:s10+s6], $0x80, v3, vm0, $0xb8;
	[tilespmem:$0x18200] =	vst v63  }
0x212: {  	v3 =	vld [tilespmem:$0x130];
	_ =	sdelay $0x4  }
0x213: {  	v4 =	vshll.u32 v3, $0x3  }
0x214: {  	v3 =	vand.u32 $0x7, v3;
	v4 =	vand.u32 $0xFFFFFFC0, v4  }
0x215: {  	v3 =	vor.u32 v3, v4  }
0x216: {  	v4 =	vperm.xlane v3, v0;
	_ =	sdelay $0x1  }
0x217: {  	v4 =	vadd.s32 v1, v4;
	_ =	sdelay $0x3  }
0x218: {  	s14 =	simm.s32 $0x4200  }
0x219: {  	[tilespmem:s14], [sflag:$0x1] =	stream.indirect_vreg.gather [hbm4b:s1+s6], $0x80, v4, vm0, $0xb8;
	[tilespmem:$0x18200] =	vst v63  }
0x21a: {  	s16 =	simm.s32 $0x4A00;
	v3 =	vperm.xlane v3, v2  }
0x21b: {  	[tilespmem:s16], [sflag:$0x1] =	stream.indirect_vreg.gather [hbm4b:s8+s6], $0x80, v4, vm0, $0xb8;
	[tilespmem:$0x18200] =	vst v63  }
0x21c: {  	s12 =	simm.s32 $0x5200;
	v3 =	vadd.s32 v1, v3  }
0x21d: {  	[tilespmem:s12], [sflag:$0x1] =	stream.indirect_vreg.gather [hbm4b:s9+s6], $0x80, v4, vm0, $0xb8;
	[tilespmem:$0x18200] =	vst v63  }
0x21e: {  	s13 =	simm.s32 $0x5A00  }
0x21f: {  	[tilespmem:s13], [sflag:$0x1] =	stream.indirect_vreg.gather [hbm4b:s10+s6], $0x80, v4, vm0, $0xb8;
	[tilespmem:$0x18200] =	vst v63  }
0x220: {  	s14 =	simm.s32 $0x6200  }
0x221: {  	[tilespmem:s14], [sflag:$0x1] =	stream.indirect_vreg.gather [hbm4b:s1+s6], $0x80, v3, vm0, $0xb8;
	[tilespmem:$0x18200] =	vst v63  }
0x222: {  	s16 =	simm.s32 $0x6A00  }
0x223: {  	[tilespmem:s16], [sflag:$0x1] =	stream.indirect_vreg.gather [hbm4b:s8+s6], $0x80, v3, vm0, $0xb8;
	[tilespmem:$0x18200] =	vst v63  }
0x224: {  	s12 =	simm.s32 $0x7200;
	s14 =	simm.s32 $0x0  }
0x225: {  	[tilespmem:s12], [sflag:$0x1] =	stream.indirect_vreg.gather [hbm4b:s9+s6], $0x80, v3, vm0, $0xb8;
	[tilespmem:$0x18200] =	vst v63  }
0x226: {  	s13 =	simm.s32 $0x7A00;
	s7 =	sand.u32 $0x6000, s14  }
0x227: {  	[tilespmem:s13], [sflag:$0x1] =	stream.indirect_vreg.gather [hbm4b:s10+s6], $0x80, v3, vm0, $0xb8;
	[tilespmem:$0x18200] =	vst v63  }
0x228: {  	s12 =	sand.u32 $0x1C00, s6;
	s13 =	simm.s32 $0x0;
	_ =	swait.ge [sflag:s23], $0x8000  }
0x229: {  	s7 =	sor.u32 s12, s7;
	s16 =	sand.u32 $0x380, s13;
	[sflag:s23] =	ssyncset.done $0x0  }
0x22a: {  	s7 =	sor.u32 s16, s7;
	[sflag:s23] =	ssyncadd.s32 $0xFFFF8000  }
0x22b: {  	v3 =	vld [tilespmem:s7+$0x10270]  }
0x22c: {  	v8 =	vld [tilespmem:s7+$0x10200]  }
0x22d: {  	v9 =	vld [tilespmem:s7+$0x10210]  }
0x22e: {  	v7 =	vld [tilespmem:s7+$0x10220]  }
0x22f: {  	v6 =	vld [tilespmem:s7+$0x10230]  }
0x230: {  	v5 =	vld [tilespmem:s7+$0x10240]  }
0x231: {  	v4 =	vld [tilespmem:s7+$0x10260]  }
0x232: {  	[tilespmem:s7+$0x8270] =	vst.add.f32.msk $0xffff, v3  }
0x233: {  	v3 =	vld [tilespmem:s7+$0x10250]  }
0x234: {  	[tilespmem:s7+$0x8200] =	vst.add.f32.msk $0xffff, v8  }
0x235: {  	s12 =	simm.s32 $0x0;
	[tilespmem:s7+$0x8210] =	vst.add.f32.msk $0xffff, v9  }
.LBB2_12:
0x236: {  	s12 =	sadd.s32 $0x8, s12;
	[tilespmem:s7+$0x8220] =	vst.add.f32.msk $0xffff, v7  }
0x237: {  	s6 =	sadd.s32 $0x400, s6;
	s13 =	sshll.u32 s12, $0x4;
	p0 =	slt.u32 s12, $0x7F8;
	[tilespmem:s7+$0x8230] =	vst.add.f32.msk $0xffff, v6  }
0x238: {  	s14 =	sand.u32 $0x1C00, s6;
	s16 =	sshll.u32 s12, $0x1;
	s13 =	sand.u32 $0x6000, s13;
	[tilespmem:s7+$0x8240] =	vst.add.f32.msk $0xffff, v5  }
0x239: {  	s13 =	sor.u32 s14, s13;
	s14 =	sand.u32 $0x380, s16;
	[tilespmem:s7+$0x8250] =	vst.add.f32.msk $0xffff, v3  }
0x23a: {  	[tilespmem:s7+$0x8260] =	vst.add.f32.msk $0xffff, v4;
	s7 =	sor.u32 s14, s13  }
0x23b: {  	v3 =	vld [tilespmem:s7+$0x10270]  }
0x23c: {  	v8 =	vld [tilespmem:s7+$0x10200]  }
0x23d: {  	v9 =	vld [tilespmem:s7+$0x10210]  }
0x23e: {  	v7 =	vld [tilespmem:s7+$0x10220]  }
0x23f: {  	v6 =	vld [tilespmem:s7+$0x10230]  }
0x240: {  	[tilespmem:s7+$0x8270] =	vst.add.f32.msk $0xffff, v3  }
.Ltmp5:
0x241: {  	v5 =	vld [tilespmem:s7+$0x10240];
	(pc) =	sbr.rel @p0 .LBB2_12-.Ltmp5, $4  }
0x242: {  	v3 =	vld [tilespmem:s7+$0x10250]  }
0x243: {  	v4 =	vld [tilespmem:s7+$0x10260]  }
0x244: {  	[tilespmem:s7+$0x8200] =	vst.add.f32.msk $0xffff, v8  }
0x245: {  	[tilespmem:s7+$0x8210] =	vst.add.f32.msk $0xffff, v9  }
0x246: {  	[tilespmem:s7+$0x8220] =	vst.add.f32.msk $0xffff, v7  }
0x247: {  	[tilespmem:s7+$0x8230] =	vst.add.f32.msk $0xffff, v6  }
0x248: {  	[tilespmem:s7+$0x8240] =	vst.add.f32.msk $0xffff, v5  }
0x249: {  	[tilespmem:s7+$0x8250] =	vst.add.f32.msk $0xffff, v3  }
0x24a: {  	s6 =	simm.s32 $0x0;
	s12 =	rddreg [dreg:$0x10];
	[tilespmem:s7+$0x8260] =	vst.add.f32.msk $0xffff, v4  }
0x24b: {  	[hbm4b:s12+s6] =	stream.linear.scatter [tilespmem:s15], [sflag:$0x2], $0x8000, $0x38;
	[tilespmem:$0x18200] =	vst v63  }
0x24c: {  	_ =	swait.ge [sflag:s24], $0x8000  }
0x24d: {  	[sflag:s24] =	ssyncset.done $0x0  }
0x24e: {  	[sflag:s24] =	ssyncadd.s32 $0xFFFF8000  }
0x24f: {  	v3 =	vld [tilespmem:$0x1A0];
	_ =	sdelay $0x4  }
0x250: {  	v4 =	vshll.u32 v3, $0x3  }
0x251: {  	v3 =	vand.u32 $0x7, v3;
	v4 =	vand.u32 $0xFFFFFFC0, v4  }
0x252: {  	v3 =	vor.u32 v3, v4  }
0x253: {  	v4 =	vperm.xlane v3, v0;
	_ =	sdelay $0x1  }
0x254: {  	v4 =	vadd.s32 v1, v4;
	_ =	sdelay $0x4  }
0x255: {  	[tilespmem:s15], [sflag:$0x1] =	stream.indirect_vreg.gather [hbm4b:s1+s6], $0x80, v4, vm0, $0xb8;
	[tilespmem:$0x18200] =	vst v63  }
0x256: {  	s13 =	simm.s32 $0x8A00;
	v3 =	vperm.xlane v3, v2  }
0x257: {  	[tilespmem:s13], [sflag:$0x1] =	stream.indirect_vreg.gather [hbm4b:s8+s6], $0x80, v4, vm0, $0xb8;
	[tilespmem:$0x18200] =	vst v63  }
0x258: {  	v3 =	vadd.s32 v1, v3  }
0x259: {  	[tilespmem:s17], [sflag:$0x1] =	stream.indirect_vreg.gather [hbm4b:s9+s6], $0x80, v4, vm0, $0xb8;
	[tilespmem:$0x18200] =	vst v63  }
0x25a: {  	_ = 	snop  }
0x25b: {  	[tilespmem:s18], [sflag:$0x1] =	stream.indirect_vreg.gather [hbm4b:s10+s6], $0x80, v4, vm0, $0xb8;
	[tilespmem:$0x18200] =	vst v63  }
0x25c: {  	_ = 	snop  }
0x25d: {  	[tilespmem:s19], [sflag:$0x1] =	stream.indirect_vreg.gather [hbm4b:s1+s6], $0x80, v3, vm0, $0xb8;
	[tilespmem:$0x18200] =	vst v63  }
0x25e: {  	_ = 	snop  }
0x25f: {  	[tilespmem:s20], [sflag:$0x1] =	stream.indirect_vreg.gather [hbm4b:s8+s6], $0x80, v3, vm0, $0xb8;
	[tilespmem:$0x18200] =	vst v63  }
0x260: {  	_ = 	snop  }
0x261: {  	[tilespmem:s21], [sflag:$0x1] =	stream.indirect_vreg.gather [hbm4b:s9+s6], $0x80, v3, vm0, $0xb8;
	[tilespmem:$0x18200] =	vst v63  }
0x262: {  	_ = 	snop  }
0x263: {  	[tilespmem:s4], [sflag:$0x1] =	stream.indirect_vreg.gather [hbm4b:s10+s6], $0x80, v3, vm0, $0xb8;
	[tilespmem:$0x18200] =	vst v63  }
0x264: {  	v3 =	vld [tilespmem:$0x1B0];
	_ =	sdelay $0x4  }
0x265: {  	v4 =	vshll.u32 v3, $0x3  }
0x266: {  	v3 =	vand.u32 $0x7, v3;
	v4 =	vand.u32 $0xFFFFFFC0, v4  }
0x267: {  	v3 =	vor.u32 v3, v4  }
0x268: {  	v4 =	vperm.xlane v3, v0;
	_ =	sdelay $0x1  }
0x269: {  	v4 =	vadd.s32 v1, v4;
	_ =	sdelay $0x4  }
0x26a: {  	[tilespmem:s11], [sflag:$0x1] =	stream.indirect_vreg.gather [hbm4b:s1+s6], $0x80, v4, vm0, $0xb8;
	[tilespmem:$0x18200] =	vst v63  }
0x26b: {  	v3 =	vperm.xlane v3, v2  }
0x26c: {  	[tilespmem:s28], [sflag:$0x1] =	stream.indirect_vreg.gather [hbm4b:s8+s6], $0x80, v4, vm0, $0xb8;
	[tilespmem:$0x18200] =	vst v63  }
0x26d: {  	v3 =	vadd.s32 v1, v3  }
0x26e: {  	[tilespmem:s29], [sflag:$0x1] =	stream.indirect_vreg.gather [hbm4b:s9+s6], $0x80, v4, vm0, $0xb8;
	[tilespmem:$0x18200] =	vst v63  }
0x26f: {  	_ = 	snop  }
0x270: {  	[tilespmem:s30], [sflag:$0x1] =	stream.indirect_vreg.gather [hbm4b:s10+s6], $0x80, v4, vm0, $0xb8;
	[tilespmem:$0x18200] =	vst v63  }
0x271: {  	_ = 	snop  }
0x272: {  	[tilespmem:s31], [sflag:$0x1] =	stream.indirect_vreg.gather [hbm4b:s1+s6], $0x80, v3, vm0, $0xb8;
	[tilespmem:$0x18200] =	vst v63  }
0x273: {  	_ = 	snop  }
0x274: {  	[tilespmem:s2], [sflag:$0x1] =	stream.indirect_vreg.gather [hbm4b:s8+s6], $0x80, v3, vm0, $0xb8;
	[tilespmem:$0x18200] =	vst v63  }
0x275: {  	s14 =	simm.s32 $0x0  }
0x276: {  	[tilespmem:s0], [sflag:$0x1] =	stream.indirect_vreg.gather [hbm4b:s9+s6], $0x80, v3, vm0, $0xb8;
	[tilespmem:$0x18200] =	vst v63  }
0x277: {  	s7 =	sand.u32 $0x6000, s14  }
0x278: {  	[tilespmem:s22], [sflag:$0x1] =	stream.indirect_vreg.gather [hbm4b:s10+s6], $0x80, v3, vm0, $0xb8;
	[tilespmem:$0x18200] =	vst v63  }
0x279: {  	s12 =	sand.u32 $0x1C00, s6;
	s13 =	simm.s32 $0x0;
	_ =	swait.ge [sflag:s23], $0x8000  }
0x27a: {  	s7 =	sor.u32 s12, s7;
	s16 =	sand.u32 $0x380, s13;
	[sflag:s23] =	ssyncset.done $0x0  }
0x27b: {  	s7 =	sor.u32 s16, s7;
	[sflag:s23] =	ssyncadd.s32 $0xFFFF8000  }
0x27c: {  	v3 =	vld [tilespmem:s7+$0x10270]  }
0x27d: {  	v8 =	vld [tilespmem:s7+$0x10200]  }
0x27e: {  	v9 =	vld [tilespmem:s7+$0x10210]  }
0x27f: {  	v7 =	vld [tilespmem:s7+$0x10220]  }
0x280: {  	v6 =	vld [tilespmem:s7+$0x10230]  }
0x281: {  	v5 =	vld [tilespmem:s7+$0x10240]  }
0x282: {  	v4 =	vld [tilespmem:s7+$0x10260]  }
0x283: {  	[tilespmem:s7+$0x270] =	vst.add.f32.msk $0xffff, v3  }
0x284: {  	v3 =	vld [tilespmem:s7+$0x10250]  }
0x285: {  	[tilespmem:s7+$0x200] =	vst.add.f32.msk $0xffff, v8  }
0x286: {  	s12 =	simm.s32 $0x0;
	[tilespmem:s7+$0x210] =	vst.add.f32.msk $0xffff, v9  }
.LBB2_14:
0x287: {  	s12 =	sadd.s32 $0x8, s12;
	[tilespmem:s7+$0x220] =	vst.add.f32.msk $0xffff, v7  }
0x288: {  	s6 =	sadd.s32 $0x400, s6;
	s13 =	sshll.u32 s12, $0x4;
	p0 =	slt.u32 s12, $0x7F8;
	[tilespmem:s7+$0x230] =	vst.add.f32.msk $0xffff, v6  }
0x289: {  	s14 =	sand.u32 $0x1C00, s6;
	s16 =	sshll.u32 s12, $0x1;
	s13 =	sand.u32 $0x6000, s13;
	[tilespmem:s7+$0x240] =	vst.add.f32.msk $0xffff, v5  }
0x28a: {  	s13 =	sor.u32 s14, s13;
	s14 =	sand.u32 $0x380, s16;
	[tilespmem:s7+$0x250] =	vst.add.f32.msk $0xffff, v3  }
0x28b: {  	[tilespmem:s7+$0x260] =	vst.add.f32.msk $0xffff, v4;
	s7 =	sor.u32 s14, s13  }
0x28c: {  	v3 =	vld [tilespmem:s7+$0x10270]  }
0x28d: {  	v8 =	vld [tilespmem:s7+$0x10200]  }
0x28e: {  	v9 =	vld [tilespmem:s7+$0x10210]  }
0x28f: {  	v7 =	vld [tilespmem:s7+$0x10220]  }
0x290: {  	v6 =	vld [tilespmem:s7+$0x10230]  }
0x291: {  	[tilespmem:s7+$0x270] =	vst.add.f32.msk $0xffff, v3  }
.Ltmp6:
0x292: {  	v5 =	vld [tilespmem:s7+$0x10240];
	(pc) =	sbr.rel @p0 .LBB2_14-.Ltmp6, $4  }
0x293: {  	v3 =	vld [tilespmem:s7+$0x10250]  }
0x294: {  	v4 =	vld [tilespmem:s7+$0x10260]  }
0x295: {  	[tilespmem:s7+$0x200] =	vst.add.f32.msk $0xffff, v8  }
0x296: {  	[tilespmem:s7+$0x210] =	vst.add.f32.msk $0xffff, v9  }
0x297: {  	[tilespmem:s7+$0x220] =	vst.add.f32.msk $0xffff, v7  }
0x298: {  	[tilespmem:s7+$0x230] =	vst.add.f32.msk $0xffff, v6  }
0x299: {  	[tilespmem:s7+$0x240] =	vst.add.f32.msk $0xffff, v5  }
0x29a: {  	s6 =	simm.s32 $0x0;
	[tilespmem:s7+$0x250] =	vst.add.f32.msk $0xffff, v3  }
0x29b: {  	s13 =	rddreg [dreg:$0x11];
	s14 =	simm.s32 $0x0;
	s12 =	sand.u32 $0x1C00, s6;
	[tilespmem:s7+$0x260] =	vst.add.f32.msk $0xffff, v4  }
0x29c: {  	[hbm4b:s13+s6] =	stream.linear.scatter [tilespmem:s26], [sflag:$0x2], $0x8000, $0x38;
	[tilespmem:$0x18200] =	vst v63  }
0x29d: {  	s7 =	sand.u32 $0x6000, s14;
	s13 =	simm.s32 $0x0;
	_ =	swait.ge [sflag:s23], $0x8000  }
0x29e: {  	s7 =	sor.u32 s12, s7;
	s16 =	sand.u32 $0x380, s13;
	[sflag:s23] =	ssyncset.done $0x0  }
0x29f: {  	s7 =	sor.u32 s16, s7;
	[sflag:s23] =	ssyncadd.s32 $0xFFFF8000  }
0x2a0: {  	v3 =	vld [tilespmem:s7+$0x10270]  }
0x2a1: {  	v8 =	vld [tilespmem:s7+$0x10200]  }
0x2a2: {  	v9 =	vld [tilespmem:s7+$0x10210]  }
0x2a3: {  	v7 =	vld [tilespmem:s7+$0x10220]  }
0x2a4: {  	v6 =	vld [tilespmem:s7+$0x10230]  }
0x2a5: {  	v5 =	vld [tilespmem:s7+$0x10240]  }
0x2a6: {  	v4 =	vld [tilespmem:s7+$0x10260]  }
0x2a7: {  	[tilespmem:s7+$0x8270] =	vst.add.f32.msk $0xffff, v3  }
0x2a8: {  	v3 =	vld [tilespmem:s7+$0x10250]  }
0x2a9: {  	[tilespmem:s7+$0x8200] =	vst.add.f32.msk $0xffff, v8  }
0x2aa: {  	s12 =	simm.s32 $0x0;
	[tilespmem:s7+$0x8210] =	vst.add.f32.msk $0xffff, v9  }
.LBB2_16:
0x2ab: {  	s12 =	sadd.s32 $0x8, s12;
	[tilespmem:s7+$0x8220] =	vst.add.f32.msk $0xffff, v7  }
0x2ac: {  	s6 =	sadd.s32 $0x400, s6;
	s13 =	sshll.u32 s12, $0x4;
	p0 =	slt.u32 s12, $0x7F8;
	[tilespmem:s7+$0x8230] =	vst.add.f32.msk $0xffff, v6  }
0x2ad: {  	s14 =	sand.u32 $0x1C00, s6;
	s16 =	sshll.u32 s12, $0x1;
	s13 =	sand.u32 $0x6000, s13;
	[tilespmem:s7+$0x8240] =	vst.add.f32.msk $0xffff, v5  }
0x2ae: {  	s13 =	sor.u32 s14, s13;
	s14 =	sand.u32 $0x380, s16;
	[tilespmem:s7+$0x8250] =	vst.add.f32.msk $0xffff, v3  }
0x2af: {  	[tilespmem:s7+$0x8260] =	vst.add.f32.msk $0xffff, v4;
	s7 =	sor.u32 s14, s13  }
0x2b0: {  	v3 =	vld [tilespmem:s7+$0x10270]  }
0x2b1: {  	v8 =	vld [tilespmem:s7+$0x10200]  }
0x2b2: {  	v9 =	vld [tilespmem:s7+$0x10210]  }
0x2b3: {  	v7 =	vld [tilespmem:s7+$0x10220]  }
0x2b4: {  	v6 =	vld [tilespmem:s7+$0x10230]  }
0x2b5: {  	[tilespmem:s7+$0x8270] =	vst.add.f32.msk $0xffff, v3  }
.Ltmp7:
0x2b6: {  	v5 =	vld [tilespmem:s7+$0x10240];
	(pc) =	sbr.rel @p0 .LBB2_16-.Ltmp7, $4  }
0x2b7: {  	v3 =	vld [tilespmem:s7+$0x10250]  }
0x2b8: {  	v4 =	vld [tilespmem:s7+$0x10260]  }
0x2b9: {  	[tilespmem:s7+$0x8200] =	vst.add.f32.msk $0xffff, v8  }
0x2ba: {  	[tilespmem:s7+$0x8210] =	vst.add.f32.msk $0xffff, v9  }
0x2bb: {  	[tilespmem:s7+$0x8220] =	vst.add.f32.msk $0xffff, v7  }
0x2bc: {  	[tilespmem:s7+$0x8230] =	vst.add.f32.msk $0xffff, v6  }
0x2bd: {  	[tilespmem:s7+$0x8240] =	vst.add.f32.msk $0xffff, v5  }
0x2be: {  	[tilespmem:s7+$0x8250] =	vst.add.f32.msk $0xffff, v3  }
0x2bf: {  	s6 =	rddreg [dreg:$0x12];
	[tilespmem:s7+$0x8260] =	vst.add.f32.msk $0xffff, v4  }
0x2c0: {  	[hbm4b:s6+s3] =	stream.linear.scatter [tilespmem:s15], [sflag:$0x2], $0x8000, $0x38;
	[tilespmem:$0x18200] =	vst v63  }
0x2c1: {  	_ =	swait.ge [sflag:s24], $0x8000  }
0x2c2: {  	[sflag:s24] =	ssyncset.done $0x0  }
0x2c3: {  	[sflag:s24] =	ssyncadd.s32 $0xFFFF8000  }
0x2c4: {  	_ =	swait.ge [sflag:s24], $0x8000  }
0x2c5: {  	s5 =	sadd.s32 $0x1, s5;
	s16 =	rddreg [dreg:$0x13]  }
0x2c6: {  	p0 =	sne.s32 s5, s16  }
.Ltmp8:
0x2c7: {  	_ = 	snop;
	(pc) =	sbr.rel @p0 .LBB2_1-.Ltmp8, $3  }
0x2c8: {  	_ =	sdelay $0x1  }
0x2c9: {  	[sflag:s24] =	ssyncset.done $0x0  }
0x2ca: {  	[sflag:s24] =	ssyncadd.s32 $0xFFFF8000  }
0x2cb: {  	_ =	sfence.sel $0x180000  }
0x2cc: {  	[bflag:$0x0] =	sbarrier.arrive $0xFFFF  }
0x2cd: {  	_ =	strace $0x90000047  }
0x2ce: {  	s0 =	stileid.u32;
	[bflag:$0x2] =	sbarrier.arrive $0xFFFF  }
0x2cf: {  	p0 =	sne.s32 s0, $0x0;
	s0 =	rddreg [dreg:$0x4]  }
0x2d0: {  	s0 =	sadd.s32 @!p0 $0x100000, s0  }
0x2d1: {  	[sflag:s0] =	ssyncadd.tile.s32 @!p0 $0x1;
	_ =	shalt  }
.Lfunc_end2:
_tile_overlayer_lowered:
.L_overlay_start_2:
0x2d2: {  	(tag) =	ssettag $0x2  }
0x2d3: {  	s0 =	rddreg [dreg:$0x0];
	s2 =	stileid.u32  }
0x2d4: {  	s1 =	rddreg [dreg:$0x1];
	p0 =	sne.s32 s2, $0x0  }
0x2d5: {  	s3 =	rddreg [dreg:$0x2];
	[bflag:$0x3] =	sbarrier.arrive $0xFFFF;
	s2 =	simm.s32 @!p0 $0x1C04  }
0x2d6: {  	[timem:s3], [sflag:s2] =	dma.local @!p0 [hbm:s0], s1  }
0x2d7: {  	s0 =	simm.s32 @!p0 $0x4  }
0x2d8: {  	_ =	swait.ge @!p0 [sflag:s0], s1  }
0x2d9: {  	s1 =	ssub.s32 @!p0 $0x0, s1;
	[sflag:s0] =	ssyncset.done @!p0 $0x0  }
0x2da: {  	[sflag:s0] =	ssyncadd.s32 @!p0 s1  }
0x2db: {  	[bflag:$0x3] =	sbarrier.arrive $0xFFFF  }
0x2dc: {  	_ =	shalt  }

</sc_bundles>
